<compile_context>
chip_gen: v7x
topology: tpu7x:2x2x1
jax: 0.10.2.dev20260603
libtpu: 0.0.44.dev20260713+nightly
codegen_flags: <defaults>
</compile_context>

<pallas_src>
import jax
import jax.numpy as jnp
from jax import lax
from jax.experimental import pallas as pl
from jax.experimental.pallas import tpu as pltpu
from jax.experimental.pallas import tpu_sc as plsc

V = 100000
EMB = 200
H = 512
L = 3
B = 64
S = 20
G = 4 * H
D2 = 2 * EMB

_NC = 2
_NS = 16
_NW = _NC * _NS
_BPW = (S * B) // _NW


def _gather_body(table_hbm, idx_hbm, out_hbm, idx_v, rows_v, sem):
    wid = lax.axis_index("s") * _NC + lax.axis_index("c")
    base = wid * _BPW
    pltpu.sync_copy(idx_hbm.at[pl.ds(base, _BPW)], idx_v)
    pltpu.async_copy(table_hbm.at[idx_v], rows_v, sem).wait()
    pltpu.sync_copy(rows_v, out_hbm.at[pl.ds(base, _BPW)])


def _gather_call(table2, idx2):
    mesh = plsc.VectorSubcoreMesh(core_axis_name="c", subcore_axis_name="s")
    f = pl.kernel(
        _gather_body,
        out_type=jax.ShapeDtypeStruct((S * B, D2), jnp.float32),
        mesh=mesh,
        scratch_types=[pltpu.VMEM((_BPW,), jnp.int32),
                       pltpu.VMEM((_BPW, D2), jnp.float32),
                       pltpu.SemaphoreType.DMA],
        compiler_params=pltpu.CompilerParams(use_tc_tiling_on_sc=False))
    return f(table2, idx2)


def _lstm_body(emb2, par, fcwt2, fcb, wih0, whh0, b0, wih1, whh1, b1,
               wih2, whh2, b2, hn, cn, xbuf, gbuf):
    col = lax.broadcasted_iota(jnp.int32, (S * B, D2), 1)
    keep = (col >= EMB) == (par[:] > 0.5)
    xz = emb2[:] * keep.astype(jnp.float32)
    xbuf[:] = jnp.dot(xz, fcwt2[:],
                      preferred_element_type=jnp.float32) + fcb[:]
    layers = ((wih0, whh0, b0), (wih1, whh1, b1), (wih2, whh2, b2))
    for l, (wih, whh, bias) in enumerate(layers):
        gbuf[:] = jnp.dot(xbuf[:], wih[:],
                          preferred_element_type=jnp.float32) + bias[:]
        z = jnp.zeros((B, H), jnp.float32)
        h, c = z, z
        for t in range(S):
            g = gbuf[t * B:(t + 1) * B, :] + jnp.dot(
                h.astype(jnp.bfloat16), whh[:],
                preferred_element_type=jnp.float32)
            i = jax.nn.sigmoid(g[:, 0:H])
            f = jax.nn.sigmoid(g[:, H:2 * H])
            gg = jnp.tanh(g[:, 2 * H:3 * H])
            o = jax.nn.sigmoid(g[:, 3 * H:4 * H])
            c = f * c + i * gg
            h = o * jnp.tanh(c)
            if l < L - 1:
                xbuf[t * B:(t + 1) * B, :] = h
        hn[l] = h
        cn[l] = c


def _lstm_call(emb2, par, fcwt2, fcb, layer_args, interpret=False):
    return pl.pallas_call(
        _lstm_body,
        out_shape=(jax.ShapeDtypeStruct((L, B, H), jnp.float32),
                   jax.ShapeDtypeStruct((L, B, H), jnp.float32)),
        scratch_shapes=[pltpu.VMEM((S * B, H), jnp.float32),
                        pltpu.VMEM((S * B, G), jnp.float32)],
        interpret=interpret,
    )(emb2, par, fcwt2, fcb, *layer_args)


def kernel(x_input, embedding, fc_W, fc_b,
           W_ih_0, W_hh_0, b_ih_0, b_hh_0,
           W_ih_1, W_hh_1, b_ih_1, b_hh_1,
           W_ih_2, W_hh_2, b_ih_2, b_hh_2):
    idx = x_input.T.reshape(-1).astype(jnp.int32)
    idx2 = idx // 2
    par = (idx % 2).astype(jnp.float32).reshape(S * B, 1)
    table2 = embedding.reshape(V // 2, D2)
    emb2 = _gather_call(table2, idx2)
    fcwt2 = jnp.concatenate([fc_W.T, fc_W.T], axis=0)
    fcb = fc_b.reshape(1, H)
    layer_args = []
    for (Wi, Wh, bi, bh) in ((W_ih_0, W_hh_0, b_ih_0, b_hh_0),
                             (W_ih_1, W_hh_1, b_ih_1, b_hh_1),
                             (W_ih_2, W_hh_2, b_ih_2, b_hh_2)):
        layer_args += [Wi.T, Wh.T.astype(jnp.bfloat16), (bi + bh).reshape(1, G)]
    h_n, c_n = _lstm_call(emb2, par, fcwt2, fcb, layer_args)
    return (h_n, c_n)

# --- scband reference (transcript-rebuilt; emitter-appended) ---
"""Pipeline reference for scband-lstmencoder-34617436406458 (READ-ONLY COPY).

The authoritative reference and input builder live on the scoring server;
editing this copy changes nothing except your own understanding.
"""

import jax, jax.numpy as jnp
import numpy as np

V = 100000
EMB = 200
H = 512
L = 3
B = 64
S = 20


def setup_inputs(seed: int = 0):
    key = jax.random.key(seed)
    ks = jax.random.split(key, 3 + 4 * L)
    inp = {}
    inp["x_input"] = jax.random.randint(ks[0], (B, S), 0, V, dtype=jnp.int32)
    inp["embedding"] = jax.random.normal(ks[1], (V, EMB), dtype=jnp.float32) * 0.02
    inp["fc_W"] = jax.random.normal(ks[2], (H, EMB), dtype=jnp.float32) * (1.0 / np.sqrt(EMB))
    inp["fc_b"] = jnp.zeros((H,), dtype=jnp.float32)
    sc = 1.0 / np.sqrt(H)
    for l in range(L):
        inp["W_ih_%d" % l] = jax.random.normal(ks[3 + 4 * l], (4 * H, H), dtype=jnp.float32) * sc
        inp["W_hh_%d" % l] = jax.random.normal(ks[4 + 4 * l], (4 * H, H), dtype=jnp.float32) * sc
        inp["b_ih_%d" % l] = jnp.zeros((4 * H,), dtype=jnp.float32)
        inp["b_hh_%d" % l] = jnp.zeros((4 * H,), dtype=jnp.float32)
    return inp


def _lstm_layer(x, W_ih, W_hh, b_ih, b_hh):
    Bb = x.shape[0]
    Hh = W_hh.shape[1]

    def step(carry, xt):
        h, c = carry
        gates = xt @ W_ih.T + h @ W_hh.T + b_ih + b_hh
        i, f, g, o = jnp.split(gates, 4, axis=-1)
        i = jax.nn.sigmoid(i)
        f = jax.nn.sigmoid(f)
        g = jnp.tanh(g)
        o = jax.nn.sigmoid(o)
        c_new = f * c + i * g
        h_new = o * jnp.tanh(c_new)
        return (h_new, c_new), h_new

    h0 = jnp.zeros((Bb, Hh), dtype=x.dtype)
    c0 = jnp.zeros((Bb, Hh), dtype=x.dtype)
    (hT, cT), hs = jax.lax.scan(step, (h0, c0), jnp.swapaxes(x, 0, 1))
    return jnp.swapaxes(hs, 0, 1), hT, cT


def reference(x_input, embedding, fc_W, fc_b, W_ih_0, W_hh_0, b_ih_0, b_hh_0, W_ih_1, W_hh_1, b_ih_1, b_hh_1, W_ih_2, W_hh_2, b_ih_2, b_hh_2):
    # embedding lookup (gather)
    out = jnp.take(embedding, x_input, axis=0)
    # input_fc
    out = out @ fc_W.T + fc_b
    # stacked LSTM (eval mode: inter-layer dropout is a no-op)
    layer_params = [
        (W_ih_0, W_hh_0, b_ih_0, b_hh_0),
        (W_ih_1, W_hh_1, b_ih_1, b_hh_1),
        (W_ih_2, W_hh_2, b_ih_2, b_hh_2),
    ]
    h_list = []
    c_list = []
    x = out
    for (Wi, Wh, bi, bh) in layer_params:
        x, hT, cT = _lstm_layer(x, Wi, Wh, bi, bh)
        h_list.append(hT)
        c_list.append(cT)
    h_n = jnp.stack(h_list, axis=0)
    c_n = jnp.stack(c_list, axis=0)
    return (h_n, c_n)

if __name__ == "__main__":
    import jax
    _d = setup_inputs()
    print(jax.jit(kernel)(*tuple(_d.values())))

</pallas_src>

<mosaic_0001>
#map = affine_map<(d0, d1) -> (0, 0)>
#map1 = affine_map<(d0, d1) -> (0)>
module attributes {stable_mosaic.version = 14 : i64} {
  func.func @_gather_body(%arg0: i32, %arg1: i32, %arg2: memref<50000x400xf32, #tpu.memory_space<hbm>>, %arg3: memref<1280xi32, #tpu.memory_space<hbm>>, %arg4: memref<1280x400xf32, #tpu.memory_space<hbm>>, %arg5: memref<40xi32, #tpu.memory_space<vmem>>, %arg6: memref<40x400xf32, #tpu.memory_space<vmem>>, %arg7: memref<!tpu.dma_semaphore, #tpu.memory_space<semaphore_mem>>) attributes {dimension_semantics = [#tpu.dimension_semantics<core_parallel>, #tpu.dimension_semantics<subcore_parallel>], iteration_bounds = array<i64: 2, 16>, scalar_prefetch = 0 : i64, scratch_operands = 3 : i64, tpu.core_type = #tpu.core_type<sc_vector_subcore>, window_params = [{transform_indices = #map}, {transform_indices = #map1}, {transform_indices = #map}]} {
    %mul3A = arith.constant 2 : i32
    %mul3A_0 = arith.muli %arg1, %mul3A : i32
    %add3A = arith.addi %mul3A_0, %arg0 : i32
    %mul3A_1 = arith.constant 40 : i32
    %mul3A_2 = arith.muli %add3A, %mul3A_1 : i32
    "tpu.region"() ({
      %run_scoped3A = tpu.sem_alloc : memref<!tpu.dma_semaphore, #tpu.memory_space<semaphore_mem>>
      %dma_start3A_7 = tpu.memref_slice %arg3[%mul3A_2] : memref<1280xi32, #tpu.memory_space<hbm>> -> memref<40xi32, #tpu.memory_space<hbm>>
      %dma_start3A_8 = tpu.memref_slice %arg3[%mul3A_2] : memref<1280xi32, #tpu.memory_space<hbm>> -> memref<40xi32, #tpu.memory_space<hbm>>
      tpu.enqueue_dma source(%dma_start3A_8 : memref<40xi32, #tpu.memory_space<hbm>>) target(%arg5 : memref<40xi32, #tpu.memory_space<vmem>>) target_semaphore(%run_scoped3A : memref<!tpu.dma_semaphore, #tpu.memory_space<semaphore_mem>>)
      %dma_wait3A_9 = tpu.memref_slice %arg3[%mul3A_2] : memref<1280xi32, #tpu.memory_space<hbm>> -> memref<40xi32, #tpu.memory_space<hbm>>
      %dma_wait3A_10 = tpu.memref_slice %arg3[%mul3A_2] : memref<1280xi32, #tpu.memory_space<hbm>> -> memref<40xi32, #tpu.memory_space<hbm>>
      tpu.wait_dma2 semaphore(%run_scoped3A : memref<!tpu.dma_semaphore, #tpu.memory_space<semaphore_mem>>) src(%dma_wait3A_10 : memref<40xi32, #tpu.memory_space<hbm>>) dst(%arg5 : memref<40xi32, #tpu.memory_space<vmem>>)
      tpu.yield
    }) : () -> ()
    %dma_start3A = arith.constant 0 : i32
    %dma_start3A_3 = arith.constant 0 : i32
    %dma_start3A_4 = tpu.memref_slice %arg2[%dma_start3A, %dma_start3A_3] : memref<50000x400xf32, #tpu.memory_space<hbm>> -> memref<50000x400xf32, #tpu.memory_space<hbm>>
    tpu.enqueue_indirect_dma source(%dma_start3A_4 : memref<50000x400xf32, #tpu.memory_space<hbm>>) target(%arg6 : memref<40x400xf32, #tpu.memory_space<vmem>>) offsets(%arg5 : memref<40xi32, #tpu.memory_space<vmem>>) semaphore(%arg7 : memref<!tpu.dma_semaphore, #tpu.memory_space<semaphore_mem>>)
    %dma_wait3A = arith.constant 0 : i32
    %dma_wait3A_5 = arith.constant 0 : i32
    %dma_wait3A_6 = tpu.memref_slice %arg2[%dma_wait3A, %dma_wait3A_5] : memref<50000x400xf32, #tpu.memory_space<hbm>> -> memref<50000x400xf32, #tpu.memory_space<hbm>>
    tpu.wait_indirect_dma semaphore(%arg7 : memref<!tpu.dma_semaphore, #tpu.memory_space<semaphore_mem>>) src(%dma_wait3A_6 : memref<50000x400xf32, #tpu.memory_space<hbm>>) dst(%arg6 : memref<40x400xf32, #tpu.memory_space<vmem>>)
    "tpu.region"() ({
      %run_scoped3A = tpu.sem_alloc : memref<!tpu.dma_semaphore, #tpu.memory_space<semaphore_mem>>
      %dma_start3A_7 = arith.constant 0 : i32
      %dma_start3A_8 = tpu.memref_slice %arg4[%mul3A_2, %dma_start3A_7] : memref<1280x400xf32, #tpu.memory_space<hbm>> -> memref<40x400xf32, #tpu.memory_space<hbm>>
      %dma_start3A_9 = arith.constant 0 : i32
      %dma_start3A_10 = tpu.memref_slice %arg4[%mul3A_2, %dma_start3A_9] : memref<1280x400xf32, #tpu.memory_space<hbm>> -> memref<40x400xf32, #tpu.memory_space<hbm>>
      tpu.enqueue_dma source(%arg6 : memref<40x400xf32, #tpu.memory_space<vmem>>) target(%dma_start3A_10 : memref<40x400xf32, #tpu.memory_space<hbm>>) target_semaphore(%run_scoped3A : memref<!tpu.dma_semaphore, #tpu.memory_space<semaphore_mem>>)
      %dma_wait3A_11 = arith.constant 0 : i32
      %dma_wait3A_12 = tpu.memref_slice %arg4[%mul3A_2, %dma_wait3A_11] : memref<1280x400xf32, #tpu.memory_space<hbm>> -> memref<40x400xf32, #tpu.memory_space<hbm>>
      %dma_wait3A_13 = arith.constant 0 : i32
      %dma_wait3A_14 = tpu.memref_slice %arg4[%mul3A_2, %dma_wait3A_13] : memref<1280x400xf32, #tpu.memory_space<hbm>> -> memref<40x400xf32, #tpu.memory_space<hbm>>
      tpu.wait_dma2 semaphore(%run_scoped3A : memref<!tpu.dma_semaphore, #tpu.memory_space<semaphore_mem>>) src(%arg6 : memref<40x400xf32, #tpu.memory_space<vmem>>) dst(%dma_wait3A_14 : memref<40x400xf32, #tpu.memory_space<hbm>>)
      tpu.yield
    }) : () -> ()
    return
  }
}

module attributes {stable_mosaic.version = 14 : i64} {
  func.func @_lstm_body(%arg0: memref<1280x400xf32, #tpu.memory_space<vmem>>, %arg1: memref<1280x1xf32, #tpu.memory_space<vmem>>, %arg2: memref<400x512xf32, #tpu.memory_space<vmem>>, %arg3: memref<1x512xf32, #tpu.memory_space<vmem>>, %arg4: memref<512x2048xf32, #tpu.memory_space<vmem>>, %arg5: memref<512x2048xbf16, #tpu.memory_space<vmem>>, %arg6: memref<1x2048xf32, #tpu.memory_space<vmem>>, %arg7: memref<512x2048xf32, #tpu.memory_space<vmem>>, %arg8: memref<512x2048xbf16, #tpu.memory_space<vmem>>, %arg9: memref<1x2048xf32, #tpu.memory_space<vmem>>, %arg10: memref<512x2048xf32, #tpu.memory_space<vmem>>, %arg11: memref<512x2048xbf16, #tpu.memory_space<vmem>>, %arg12: memref<1x2048xf32, #tpu.memory_space<vmem>>, %arg13: memref<3x64x512xf32, #tpu.memory_space<vmem>>, %arg14: memref<3x64x512xf32, #tpu.memory_space<vmem>>, %arg15: memref<1280x512xf32, #tpu.memory_space<vmem>>, %arg16: memref<1280x2048xf32, #tpu.memory_space<vmem>>) attributes {dimension_semantics = [], scalar_prefetch = 0 : i64, scratch_operands = 2 : i64, tpu.core_type = #tpu.core_type<tc>} {
    %iota3A = tpu.iota {dimensions = array<i32: 1>} : vector<1280x400xi32>
    %ge3A = arith.constant 200 : i32
    %ge3A_0 = vector.broadcast %ge3A : i32 to vector<1280x400xi32>
    %ge3A_1 = arith.cmpi sge, %iota3A, %ge3A_0 : vector<1280x400xi32>
    %get3A = arith.constant 0 : index
    %get3A_2 = arith.constant 0 : index
    %get3A_3 = vector.load %arg1[%get3A, %get3A_2] : memref<1280x1xf32, #tpu.memory_space<vmem>>, vector<1280x1xf32>
    %gt3A = arith.constant 5.000000e-01 : f32
    %gt3A_4 = vector.broadcast %gt3A : f32 to vector<1280x1xf32>
    %gt3A_5 = arith.cmpf ogt, %get3A_3, %gt3A_4 : vector<1280x1xf32>
    %eq3A = vector.broadcast %gt3A_5 : vector<1280x1xi1> to vector<1280x400xi1>
    %eq3A_6 = vector.broadcast %eq3A : vector<1280x400xi1> to vector<1280x400xi1>
    %eq3A_7 = arith.xori %ge3A_1, %eq3A_6 : vector<1280x400xi1>
    %eq3A_8 = arith.constant dense<true> : vector<1280x400xi1>
    %eq3A_9 = arith.xori %eq3A_7, %eq3A_8 : vector<1280x400xi1>
    %get3A_10 = arith.constant 0 : index
    %get3A_11 = arith.constant 0 : index
    %get3A_12 = vector.load %arg0[%get3A_10, %get3A_11] : memref<1280x400xf32, #tpu.memory_space<vmem>>, vector<1280x400xf32>
    %convert_element_type3A = arith.extui %eq3A_9 : vector<1280x400xi1> to vector<1280x400xi32>
    %convert_element_type3A_13 = arith.sitofp %convert_element_type3A : vector<1280x400xi32> to vector<1280x400xf32>
    %mul3A = arith.mulf %get3A_12, %convert_element_type3A_13 : vector<1280x400xf32>
    %get3A_14 = arith.constant 0 : index
    %get3A_15 = arith.constant 0 : index
    %get3A_16 = vector.load %arg2[%get3A_14, %get3A_15] : memref<400x512xf32, #tpu.memory_space<vmem>>, vector<400x512xf32>
    %dot_general3A = arith.constant dense<0.000000e+00> : vector<1280x512xf32>
    %dot_general3A_17 = tpu.matmul %mul3A, %get3A_16, %dot_general3A {dimension_numbers = #tpu.dot_dimension_numbers<[1], [0], [0], [1], [0, 0, 1, 1], [], []>, transpose_lhs_hint = false} : vector<1280x400xf32>, vector<400x512xf32>, vector<1280x512xf32> -> vector<1280x512xf32>
    %get3A_18 = arith.constant 0 : index
    %get3A_19 = arith.constant 0 : index
    %get3A_20 = vector.load %arg3[%get3A_18, %get3A_19] : memref<1x512xf32, #tpu.memory_space<vmem>>, vector<1x512xf32>
    %add3A = vector.broadcast %get3A_20 : vector<1x512xf32> to vector<1280x512xf32>
    %add3A_21 = arith.addf %dot_general3A_17, %add3A : vector<1280x512xf32>
    %swap3A = arith.constant 0 : index
    %swap3A_22 = arith.constant 0 : index
    %swap3A_23 = vector.load %arg15[%swap3A, %swap3A_22] : memref<1280x512xf32, #tpu.memory_space<vmem>>, vector<1280x512xf32>
    tpu.vector_store %arg15[%swap3A, %swap3A_22], %add3A_21 {strides = array<i32>} : memref<1280x512xf32, #tpu.memory_space<vmem>>, vector<1280x512xf32>,
    %get3A_24 = arith.constant 0 : index
    %get3A_25 = arith.constant 0 : index
    %get3A_26 = vector.load %arg15[%get3A_24, %get3A_25] : memref<1280x512xf32, #tpu.memory_space<vmem>>, vector<1280x512xf32>
    %get3A_27 = arith.constant 0 : index
    %get3A_28 = arith.constant 0 : index
    %get3A_29 = vector.load %arg4[%get3A_27, %get3A_28] : memref<512x2048xf32, #tpu.memory_space<vmem>>, vector<512x2048xf32>
    %dot_general3A_30 = arith.constant dense<0.000000e+00> : vector<1280x2048xf32>
    %dot_general3A_31 = tpu.matmul %get3A_26, %get3A_29, %dot_general3A_30 {dimension_numbers = #tpu.dot_dimension_numbers<[1], [0], [0], [1], [0, 0, 1, 1], [], []>, transpose_lhs_hint = false} : vector<1280x512xf32>, vector<512x2048xf32>, vector<1280x2048xf32> -> vector<1280x2048xf32>
    %get3A_32 = arith.constant 0 : index
    %get3A_33 = arith.constant 0 : index
    %get3A_34 = vector.load %arg6[%get3A_32, %get3A_33] : memref<1x2048xf32, #tpu.memory_space<vmem>>, vector<1x2048xf32>
    %add3A_35 = vector.broadcast %get3A_34 : vector<1x2048xf32> to vector<1280x2048xf32>
    %add3A_36 = arith.addf %dot_general3A_31, %add3A_35 : vector<1280x2048xf32>
    %swap3A_37 = arith.constant 0 : index
    %swap3A_38 = arith.constant 0 : index
    %swap3A_39 = vector.load %arg16[%swap3A_37, %swap3A_38] : memref<1280x2048xf32, #tpu.memory_space<vmem>>, vector<1280x2048xf32>
    tpu.vector_store %arg16[%swap3A_37, %swap3A_38], %add3A_36 {strides = array<i32>} : memref<1280x2048xf32, #tpu.memory_space<vmem>>, vector<1280x2048xf32>,
    %broadcast_in_dim3A = arith.constant 0.000000e+00 : f32
    %broadcast_in_dim3A_40 = vector.broadcast %broadcast_in_dim3A : f32 to vector<64x512xf32>
    %get3A_41 = arith.constant 0 : index
    %get3A_42 = arith.constant 0 : index
    %get3A_43 = vector.load %arg16[%get3A_41, %get3A_42] : memref<1280x2048xf32, #tpu.memory_space<vmem>>, vector<64x2048xf32>
    %convert_element_type3A_44 = arith.truncf %broadcast_in_dim3A_40 : vector<64x512xf32> to vector<64x512xbf16>
    %get3A_45 = arith.constant 0 : index
    %get3A_46 = arith.constant 0 : index
    %get3A_47 = vector.load %arg5[%get3A_45, %get3A_46] : memref<512x2048xbf16, #tpu.memory_space<vmem>>, vector<512x2048xbf16>
    %dot_general3A_48 = arith.constant dense<0.000000e+00> : vector<64x2048xf32>
    %dot_general3A_49 = tpu.matmul %convert_element_type3A_44, %get3A_47, %dot_general3A_48 {dimension_numbers = #tpu.dot_dimension_numbers<[1], [0], [0], [1], [0, 0, 1, 1], [], []>, transpose_lhs_hint = false} : vector<64x512xbf16>, vector<512x2048xbf16>, vector<64x2048xf32> -> vector<64x2048xf32>
    %add3A_50 = arith.addf %get3A_43, %dot_general3A_49 : vector<64x2048xf32>
    %slice3A = vector.extract_strided_slice %add3A_50 {offsets = [0, 0], sizes = [64, 512], strides = [1, 1]} : vector<64x2048xf32> to vector<64x512xf32>
    %logistic3A = arith.negf %slice3A : vector<64x512xf32>
    %logistic3A_51 = math.exp %logistic3A : vector<64x512xf32>
    %logistic3A_52 = arith.constant 1.000000e+00 : f32
    %logistic3A_53 = vector.broadcast %logistic3A_52 : f32 to vector<64x512xf32>
    %logistic3A_54 = arith.addf %logistic3A_53, %logistic3A_51 : vector<64x512xf32>
    %logistic3A_55 = arith.divf %logistic3A_53, %logistic3A_54 : vector<64x512xf32>
    %slice3A_56 = vector.extract_strided_slice %add3A_50 {offsets = [0, 512], sizes = [64, 512], strides = [1, 1]} : vector<64x2048xf32> to vector<64x512xf32>
    %logistic3A_57 = arith.negf %slice3A_56 : vector<64x512xf32>
    %logistic3A_58 = math.exp %logistic3A_57 : vector<64x512xf32>
    %logistic3A_59 = arith.constant 1.000000e+00 : f32
    %logistic3A_60 = vector.broadcast %logistic3A_59 : f32 to vector<64x512xf32>
    %logistic3A_61 = arith.addf %logistic3A_60, %logistic3A_58 : vector<64x512xf32>
    %logistic3A_62 = arith.divf %logistic3A_60, %logistic3A_61 : vector<64x512xf32>
    %slice3A_63 = vector.extract_strided_slice %add3A_50 {offsets = [0, 1024], sizes = [64, 512], strides = [1, 1]} : vector<64x2048xf32> to vector<64x512xf32>
    %tanh3A = math.tanh %slice3A_63 : vector<64x512xf32>
    %slice3A_64 = vector.extract_strided_slice %add3A_50 {offsets = [0, 1536], sizes = [64, 512], strides = [1, 1]} : vector<64x2048xf32> to vector<64x512xf32>
    %logistic3A_65 = arith.negf %slice3A_64 : vector<64x512xf32>
    %logistic3A_66 = math.exp %logistic3A_65 : vector<64x512xf32>
    %logistic3A_67 = arith.constant 1.000000e+00 : f32
    %logistic3A_68 = vector.broadcast %logistic3A_67 : f32 to vector<64x512xf32>
    %logistic3A_69 = arith.addf %logistic3A_68, %logistic3A_66 : vector<64x512xf32>
    %logistic3A_70 = arith.divf %logistic3A_68, %logistic3A_69 : vector<64x512xf32>
    %mul3A_71 = arith.mulf %logistic3A_62, %broadcast_in_dim3A_40 : vector<64x512xf32>
    %mul3A_72 = arith.mulf %logistic3A_55, %tanh3A : vector<64x512xf32>
    %add3A_73 = arith.addf %mul3A_71, %mul3A_72 : vector<64x512xf32>
    %tanh3A_74 = math.tanh %add3A_73 : vector<64x512xf32>
    %mul3A_75 = arith.mulf %logistic3A_70, %tanh3A_74 : vector<64x512xf32>
    %swap3A_76 = arith.constant 0 : index
    %swap3A_77 = arith.constant 0 : index
    %swap3A_78 = vector.load %arg15[%swap3A_76, %swap3A_77] : memref<1280x512xf32, #tpu.memory_space<vmem>>, vector<64x512xf32>
    tpu.vector_store %arg15[%swap3A_76, %swap3A_77], %mul3A_75 {strides = array<i32>} : memref<1280x512xf32, #tpu.memory_space<vmem>>, vector<64x512xf32>,
    %get3A_79 = arith.constant 64 : index
    %get3A_80 = arith.constant 0 : index
    %get3A_81 = vector.load %arg16[%get3A_79, %get3A_80] : memref<1280x2048xf32, #tpu.memory_space<vmem>>, vector<64x2048xf32>
    %convert_element_type3A_82 = arith.truncf %mul3A_75 : vector<64x512xf32> to vector<64x512xbf16>
    %get3A_83 = arith.constant 0 : index
    %get3A_84 = arith.constant 0 : index
    %get3A_85 = vector.load %arg5[%get3A_83, %get3A_84] : memref<512x2048xbf16, #tpu.memory_space<vmem>>, vector<512x2048xbf16>
    %dot_general3A_86 = arith.constant dense<0.000000e+00> : vector<64x2048xf32>
    %dot_general3A_87 = tpu.matmul %convert_element_type3A_82, %get3A_85, %dot_general3A_86 {dimension_numbers = #tpu.dot_dimension_numbers<[1], [0], [0], [1], [0, 0, 1, 1], [], []>, transpose_lhs_hint = false} : vector<64x512xbf16>, vector<512x2048xbf16>, vector<64x2048xf32> -> vector<64x2048xf32>
    %add3A_88 = arith.addf %get3A_81, %dot_general3A_87 : vector<64x2048xf32>
    %slice3A_89 = vector.extract_strided_slice %add3A_88 {offsets = [0, 0], sizes = [64, 512], strides = [1, 1]} : vector<64x2048xf32> to vector<64x512xf32>
    %logistic3A_90 = arith.negf %slice3A_89 : vector<64x512xf32>
    %logistic3A_91 = math.exp %logistic3A_90 : vector<64x512xf32>
    %logistic3A_92 = arith.constant 1.000000e+00 : f32
    %logistic3A_93 = vector.broadcast %logistic3A_92 : f32 to vector<64x512xf32>
    %logistic3A_94 = arith.addf %logistic3A_93, %logistic3A_91 : vector<64x512xf32>
    %logistic3A_95 = arith.divf %logistic3A_93, %logistic3A_94 : vector<64x512xf32>
    %slice3A_96 = vector.extract_strided_slice %add3A_88 {offsets = [0, 512], sizes = [64, 512], strides = [1, 1]} : vector<64x2048xf32> to vector<64x512xf32>
    %logistic3A_97 = arith.negf %slice3A_96 : vector<64x512xf32>
    %logistic3A_98 = math.exp %logistic3A_97 : vector<64x512xf32>
    %logistic3A_99 = arith.constant 1.000000e+00 : f32
    %logistic3A_100 = vector.broadcast %logistic3A_99 : f32 to vector<64x512xf32>
    %logistic3A_101 = arith.addf %logistic3A_100, %logistic3A_98 : vector<64x512xf32>
    %logistic3A_102 = arith.divf %logistic3A_100, %logistic3A_101 : vector<64x512xf32>
    %slice3A_103 = vector.extract_strided_slice %add3A_88 {offsets = [0, 1024], sizes = [64, 512], strides = [1, 1]} : vector<64x2048xf32> to vector<64x512xf32>
    %tanh3A_104 = math.tanh %slice3A_103 : vector<64x512xf32>
    %slice3A_105 = vector.extract_strided_slice %add3A_88 {offsets = [0, 1536], sizes = [64, 512], strides = [1, 1]} : vector<64x2048xf32> to vector<64x512xf32>
    %logistic3A_106 = arith.negf %slice3A_105 : vector<64x512xf32>
    %logistic3A_107 = math.exp %logistic3A_106 : vector<64x512xf32>
    %logistic3A_108 = arith.constant 1.000000e+00 : f32
    %logistic3A_109 = vector.broadcast %logistic3A_108 : f32 to vector<64x512xf32>
    %logistic3A_110 = arith.addf %logistic3A_109, %logistic3A_107 : vector<64x512xf32>
    %logistic3A_111 = arith.divf %logistic3A_109, %logistic3A_110 : vector<64x512xf32>
    %mul3A_112 = arith.mulf %logistic3A_102, %add3A_73 : vector<64x512xf32>
    %mul3A_113 = arith.mulf %logistic3A_95, %tanh3A_104 : vector<64x512xf32>
    %add3A_114 = arith.addf %mul3A_112, %mul3A_113 : vector<64x512xf32>
    %tanh3A_115 = math.tanh %add3A_114 : vector<64x512xf32>
    %mul3A_116 = arith.mulf %logistic3A_111, %tanh3A_115 : vector<64x512xf32>
    %swap3A_117 = arith.constant 64 : index
    %swap3A_118 = arith.constant 0 : index
    %swap3A_119 = vector.load %arg15[%swap3A_117, %swap3A_118] : memref<1280x512xf32, #tpu.memory_space<vmem>>, vector<64x512xf32>
    tpu.vector_store %arg15[%swap3A_117, %swap3A_118], %mul3A_116 {strides = array<i32>} : memref<1280x512xf32, #tpu.memory_space<vmem>>, vector<64x512xf32>,
    %get3A_120 = arith.constant 128 : index
    %get3A_121 = arith.constant 0 : index
    %get3A_122 = vector.load %arg16[%get3A_120, %get3A_121] : memref<1280x2048xf32, #tpu.memory_space<vmem>>, vector<64x2048xf32>
    %convert_element_type3A_123 = arith.truncf %mul3A_116 : vector<64x512xf32> to vector<64x512xbf16>
    %get3A_124 = arith.constant 0 : index
    %get3A_125 = arith.constant 0 : index
    %get3A_126 = vector.load %arg5[%get3A_124, %get3A_125] : memref<512x2048xbf16, #tpu.memory_space<vmem>>, vector<512x2048xbf16>
    %dot_general3A_127 = arith.constant dense<0.000000e+00> : vector<64x2048xf32>
    %dot_general3A_128 = tpu.matmul %convert_element_type3A_123, %get3A_126, %dot_general3A_127 {dimension_numbers = #tpu.dot_dimension_numbers<[1], [0], [0], [1], [0, 0, 1, 1], [], []>, transpose_lhs_hint = false} : vector<64x512xbf16>, vector<512x2048xbf16>, vector<64x2048xf32> -> vector<64x2048xf32>
    %add3A_129 = arith.addf %get3A_122, %dot_general3A_128 : vector<64x2048xf32>
    %slice3A_130 = vector.extract_strided_slice %add3A_129 {offsets = [0, 0], sizes = [64, 512], strides = [1, 1]} : vector<64x2048xf32> to vector<64x512xf32>
    %logistic3A_131 = arith.negf %slice3A_130 : vector<64x512xf32>
    %logistic3A_132 = math.exp %logistic3A_131 : vector<64x512xf32>
    %logistic3A_133 = arith.constant 1.000000e+00 : f32
    %logistic3A_134 = vector.broadcast %logistic3A_133 : f32 to vector<64x512xf32>
    %logistic3A_135 = arith.addf %logistic3A_134, %logistic3A_132 : vector<64x512xf32>
    %logistic3A_136 = arith.divf %logistic3A_134, %logistic3A_135 : vector<64x512xf32>
    %slice3A_137 = vector.extract_strided_slice %add3A_129 {offsets = [0, 512], sizes = [64, 512], strides = [1, 1]} : vector<64x2048xf32> to vector<64x512xf32>
    %logistic3A_138 = arith.negf %slice3A_137 : vector<64x512xf32>
    %logistic3A_139 = math.exp %logistic3A_138 : vector<64x512xf32>
    %logistic3A_140 = arith.constant 1.000000e+00 : f32
    %logistic3A_141 = vector.broadcast %logistic3A_140 : f32 to vector<64x512xf32>
    %logistic3A_142 = arith.addf %logistic3A_141, %logistic3A_139 : vector<64x512xf32>
    %logistic3A_143 = arith.divf %logistic3A_141, %logistic3A_142 : vector<64x512xf32>
    %slice3A_144 = vector.extract_strided_slice %add3A_129 {offsets = [0, 1024], sizes = [64, 512], strides = [1, 1]} : vector<64x2048xf32> to vector<64x512xf32>
    %tanh3A_145 = math.tanh %slice3A_144 : vector<64x512xf32>
    %slice3A_146 = vector.extract_strided_slice %add3A_129 {offsets = [0, 1536], sizes = [64, 512], strides = [1, 1]} : vector<64x2048xf32> to vector<64x512xf32>
    %logistic3A_147 = arith.negf %slice3A_146 : vector<64x512xf32>
    %logistic3A_148 = math.exp %logistic3A_147 : vector<64x512xf32>
    %logistic3A_149 = arith.constant 1.000000e+00 : f32
    %logistic3A_150 = vector.broadcast %logistic3A_149 : f32 to vector<64x512xf32>
    %logistic3A_151 = arith.addf %logistic3A_150, %logistic3A_148 : vector<64x512xf32>
    %logistic3A_152 = arith.divf %logistic3A_150, %logistic3A_151 : vector<64x512xf32>
    %mul3A_153 = arith.mulf %logistic3A_143, %add3A_114 : vector<64x512xf32>
    %mul3A_154 = arith.mulf %logistic3A_136, %tanh3A_145 : vector<64x512xf32>
    %add3A_155 = arith.addf %mul3A_153, %mul3A_154 : vector<64x512xf32>
    %tanh3A_156 = math.tanh %add3A_155 : vector<64x512xf32>
    %mul3A_157 = arith.mulf %logistic3A_152, %tanh3A_156 : vector<64x512xf32>
    %swap3A_158 = arith.constant 128 : index
    %swap3A_159 = arith.constant 0 : index
    %swap3A_160 = vector.load %arg15[%swap3A_158, %swap3A_159] : memref<1280x512xf32, #tpu.memory_space<vmem>>, vector<64x512xf32>
    tpu.vector_store %arg15[%swap3A_158, %swap3A_159], %mul3A_157 {strides = array<i32>} : memref<1280x512xf32, #tpu.memory_space<vmem>>, vector<64x512xf32>,
    %get3A_161 = arith.constant 192 : index
    %get3A_162 = arith.constant 0 : index
    %get3A_163 = vector.load %arg16[%get3A_161, %get3A_162] : memref<1280x2048xf32, #tpu.memory_space<vmem>>, vector<64x2048xf32>
    %convert_element_type3A_164 = arith.truncf %mul3A_157 : vector<64x512xf32> to vector<64x512xbf16>
    %get3A_165 = arith.constant 0 : index
    %get3A_166 = arith.constant 0 : index
    %get3A_167 = vector.load %arg5[%get3A_165, %get3A_166] : memref<512x2048xbf16, #tpu.memory_space<vmem>>, vector<512x2048xbf16>
    %dot_general3A_168 = arith.constant dense<0.000000e+00> : vector<64x2048xf32>
    %dot_general3A_169 = tpu.matmul %convert_element_type3A_164, %get3A_167, %dot_general3A_168 {dimension_numbers = #tpu.dot_dimension_numbers<[1], [0], [0], [1], [0, 0, 1, 1], [], []>, transpose_lhs_hint = false} : vector<64x512xbf16>, vector<512x2048xbf16>, vector<64x2048xf32> -> vector<64x2048xf32>
    %add3A_170 = arith.addf %get3A_163, %dot_general3A_169 : vector<64x2048xf32>
    %slice3A_171 = vector.extract_strided_slice %add3A_170 {offsets = [0, 0], sizes = [64, 512], strides = [1, 1]} : vector<64x2048xf32> to vector<64x512xf32>
    %logistic3A_172 = arith.negf %slice3A_171 : vector<64x512xf32>
    %logistic3A_173 = math.exp %logistic3A_172 : vector<64x512xf32>
    %logistic3A_174 = arith.constant 1.000000e+00 : f32
    %logistic3A_175 = vector.broadcast %logistic3A_174 : f32 to vector<64x512xf32>
    %logistic3A_176 = arith.addf %logistic3A_175, %logistic3A_173 : vector<64x512xf32>
    %logistic3A_177 = arith.divf %logistic3A_175, %logistic3A_176 : vector<64x512xf32>
    %slice3A_178 = vector.extract_strided_slice %add3A_170 {offsets = [0, 512], sizes = [64, 512], strides = [1, 1]} : vector<64x2048xf32> to vector<64x512xf32>
    %logistic3A_179 = arith.negf %slice3A_178 : vector<64x512xf32>
    %logistic3A_180 = math.exp %logistic3A_179 : vector<64x512xf32>
    %logistic3A_181 = arith.constant 1.000000e+00 : f32
    %logistic3A_182 = vector.broadcast %logistic3A_181 : f32 to vector<64x512xf32>
    %logistic3A_183 = arith.addf %logistic3A_182, %logistic3A_180 : vector<64x512xf32>
    %logistic3A_184 = arith.divf %logistic3A_182, %logistic3A_183 : vector<64x512xf32>
    %slice3A_185 = vector.extract_strided_slice %add3A_170 {offsets = [0, 1024], sizes = [64, 512], strides = [1, 1]} : vector<64x2048xf32> to vector<64x512xf32>
    %tanh3A_186 = math.tanh %slice3A_185 : vector<64x512xf32>
    %slice3A_187 = vector.extract_strided_slice %add3A_170 {offsets = [0, 1536], sizes = [64, 512], strides = [1, 1]} : vector<64x2048xf32> to vector<64x512xf32>
    %logistic3A_188 = arith.negf %slice3A_187 : vector<64x512xf32>
    %logistic3A_189 = math.exp %logistic3A_188 : vector<64x512xf32>
    %logistic3A_190 = arith.constant 1.000000e+00 : f32
    %logistic3A_191 = vector.broadcast %logistic3A_190 : f32 to vector<64x512xf32>
    %logistic3A_192 = arith.addf %logistic3A_191, %logistic3A_189 : vector<64x512xf32>
    %logistic3A_193 = arith.divf %logistic3A_191, %logistic3A_192 : vector<64x512xf32>
    %mul3A_194 = arith.mulf %logistic3A_184, %add3A_155 : vector<64x512xf32>
    %mul3A_195 = arith.mulf %logistic3A_177, %tanh3A_186 : vector<64x512xf32>
    %add3A_196 = arith.addf %mul3A_194, %mul3A_195 : vector<64x512xf32>
    %tanh3A_197 = math.tanh %add3A_196 : vector<64x512xf32>
    %mul3A_198 = arith.mulf %logistic3A_193, %tanh3A_197 : vector<64x512xf32>
    %swap3A_199 = arith.constant 192 : index
    %swap3A_200 = arith.constant 0 : index
    %swap3A_201 = vector.load %arg15[%swap3A_199, %swap3A_200] : memref<1280x512xf32, #tpu.memory_space<vmem>>, vector<64x512xf32>
    tpu.vector_store %arg15[%swap3A_199, %swap3A_200], %mul3A_198 {strides = array<i32>} : memref<1280x512xf32, #tpu.memory_space<vmem>>, vector<64x512xf32>,
    %get3A_202 = arith.constant 256 : index
    %get3A_203 = arith.constant 0 : index
    %get3A_204 = vector.load %arg16[%get3A_202, %get3A_203] : memref<1280x2048xf32, #tpu.memory_space<vmem>>, vector<64x2048xf32>
    %convert_element_type3A_205 = arith.truncf %mul3A_198 : vector<64x512xf32> to vector<64x512xbf16>
    %get3A_206 = arith.constant 0 : index
    %get3A_207 = arith.constant 0 : index
    %get3A_208 = vector.load %arg5[%get3A_206, %get3A_207] : memref<512x2048xbf16, #tpu.memory_space<vmem>>, vector<512x2048xbf16>
    %dot_general3A_209 = arith.constant dense<0.000000e+00> : vector<64x2048xf32>
    %dot_general3A_210 = tpu.matmul %convert_element_type3A_205, %get3A_208, %dot_general3A_209 {dimension_numbers = #tpu.dot_dimension_numbers<[1], [0], [0], [1], [0, 0, 1, 1], [], []>, transpose_lhs_hint = false} : vector<64x512xbf16>, vector<512x2048xbf16>, vector<64x2048xf32> -> vector<64x2048xf32>
    %add3A_211 = arith.addf %get3A_204, %dot_general3A_210 : vector<64x2048xf32>
    %slice3A_212 = vector.extract_strided_slice %add3A_211 {offsets = [0, 0], sizes = [64, 512], strides = [1, 1]} : vector<64x2048xf32> to vector<64x512xf32>
    %logistic3A_213 = arith.negf %slice3A_212 : vector<64x512xf32>
    %logistic3A_214 = math.exp %logistic3A_213 : vector<64x512xf32>
    %logistic3A_215 = arith.constant 1.000000e+00 : f32
    %logistic3A_216 = vector.broadcast %logistic3A_215 : f32 to vector<64x512xf32>
    %logistic3A_217 = arith.addf %logistic3A_216, %logistic3A_214 : vector<64x512xf32>
    %logistic3A_218 = arith.divf %logistic3A_216, %logistic3A_217 : vector<64x512xf32>
    %slice3A_219 = vector.extract_strided_slice %add3A_211 {offsets = [0, 512], sizes = [64, 512], strides = [1, 1]} : vector<64x2048xf32> to vector<64x512xf32>
    %logistic3A_220 = arith.negf %slice3A_219 : vector<64x512xf32>
    %logistic3A_221 = math.exp %logistic3A_220 : vector<64x512xf32>
    %logistic3A_222 = arith.constant 1.000000e+00 : f32
    %logistic3A_223 = vector.broadcast %logistic3A_222 : f32 to vector<64x512xf32>
    %logistic3A_224 = arith.addf %logistic3A_223, %logistic3A_221 : vector<64x512xf32>
    %logistic3A_225 = arith.divf %logistic3A_223, %logistic3A_224 : vector<64x512xf32>
    %slice3A_226 = vector.extract_strided_slice %add3A_211 {offsets = [0, 1024], sizes = [64, 512], strides = [1, 1]} : vector<64x2048xf32> to vector<64x512xf32>
    %tanh3A_227 = math.tanh %slice3A_226 : vector<64x512xf32>
    %slice3A_228 = vector.extract_strided_slice %add3A_211 {offsets = [0, 1536], sizes = [64, 512], strides = [1, 1]} : vector<64x2048xf32> to vector<64x512xf32>
    %logistic3A_229 = arith.negf %slice3A_228 : vector<64x512xf32>
    %logistic3A_230 = math.exp %logistic3A_229 : vector<64x512xf32>
    %logistic3A_231 = arith.constant 1.000000e+00 : f32
    %logistic3A_232 = vector.broadcast %logistic3A_231 : f32 to vector<64x512xf32>
    %logistic3A_233 = arith.addf %logistic3A_232, %logistic3A_230 : vector<64x512xf32>
    %logistic3A_234 = arith.divf %logistic3A_232, %logistic3A_233 : vector<64x512xf32>
    %mul3A_235 = arith.mulf %logistic3A_225, %add3A_196 : vector<64x512xf32>
    %mul3A_236 = arith.mulf %logistic3A_218, %tanh3A_227 : vector<64x512xf32>
    %add3A_237 = arith.addf %mul3A_235, %mul3A_236 : vector<64x512xf32>
    %tanh3A_238 = math.tanh %add3A_237 : vector<64x512xf32>
    %mul3A_239 = arith.mulf %logistic3A_234, %tanh3A_238 : vector<64x512xf32>
    %swap3A_240 = arith.constant 256 : index
    %swap3A_241 = arith.constant 0 : index
    %swap3A_242 = vector.load %arg15[%swap3A_240, %swap3A_241] : memref<1280x512xf32, #tpu.memory_space<vmem>>, vector<64x512xf32>
    tpu.vector_store %arg15[%swap3A_240, %swap3A_241], %mul3A_239 {strides = array<i32>} : memref<1280x512xf32, #tpu.memory_space<vmem>>, vector<64x512xf32>,
    %get3A_243 = arith.constant 320 : index
    %get3A_244 = arith.constant 0 : index
    %get3A_245 = vector.load %arg16[%get3A_243, %get3A_244] : memref<1280x2048xf32, #tpu.memory_space<vmem>>, vector<64x2048xf32>
    %convert_element_type3A_246 = arith.truncf %mul3A_239 : vector<64x512xf32> to vector<64x512xbf16>
    %get3A_247 = arith.constant 0 : index
    %get3A_248 = arith.constant 0 : index
    %get3A_249 = vector.load %arg5[%get3A_247, %get3A_248] : memref<512x2048xbf16, #tpu.memory_space<vmem>>, vector<512x2048xbf16>
    %dot_general3A_250 = arith.constant dense<0.000000e+00> : vector<64x2048xf32>
    %dot_general3A_251 = tpu.matmul %convert_element_type3A_246, %get3A_249, %dot_general3A_250 {dimension_numbers = #tpu.dot_dimension_numbers<[1], [0], [0], [1], [0, 0, 1, 1], [], []>, transpose_lhs_hint = false} : vector<64x512xbf16>, vector<512x2048xbf16>, vector<64x2048xf32> -> vector<64x2048xf32>
    %add3A_252 = arith.addf %get3A_245, %dot_general3A_251 : vector<64x2048xf32>
    %slice3A_253 = vector.extract_strided_slice %add3A_252 {offsets = [0, 0], sizes = [64, 512], strides = [1, 1]} : vector<64x2048xf32> to vector<64x512xf32>
    %logistic3A_254 = arith.negf %slice3A_253 : vector<64x512xf32>
    %logistic3A_255 = math.exp %logistic3A_254 : vector<64x512xf32>
    %logistic3A_256 = arith.constant 1.000000e+00 : f32
    %logistic3A_257 = vector.broadcast %logistic3A_256 : f32 to vector<64x512xf32>
    %logistic3A_258 = arith.addf %logistic3A_257, %logistic3A_255 : vector<64x512xf32>
    %logistic3A_259 = arith.divf %logistic3A_257, %logistic3A_258 : vector<64x512xf32>
    %slice3A_260 = vector.extract_strided_slice %add3A_252 {offsets = [0, 512], sizes = [64, 512], strides = [1, 1]} : vector<64x2048xf32> to vector<64x512xf32>
    %logistic3A_261 = arith.negf %slice3A_260 : vector<64x512xf32>
    %logistic3A_262 = math.exp %logistic3A_261 : vector<64x512xf32>
    %logistic3A_263 = arith.constant 1.000000e+00 : f32
    %logistic3A_264 = vector.broadcast %logistic3A_263 : f32 to vector<64x512xf32>
    %logistic3A_265 = arith.addf %logistic3A_264, %logistic3A_262 : vector<64x512xf32>
    %logistic3A_266 = arith.divf %logistic3A_264, %logistic3A_265 : vector<64x512xf32>
    %slice3A_267 = vector.extract_strided_slice %add3A_252 {offsets = [0, 1024], sizes = [64, 512], strides = [1, 1]} : vector<64x2048xf32> to vector<64x512xf32>
    %tanh3A_268 = math.tanh %slice3A_267 : vector<64x512xf32>
    %slice3A_269 = vector.extract_strided_slice %add3A_252 {offsets = [0, 1536], sizes = [64, 512], strides = [1, 1]} : vector<64x2048xf32> to vector<64x512xf32>
    %logistic3A_270 = arith.negf %slice3A_269 : vector<64x512xf32>
    %logistic3A_271 = math.exp %logistic3A_270 : vector<64x512xf32>
    %logistic3A_272 = arith.constant 1.000000e+00 : f32
    %logistic3A_273 = vector.broadcast %logistic3A_272 : f32 to vector<64x512xf32>
    %logistic3A_274 = arith.addf %logistic3A_273, %logistic3A_271 : vector<64x512xf32>
    %logistic3A_275 = arith.divf %logistic3A_273, %logistic3A_274 : vector<64x512xf32>
    %mul3A_276 = arith.mulf %logistic3A_266, %add3A_237 : vector<64x512xf32>
    %mul3A_277 = arith.mulf %logistic3A_259, %tanh3A_268 : vector<64x512xf32>
    %add3A_278 = arith.addf %mul3A_276, %mul3A_277 : vector<64x512xf32>
    %tanh3A_279 = math.tanh %add3A_278 : vector<64x512xf32>
    %mul3A_280 = arith.mulf %logistic3A_275, %tanh3A_279 : vector<64x512xf32>
    %swap3A_281 = arith.constant 320 : index
    %swap3A_282 = arith.constant 0 : index
    %swap3A_283 = vector.load %arg15[%swap3A_281, %swap3A_282] : memref<1280x512xf32, #tpu.memory_space<vmem>>, vector<64x512xf32>
    tpu.vector_store %arg15[%swap3A_281, %swap3A_282], %mul3A_280 {strides = array<i32>} : memref<1280x512xf32, #tpu.memory_space<vmem>>, vector<64x512xf32>,
    %get3A_284 = arith.constant 384 : index
    %get3A_285 = arith.constant 0 : index
    %get3A_286 = vector.load %arg16[%get3A_284, %get3A_285] : memref<1280x2048xf32, #tpu.memory_space<vmem>>, vector<64x2048xf32>
    %convert_element_type3A_287 = arith.truncf %mul3A_280 : vector<64x512xf32> to vector<64x512xbf16>
    %get3A_288 = arith.constant 0 : index
    %get3A_289 = arith.constant 0 : index
    %get3A_290 = vector.load %arg5[%get3A_288, %get3A_289] : memref<512x2048xbf16, #tpu.memory_space<vmem>>, vector<512x2048xbf16>
    %dot_general3A_291 = arith.constant dense<0.000000e+00> : vector<64x2048xf32>
    %dot_general3A_292 = tpu.matmul %convert_element_type3A_287, %get3A_290, %dot_general3A_291 {dimension_numbers = #tpu.dot_dimension_numbers<[1], [0], [0], [1], [0, 0, 1, 1], [], []>, transpose_lhs_hint = false} : vector<64x512xbf16>, vector<512x2048xbf16>, vector<64x2048xf32> -> vector<64x2048xf32>
    %add3A_293 = arith.addf %get3A_286, %dot_general3A_292 : vector<64x2048xf32>
    %slice3A_294 = vector.extract_strided_slice %add3A_293 {offsets = [0, 0], sizes = [64, 512], strides = [1, 1]} : vector<64x2048xf32> to vector<64x512xf32>
    %logistic3A_295 = arith.negf %slice3A_294 : vector<64x512xf32>
    %logistic3A_296 = math.exp %logistic3A_295 : vector<64x512xf32>
    %logistic3A_297 = arith.constant 1.000000e+00 : f32
    %logistic3A_298 = vector.broadcast %logistic3A_297 : f32 to vector<64x512xf32>
    %logistic3A_299 = arith.addf %logistic3A_298, %logistic3A_296 : vector<64x512xf32>
    %logistic3A_300 = arith.divf %logistic3A_298, %logistic3A_299 : vector<64x512xf32>
    %slice3A_301 = vector.extract_strided_slice %add3A_293 {offsets = [0, 512], sizes = [64, 512], strides = [1, 1]} : vector<64x2048xf32> to vector<64x512xf32>
    %logistic3A_302 = arith.negf %slice3A_301 : vector<64x512xf32>
    %logistic3A_303 = math.exp %logistic3A_302 : vector<64x512xf32>
    %logistic3A_304 = arith.constant 1.000000e+00 : f32
    %logistic3A_305 = vector.broadcast %logistic3A_304 : f32 to vector<64x512xf32>
    %logistic3A_306 = arith.addf %logistic3A_305, %logistic3A_303 : vector<64x512xf32>
    %logistic3A_307 = arith.divf %logistic3A_305, %logistic3A_306 : vector<64x512xf32>
    %slice3A_308 = vector.extract_strided_slice %add3A_293 {offsets = [0, 1024], sizes = [64, 512], strides = [1, 1]} : vector<64x2048xf32> to vector<64x512xf32>
    %tanh3A_309 = math.tanh %slice3A_308 : vector<64x512xf32>
    %slice3A_310 = vector.extract_strided_slice %add3A_293 {offsets = [0, 1536], sizes = [64, 512], strides = [1, 1]} : vector<64x2048xf32> to vector<64x512xf32>
    %logistic3A_311 = arith.negf %slice3A_310 : vector<64x512xf32>
    %logistic3A_312 = math.exp %logistic3A_311 : vector<64x512xf32>
    %logistic3A_313 = arith.constant 1.000000e+00 : f32
    %logistic3A_314 = vector.broadcast %logistic3A_313 : f32 to vector<64x512xf32>
    %logistic3A_315 = arith.addf %logistic3A_314, %logistic3A_312 : vector<64x512xf32>
    %logistic3A_316 = arith.divf %logistic3A_314, %logistic3A_315 : vector<64x512xf32>
    %mul3A_317 = arith.mulf %logistic3A_307, %add3A_278 : vector<64x512xf32>
    %mul3A_318 = arith.mulf %logistic3A_300, %tanh3A_309 : vector<64x512xf32>
    %add3A_319 = arith.addf %mul3A_317, %mul3A_318 : vector<64x512xf32>
    %tanh3A_320 = math.tanh %add3A_319 : vector<64x512xf32>
    %mul3A_321 = arith.mulf %logistic3A_316, %tanh3A_320 : vector<64x512xf32>
    %swap3A_322 = arith.constant 384 : index
    %swap3A_323 = arith.constant 0 : index
    %swap3A_324 = vector.load %arg15[%swap3A_322, %swap3A_323] : memref<1280x512xf32, #tpu.memory_space<vmem>>, vector<64x512xf32>
    tpu.vector_store %arg15[%swap3A_322, %swap3A_323], %mul3A_321 {strides = array<i32>} : memref<1280x512xf32, #tpu.memory_space<vmem>>, vector<64x512xf32>,
    %get3A_325 = arith.constant 448 : index
    %get3A_326 = arith.constant 0 : index
    %get3A_327 = vector.load %arg16[%get3A_325, %get3A_326] : memref<1280x2048xf32, #tpu.memory_space<vmem>>, vector<64x2048xf32>
    %convert_element_type3A_328 = arith.truncf %mul3A_321 : vector<64x512xf32> to vector<64x512xbf16>
    %get3A_329 = arith.constant 0 : index
    %get3A_330 = arith.constant 0 : index
    %get3A_331 = vector.load %arg5[%get3A_329, %get3A_330] : memref<512x2048xbf16, #tpu.memory_space<vmem>>, vector<512x2048xbf16>
    %dot_general3A_332 = arith.constant dense<0.000000e+00> : vector<64x2048xf32>
    %dot_general3A_333 = tpu.matmul %convert_element_type3A_328, %get3A_331, %dot_general3A_332 {dimension_numbers = #tpu.dot_dimension_numbers<[1], [0], [0], [1], [0, 0, 1, 1], [], []>, transpose_lhs_hint = false} : vector<64x512xbf16>, vector<512x2048xbf16>, vector<64x2048xf32> -> vector<64x2048xf32>
    %add3A_334 = arith.addf %get3A_327, %dot_general3A_333 : vector<64x2048xf32>
    %slice3A_335 = vector.extract_strided_slice %add3A_334 {offsets = [0, 0], sizes = [64, 512], strides = [1, 1]} : vector<64x2048xf32> to vector<64x512xf32>
    %logistic3A_336 = arith.negf %slice3A_335 : vector<64x512xf32>
    %logistic3A_337 = math.exp %logistic3A_336 : vector<64x512xf32>
    %logistic3A_338 = arith.constant 1.000000e+00 : f32
    %logistic3A_339 = vector.broadcast %logistic3A_338 : f32 to vector<64x512xf32>
    %logistic3A_340 = arith.addf %logistic3A_339, %logistic3A_337 : vector<64x512xf32>
    %logistic3A_341 = arith.divf %logistic3A_339, %logistic3A_340 : vector<64x512xf32>
    %slice3A_342 = vector.extract_strided_slice %add3A_334 {offsets = [0, 512], sizes = [64, 512], strides = [1, 1]} : vector<64x2048xf32> to vector<64x512xf32>
    %logistic3A_343 = arith.negf %slice3A_342 : vector<64x512xf32>
    %logistic3A_344 = math.exp %logistic3A_343 : vector<64x512xf32>
    %logistic3A_345 = arith.constant 1.000000e+00 : f32
    %logistic3A_346 = vector.broadcast %logistic3A_345 : f32 to vector<64x512xf32>
    %logistic3A_347 = arith.addf %logistic3A_346, %logistic3A_344 : vector<64x512xf32>
    %logistic3A_348 = arith.divf %logistic3A_346, %logistic3A_347 : vector<64x512xf32>
    %slice3A_349 = vector.extract_strided_slice %add3A_334 {offsets = [0, 1024], sizes = [64, 512], strides = [1, 1]} : vector<64x2048xf32> to vector<64x512xf32>
    %tanh3A_350 = math.tanh %slice3A_349 : vector<64x512xf32>
    %slice3A_351 = vector.extract_strided_slice %add3A_334 {offsets = [0, 1536], sizes = [64, 512], strides = [1, 1]} : vector<64x2048xf32> to vector<64x512xf32>
    %logistic3A_352 = arith.negf %slice3A_351 : vector<64x512xf32>
    %logistic3A_353 = math.exp %logistic3A_352 : vector<64x512xf32>
    %logistic3A_354 = arith.constant 1.000000e+00 : f32
    %logistic3A_355 = vector.broadcast %logistic3A_354 : f32 to vector<64x512xf32>
    %logistic3A_356 = arith.addf %logistic3A_355, %logistic3A_353 : vector<64x512xf32>
    %logistic3A_357 = arith.divf %logistic3A_355, %logistic3A_356 : vector<64x512xf32>
    %mul3A_358 = arith.mulf %logistic3A_348, %add3A_319 : vector<64x512xf32>
    %mul3A_359 = arith.mulf %logistic3A_341, %tanh3A_350 : vector<64x512xf32>
    %add3A_360 = arith.addf %mul3A_358, %mul3A_359 : vector<64x512xf32>
    %tanh3A_361 = math.tanh %add3A_360 : vector<64x512xf32>
    %mul3A_362 = arith.mulf %logistic3A_357, %tanh3A_361 : vector<64x512xf32>
    %swap3A_363 = arith.constant 448 : index
    %swap3A_364 = arith.constant 0 : index
    %swap3A_365 = vector.load %arg15[%swap3A_363, %swap3A_364] : memref<1280x512xf32, #tpu.memory_space<vmem>>, vector<64x512xf32>
    tpu.vector_store %arg15[%swap3A_363, %swap3A_364], %mul3A_362 {strides = array<i32>} : memref<1280x512xf32, #tpu.memory_space<vmem>>, vector<64x512xf32>,
    %get3A_366 = arith.constant 512 : index
    %get3A_367 = arith.constant 0 : index
    %get3A_368 = vector.load %arg16[%get3A_366, %get3A_367] : memref<1280x2048xf32, #tpu.memory_space<vmem>>, vector<64x2048xf32>
    %convert_element_type3A_369 = arith.truncf %mul3A_362 : vector<64x512xf32> to vector<64x512xbf16>
    %get3A_370 = arith.constant 0 : index
    %get3A_371 = arith.constant 0 : index
    %get3A_372 = vector.load %arg5[%get3A_370, %get3A_371] : memref<512x2048xbf16, #tpu.memory_space<vmem>>, vector<512x2048xbf16>
    %dot_general3A_373 = arith.constant dense<0.000000e+00> : vector<64x2048xf32>
    %dot_general3A_374 = tpu.matmul %convert_element_type3A_369, %get3A_372, %dot_general3A_373 {dimension_numbers = #tpu.dot_dimension_numbers<[1], [0], [0], [1], [0, 0, 1, 1], [], []>, transpose_lhs_hint = false} : vector<64x512xbf16>, vector<512x2048xbf16>, vector<64x2048xf32> -> vector<64x2048xf32>
    %add3A_375 = arith.addf %get3A_368, %dot_general3A_374 : vector<64x2048xf32>
    %slice3A_376 = vector.extract_strided_slice %add3A_375 {offsets = [0, 0], sizes = [64, 512], strides = [1, 1]} : vector<64x2048xf32> to vector<64x512xf32>
    %logistic3A_377 = arith.negf %slice3A_376 : vector<64x512xf32>
    %logistic3A_378 = math.exp %logistic3A_377 : vector<64x512xf32>
    %logistic3A_379 = arith.constant 1.000000e+00 : f32
    %logistic3A_380 = vector.broadcast %logistic3A_379 : f32 to vector<64x512xf32>
    %logistic3A_381 = arith.addf %logistic3A_380, %logistic3A_378 : vector<64x512xf32>
    %logistic3A_382 = arith.divf %logistic3A_380, %logistic3A_381 : vector<64x512xf32>
    %slice3A_383 = vector.extract_strided_slice %add3A_375 {offsets = [0, 512], sizes = [64, 512], strides = [1, 1]} : vector<64x2048xf32> to vector<64x512xf32>
    %logistic3A_384 = arith.negf %slice3A_383 : vector<64x512xf32>
    %logistic3A_385 = math.exp %logistic3A_384 : vector<64x512xf32>
    %logistic3A_386 = arith.constant 1.000000e+00 : f32
    %logistic3A_387 = vector.broadcast %logistic3A_386 : f32 to vector<64x512xf32>
    %logistic3A_388 = arith.addf %logistic3A_387, %logistic3A_385 : vector<64x512xf32>
    %logistic3A_389 = arith.divf %logistic3A_387, %logistic3A_388 : vector<64x512xf32>
    %slice3A_390 = vector.extract_strided_slice %add3A_375 {offsets = [0, 1024], sizes = [64, 512], strides = [1, 1]} : vector<64x2048xf32> to vector<64x512xf32>
    %tanh3A_391 = math.tanh %slice3A_390 : vector<64x512xf32>
    %slice3A_392 = vector.extract_strided_slice %add3A_375 {offsets = [0, 1536], sizes = [64, 512], strides = [1, 1]} : vector<64x2048xf32> to vector<64x512xf32>
    %logistic3A_393 = arith.negf %slice3A_392 : vector<64x512xf32>
    %logistic3A_394 = math.exp %logistic3A_393 : vector<64x512xf32>
    %logistic3A_395 = arith.constant 1.000000e+00 : f32
    %logistic3A_396 = vector.broadcast %logistic3A_395 : f32 to vector<64x512xf32>
    %logistic3A_397 = arith.addf %logistic3A_396, %logistic3A_394 : vector<64x512xf32>
    %logistic3A_398 = arith.divf %logistic3A_396, %logistic3A_397 : vector<64x512xf32>
    %mul3A_399 = arith.mulf %logistic3A_389, %add3A_360 : vector<64x512xf32>
    %mul3A_400 = arith.mulf %logistic3A_382, %tanh3A_391 : vector<64x512xf32>
    %add3A_401 = arith.addf %mul3A_399, %mul3A_400 : vector<64x512xf32>
    %tanh3A_402 = math.tanh %add3A_401 : vector<64x512xf32>
    %mul3A_403 = arith.mulf %logistic3A_398, %tanh3A_402 : vector<64x512xf32>
    %swap3A_404 = arith.constant 512 : index
    %swap3A_405 = arith.constant 0 : index
    %swap3A_406 = vector.load %arg15[%swap3A_404, %swap3A_405] : memref<1280x512xf32, #tpu.memory_space<vmem>>, vector<64x512xf32>
    tpu.vector_store %arg15[%swap3A_404, %swap3A_405], %mul3A_403 {strides = array<i32>} : memref<1280x512xf32, #tpu.memory_space<vmem>>, vector<64x512xf32>,
    %get3A_407 = arith.constant 576 : index
    %get3A_408 = arith.constant 0 : index
    %get3A_409 = vector.load %arg16[%get3A_407, %get3A_408] : memref<1280x2048xf32, #tpu.memory_space<vmem>>, vector<64x2048xf32>
    %convert_element_type3A_410 = arith.truncf %mul3A_403 : vector<64x512xf32> to vector<64x512xbf16>
    %get3A_411 = arith.constant 0 : index
    %get3A_412 = arith.constant 0 : index
    %get3A_413 = vector.load %arg5[%get3A_411, %get3A_412] : memref<512x2048xbf16, #tpu.memory_space<vmem>>, vector<512x2048xbf16>
    %dot_general3A_414 = arith.constant dense<0.000000e+00> : vector<64x2048xf32>
    %dot_general3A_415 = tpu.matmul %convert_element_type3A_410, %get3A_413, %dot_general3A_414 {dimension_numbers = #tpu.dot_dimension_numbers<[1], [0], [0], [1], [0, 0, 1, 1], [], []>, transpose_lhs_hint = false} : vector<64x512xbf16>, vector<512x2048xbf16>, vector<64x2048xf32> -> vector<64x2048xf32>
    %add3A_416 = arith.addf %get3A_409, %dot_general3A_415 : vector<64x2048xf32>
    %slice3A_417 = vector.extract_strided_slice %add3A_416 {offsets = [0, 0], sizes = [64, 512], strides = [1, 1]} : vector<64x2048xf32> to vector<64x512xf32>
    %logistic3A_418 = arith.negf %slice3A_417 : vector<64x512xf32>
    %logistic3A_419 = math.exp %logistic3A_418 : vector<64x512xf32>
    %logistic3A_420 = arith.constant 1.000000e+00 : f32
    %logistic3A_421 = vector.broadcast %logistic3A_420 : f32 to vector<64x512xf32>
    %logistic3A_422 = arith.addf %logistic3A_421, %logistic3A_419 : vector<64x512xf32>
    %logistic3A_423 = arith.divf %logistic3A_421, %logistic3A_422 : vector<64x512xf32>
    %slice3A_424 = vector.extract_strided_slice %add3A_416 {offsets = [0, 512], sizes = [64, 512], strides = [1, 1]} : vector<64x2048xf32> to vector<64x512xf32>
    %logistic3A_425 = arith.negf %slice3A_424 : vector<64x512xf32>
    %logistic3A_426 = math.exp %logistic3A_425 : vector<64x512xf32>
    %logistic3A_427 = arith.constant 1.000000e+00 : f32
    %logistic3A_428 = vector.broadcast %logistic3A_427 : f32 to vector<64x512xf32>
    %logistic3A_429 = arith.addf %logistic3A_428, %logistic3A_426 : vector<64x512xf32>
    %logistic3A_430 = arith.divf %logistic3A_428, %logistic3A_429 : vector<64x512xf32>
    %slice3A_431 = vector.extract_strided_slice %add3A_416 {offsets = [0, 1024], sizes = [64, 512], strides = [1, 1]} : vector<64x2048xf32> to vector<64x512xf32>
    %tanh3A_432 = math.tanh %slice3A_431 : vector<64x512xf32>
    %slice3A_433 = vector.extract_strided_slice %add3A_416 {offsets = [0, 1536], sizes = [64, 512], strides = [1, 1]} : vector<64x2048xf32> to vector<64x512xf32>
    %logistic3A_434 = arith.negf %slice3A_433 : vector<64x512xf32>
    %logistic3A_435 = math.exp %logistic3A_434 : vector<64x512xf32>
    %logistic3A_436 = arith.constant 1.000000e+00 : f32
    %logistic3A_437 = vector.broadcast %logistic3A_436 : f32 to vector<64x512xf32>
    %logistic3A_438 = arith.addf %logistic3A_437, %logistic3A_435 : vector<64x512xf32>
    %logistic3A_439 = arith.divf %logistic3A_437, %logistic3A_438 : vector<64x512xf32>
    %mul3A_440 = arith.mulf %logistic3A_430, %add3A_401 : vector<64x512xf32>
    %mul3A_441 = arith.mulf %logistic3A_423, %tanh3A_432 : vector<64x512xf32>
    %add3A_442 = arith.addf %mul3A_440, %mul3A_441 : vector<64x512xf32>
    %tanh3A_443 = math.tanh %add3A_442 : vector<64x512xf32>
    %mul3A_444 = arith.mulf %logistic3A_439, %tanh3A_443 : vector<64x512xf32>
    %swap3A_445 = arith.constant 576 : index
    %swap3A_446 = arith.constant 0 : index
    %swap3A_447 = vector.load %arg15[%swap3A_445, %swap3A_446] : memref<1280x512xf32, #tpu.memory_space<vmem>>, vector<64x512xf32>
    tpu.vector_store %arg15[%swap3A_445, %swap3A_446], %mul3A_444 {strides = array<i32>} : memref<1280x512xf32, #tpu.memory_space<vmem>>, vector<64x512xf32>,
    %get3A_448 = arith.constant 640 : index
    %get3A_449 = arith.constant 0 : index
    %get3A_450 = vector.load %arg16[%get3A_448, %get3A_449] : memref<1280x2048xf32, #tpu.memory_space<vmem>>, vector<64x2048xf32>
    %convert_element_type3A_451 = arith.truncf %mul3A_444 : vector<64x512xf32> to vector<64x512xbf16>
    %get3A_452 = arith.constant 0 : index
    %get3A_453 = arith.constant 0 : index
    %get3A_454 = vector.load %arg5[%get3A_452, %get3A_453] : memref<512x2048xbf16, #tpu.memory_space<vmem>>, vector<512x2048xbf16>
    %dot_general3A_455 = arith.constant dense<0.000000e+00> : vector<64x2048xf32>
    %dot_general3A_456 = tpu.matmul %convert_element_type3A_451, %get3A_454, %dot_general3A_455 {dimension_numbers = #tpu.dot_dimension_numbers<[1], [0], [0], [1], [0, 0, 1, 1], [], []>, transpose_lhs_hint = false} : vector<64x512xbf16>, vector<512x2048xbf16>, vector<64x2048xf32> -> vector<64x2048xf32>
    %add3A_457 = arith.addf %get3A_450, %dot_general3A_456 : vector<64x2048xf32>
    %slice3A_458 = vector.extract_strided_slice %add3A_457 {offsets = [0, 0], sizes = [64, 512], strides = [1, 1]} : vector<64x2048xf32> to vector<64x512xf32>
    %logistic3A_459 = arith.negf %slice3A_458 : vector<64x512xf32>
    %logistic3A_460 = math.exp %logistic3A_459 : vector<64x512xf32>
    %logistic3A_461 = arith.constant 1.000000e+00 : f32
    %logistic3A_462 = vector.broadcast %logistic3A_461 : f32 to vector<64x512xf32>
    %logistic3A_463 = arith.addf %logistic3A_462, %logistic3A_460 : vector<64x512xf32>
    %logistic3A_464 = arith.divf %logistic3A_462, %logistic3A_463 : vector<64x512xf32>
    %slice3A_465 = vector.extract_strided_slice %add3A_457 {offsets = [0, 512], sizes = [64, 512], strides = [1, 1]} : vector<64x2048xf32> to vector<64x512xf32>
    %logistic3A_466 = arith.negf %slice3A_465 : vector<64x512xf32>
    %logistic3A_467 = math.exp %logistic3A_466 : vector<64x512xf32>
    %logistic3A_468 = arith.constant 1.000000e+00 : f32
    %logistic3A_469 = vector.broadcast %logistic3A_468 : f32 to vector<64x512xf32>
    %logistic3A_470 = arith.addf %logistic3A_469, %logistic3A_467 : vector<64x512xf32>
    %logistic3A_471 = arith.divf %logistic3A_469, %logistic3A_470 : vector<64x512xf32>
    %slice3A_472 = vector.extract_strided_slice %add3A_457 {offsets = [0, 1024], sizes = [64, 512], strides = [1, 1]} : vector<64x2048xf32> to vector<64x512xf32>
    %tanh3A_473 = math.tanh %slice3A_472 : vector<64x512xf32>
    %slice3A_474 = vector.extract_strided_slice %add3A_457 {offsets = [0, 1536], sizes = [64, 512], strides = [1, 1]} : vector<64x2048xf32> to vector<64x512xf32>
    %logistic3A_475 = arith.negf %slice3A_474 : vector<64x512xf32>
    %logistic3A_476 = math.exp %logistic3A_475 : vector<64x512xf32>
    %logistic3A_477 = arith.constant 1.000000e+00 : f32
    %logistic3A_478 = vector.broadcast %logistic3A_477 : f32 to vector<64x512xf32>
    %logistic3A_479 = arith.addf %logistic3A_478, %logistic3A_476 : vector<64x512xf32>
    %logistic3A_480 = arith.divf %logistic3A_478, %logistic3A_479 : vector<64x512xf32>
    %mul3A_481 = arith.mulf %logistic3A_471, %add3A_442 : vector<64x512xf32>
    %mul3A_482 = arith.mulf %logistic3A_464, %tanh3A_473 : vector<64x512xf32>
    %add3A_483 = arith.addf %mul3A_481, %mul3A_482 : vector<64x512xf32>
    %tanh3A_484 = math.tanh %add3A_483 : vector<64x512xf32>
    %mul3A_485 = arith.mulf %logistic3A_480, %tanh3A_484 : vector<64x512xf32>
    %swap3A_486 = arith.constant 640 : index
    %swap3A_487 = arith.constant 0 : index
    %swap3A_488 = vector.load %arg15[%swap3A_486, %swap3A_487] : memref<1280x512xf32, #tpu.memory_space<vmem>>, vector<64x512xf32>
    tpu.vector_store %arg15[%swap3A_486, %swap3A_487], %mul3A_485 {strides = array<i32>} : memref<1280x512xf32, #tpu.memory_space<vmem>>, vector<64x512xf32>,
    %get3A_489 = arith.constant 704 : index
    %get3A_490 = arith.constant 0 : index
    %get3A_491 = vector.load %arg16[%get3A_489, %get3A_490] : memref<1280x2048xf32, #tpu.memory_space<vmem>>, vector<64x2048xf32>
    %convert_element_type3A_492 = arith.truncf %mul3A_485 : vector<64x512xf32> to vector<64x512xbf16>
    %get3A_493 = arith.constant 0 : index
    %get3A_494 = arith.constant 0 : index
    %get3A_495 = vector.load %arg5[%get3A_493, %get3A_494] : memref<512x2048xbf16, #tpu.memory_space<vmem>>, vector<512x2048xbf16>
    %dot_general3A_496 = arith.constant dense<0.000000e+00> : vector<64x2048xf32>
    %dot_general3A_497 = tpu.matmul %convert_element_type3A_492, %get3A_495, %dot_general3A_496 {dimension_numbers = #tpu.dot_dimension_numbers<[1], [0], [0], [1], [0, 0, 1, 1], [], []>, transpose_lhs_hint = false} : vector<64x512xbf16>, vector<512x2048xbf16>, vector<64x2048xf32> -> vector<64x2048xf32>
    %add3A_498 = arith.addf %get3A_491, %dot_general3A_497 : vector<64x2048xf32>
    %slice3A_499 = vector.extract_strided_slice %add3A_498 {offsets = [0, 0], sizes = [64, 512], strides = [1, 1]} : vector<64x2048xf32> to vector<64x512xf32>
    %logistic3A_500 = arith.negf %slice3A_499 : vector<64x512xf32>
    %logistic3A_501 = math.exp %logistic3A_500 : vector<64x512xf32>
    %logistic3A_502 = arith.constant 1.000000e+00 : f32
    %logistic3A_503 = vector.broadcast %logistic3A_502 : f32 to vector<64x512xf32>
    %logistic3A_504 = arith.addf %logistic3A_503, %logistic3A_501 : vector<64x512xf32>
    %logistic3A_505 = arith.divf %logistic3A_503, %logistic3A_504 : vector<64x512xf32>
    %slice3A_506 = vector.extract_strided_slice %add3A_498 {offsets = [0, 512], sizes = [64, 512], strides = [1, 1]} : vector<64x2048xf32> to vector<64x512xf32>
    %logistic3A_507 = arith.negf %slice3A_506 : vector<64x512xf32>
    %logistic3A_508 = math.exp %logistic3A_507 : vector<64x512xf32>
    %logistic3A_509 = arith.constant 1.000000e+00 : f32
    %logistic3A_510 = vector.broadcast %logistic3A_509 : f32 to vector<64x512xf32>
    %logistic3A_511 = arith.addf %logistic3A_510, %logistic3A_508 : vector<64x512xf32>
    %logistic3A_512 = arith.divf %logistic3A_510, %logistic3A_511 : vector<64x512xf32>
    %slice3A_513 = vector.extract_strided_slice %add3A_498 {offsets = [0, 1024], sizes = [64, 512], strides = [1, 1]} : vector<64x2048xf32> to vector<64x512xf32>
    %tanh3A_514 = math.tanh %slice3A_513 : vector<64x512xf32>
    %slice3A_515 = vector.extract_strided_slice %add3A_498 {offsets = [0, 1536], sizes = [64, 512], strides = [1, 1]} : vector<64x2048xf32> to vector<64x512xf32>
    %logistic3A_516 = arith.negf %slice3A_515 : vector<64x512xf32>
    %logistic3A_517 = math.exp %logistic3A_516 : vector<64x512xf32>
    %logistic3A_518 = arith.constant 1.000000e+00 : f32
    %logistic3A_519 = vector.broadcast %logistic3A_518 : f32 to vector<64x512xf32>
    %logistic3A_520 = arith.addf %logistic3A_519, %logistic3A_517 : vector<64x512xf32>
    %logistic3A_521 = arith.divf %logistic3A_519, %logistic3A_520 : vector<64x512xf32>
    %mul3A_522 = arith.mulf %logistic3A_512, %add3A_483 : vector<64x512xf32>
    %mul3A_523 = arith.mulf %logistic3A_505, %tanh3A_514 : vector<64x512xf32>
    %add3A_524 = arith.addf %mul3A_522, %mul3A_523 : vector<64x512xf32>
    %tanh3A_525 = math.tanh %add3A_524 : vector<64x512xf32>
    %mul3A_526 = arith.mulf %logistic3A_521, %tanh3A_525 : vector<64x512xf32>
    %swap3A_527 = arith.constant 704 : index
    %swap3A_528 = arith.constant 0 : index
    %swap3A_529 = vector.load %arg15[%swap3A_527, %swap3A_528] : memref<1280x512xf32, #tpu.memory_space<vmem>>, vector<64x512xf32>
    tpu.vector_store %arg15[%swap3A_527, %swap3A_528], %mul3A_526 {strides = array<i32>} : memref<1280x512xf32, #tpu.memory_space<vmem>>, vector<64x512xf32>,
    %get3A_530 = arith.constant 768 : index
    %get3A_531 = arith.constant 0 : index
    %get3A_532 = vector.load %arg16[%get3A_530, %get3A_531] : memref<1280x2048xf32, #tpu.memory_space<vmem>>, vector<64x2048xf32>
    %convert_element_type3A_533 = arith.truncf %mul3A_526 : vector<64x512xf32> to vector<64x512xbf16>
    %get3A_534 = arith.constant 0 : index
    %get3A_535 = arith.constant 0 : index
    %get3A_536 = vector.load %arg5[%get3A_534, %get3A_535] : memref<512x2048xbf16, #tpu.memory_space<vmem>>, vector<512x2048xbf16>
    %dot_general3A_537 = arith.constant dense<0.000000e+00> : vector<64x2048xf32>
    %dot_general3A_538 = tpu.matmul %convert_element_type3A_533, %get3A_536, %dot_general3A_537 {dimension_numbers = #tpu.dot_dimension_numbers<[1], [0], [0], [1], [0, 0, 1, 1], [], []>, transpose_lhs_hint = false} : vector<64x512xbf16>, vector<512x2048xbf16>, vector<64x2048xf32> -> vector<64x2048xf32>
    %add3A_539 = arith.addf %get3A_532, %dot_general3A_538 : vector<64x2048xf32>
    %slice3A_540 = vector.extract_strided_slice %add3A_539 {offsets = [0, 0], sizes = [64, 512], strides = [1, 1]} : vector<64x2048xf32> to vector<64x512xf32>
    %logistic3A_541 = arith.negf %slice3A_540 : vector<64x512xf32>
    %logistic3A_542 = math.exp %logistic3A_541 : vector<64x512xf32>
    %logistic3A_543 = arith.constant 1.000000e+00 : f32
    %logistic3A_544 = vector.broadcast %logistic3A_543 : f32 to vector<64x512xf32>
    %logistic3A_545 = arith.addf %logistic3A_544, %logistic3A_542 : vector<64x512xf32>
    %logistic3A_546 = arith.divf %logistic3A_544, %logistic3A_545 : vector<64x512xf32>
    %slice3A_547 = vector.extract_strided_slice %add3A_539 {offsets = [0, 512], sizes = [64, 512], strides = [1, 1]} : vector<64x2048xf32> to vector<64x512xf32>
    %logistic3A_548 = arith.negf %slice3A_547 : vector<64x512xf32>
    %logistic3A_549 = math.exp %logistic3A_548 : vector<64x512xf32>
    %logistic3A_550 = arith.constant 1.000000e+00 : f32
    %logistic3A_551 = vector.broadcast %logistic3A_550 : f32 to vector<64x512xf32>
    %logistic3A_552 = arith.addf %logistic3A_551, %logistic3A_549 : vector<64x512xf32>
    %logistic3A_553 = arith.divf %logistic3A_551, %logistic3A_552 : vector<64x512xf32>
    %slice3A_554 = vector.extract_strided_slice %add3A_539 {offsets = [0, 1024], sizes = [64, 512], strides = [1, 1]} : vector<64x2048xf32> to vector<64x512xf32>
    %tanh3A_555 = math.tanh %slice3A_554 : vector<64x512xf32>
    %slice3A_556 = vector.extract_strided_slice %add3A_539 {offsets = [0, 1536], sizes = [64, 512], strides = [1, 1]} : vector<64x2048xf32> to vector<64x512xf32>
    %logistic3A_557 = arith.negf %slice3A_556 : vector<64x512xf32>
    %logistic3A_558 = math.exp %logistic3A_557 : vector<64x512xf32>
    %logistic3A_559 = arith.constant 1.000000e+00 : f32
    %logistic3A_560 = vector.broadcast %logistic3A_559 : f32 to vector<64x512xf32>
    %logistic3A_561 = arith.addf %logistic3A_560, %logistic3A_558 : vector<64x512xf32>
    %logistic3A_562 = arith.divf %logistic3A_560, %logistic3A_561 : vector<64x512xf32>
    %mul3A_563 = arith.mulf %logistic3A_553, %add3A_524 : vector<64x512xf32>
    %mul3A_564 = arith.mulf %logistic3A_546, %tanh3A_555 : vector<64x512xf32>
    %add3A_565 = arith.addf %mul3A_563, %mul3A_564 : vector<64x512xf32>
    %tanh3A_566 = math.tanh %add3A_565 : vector<64x512xf32>
    %mul3A_567 = arith.mulf %logistic3A_562, %tanh3A_566 : vector<64x512xf32>
    %swap3A_568 = arith.constant 768 : index
    %swap3A_569 = arith.constant 0 : index
    %swap3A_570 = vector.load %arg15[%swap3A_568, %swap3A_569] : memref<1280x512xf32, #tpu.memory_space<vmem>>, vector<64x512xf32>
    tpu.vector_store %arg15[%swap3A_568, %swap3A_569], %mul3A_567 {strides = array<i32>} : memref<1280x512xf32, #tpu.memory_space<vmem>>, vector<64x512xf32>,
    %get3A_571 = arith.constant 832 : index
    %get3A_572 = arith.constant 0 : index
    %get3A_573 = vector.load %arg16[%get3A_571, %get3A_572] : memref<1280x2048xf32, #tpu.memory_space<vmem>>, vector<64x2048xf32>
    %convert_element_type3A_574 = arith.truncf %mul3A_567 : vector<64x512xf32> to vector<64x512xbf16>
    %get3A_575 = arith.constant 0 : index
    %get3A_576 = arith.constant 0 : index
    %get3A_577 = vector.load %arg5[%get3A_575, %get3A_576] : memref<512x2048xbf16, #tpu.memory_space<vmem>>, vector<512x2048xbf16>
    %dot_general3A_578 = arith.constant dense<0.000000e+00> : vector<64x2048xf32>
    %dot_general3A_579 = tpu.matmul %convert_element_type3A_574, %get3A_577, %dot_general3A_578 {dimension_numbers = #tpu.dot_dimension_numbers<[1], [0], [0], [1], [0, 0, 1, 1], [], []>, transpose_lhs_hint = false} : vector<64x512xbf16>, vector<512x2048xbf16>, vector<64x2048xf32> -> vector<64x2048xf32>
    %add3A_580 = arith.addf %get3A_573, %dot_general3A_579 : vector<64x2048xf32>
    %slice3A_581 = vector.extract_strided_slice %add3A_580 {offsets = [0, 0], sizes = [64, 512], strides = [1, 1]} : vector<64x2048xf32> to vector<64x512xf32>
    %logistic3A_582 = arith.negf %slice3A_581 : vector<64x512xf32>
    %logistic3A_583 = math.exp %logistic3A_582 : vector<64x512xf32>
    %logistic3A_584 = arith.constant 1.000000e+00 : f32
    %logistic3A_585 = vector.broadcast %logistic3A_584 : f32 to vector<64x512xf32>
    %logistic3A_586 = arith.addf %logistic3A_585, %logistic3A_583 : vector<64x512xf32>
    %logistic3A_587 = arith.divf %logistic3A_585, %logistic3A_586 : vector<64x512xf32>
    %slice3A_588 = vector.extract_strided_slice %add3A_580 {offsets = [0, 512], sizes = [64, 512], strides = [1, 1]} : vector<64x2048xf32> to vector<64x512xf32>
    %logistic3A_589 = arith.negf %slice3A_588 : vector<64x512xf32>
    %logistic3A_590 = math.exp %logistic3A_589 : vector<64x512xf32>
    %logistic3A_591 = arith.constant 1.000000e+00 : f32
    %logistic3A_592 = vector.broadcast %logistic3A_591 : f32 to vector<64x512xf32>
    %logistic3A_593 = arith.addf %logistic3A_592, %logistic3A_590 : vector<64x512xf32>
    %logistic3A_594 = arith.divf %logistic3A_592, %logistic3A_593 : vector<64x512xf32>
    %slice3A_595 = vector.extract_strided_slice %add3A_580 {offsets = [0, 1024], sizes = [64, 512], strides = [1, 1]} : vector<64x2048xf32> to vector<64x512xf32>
    %tanh3A_596 = math.tanh %slice3A_595 : vector<64x512xf32>
    %slice3A_597 = vector.extract_strided_slice %add3A_580 {offsets = [0, 1536], sizes = [64, 512], strides = [1, 1]} : vector<64x2048xf32> to vector<64x512xf32>
    %logistic3A_598 = arith.negf %slice3A_597 : vector<64x512xf32>
    %logistic3A_599 = math.exp %logistic3A_598 : vector<64x512xf32>
    %logistic3A_600 = arith.constant 1.000000e+00 : f32
    %logistic3A_601 = vector.broadcast %logistic3A_600 : f32 to vector<64x512xf32>
    %logistic3A_602 = arith.addf %logistic3A_601, %logistic3A_599 : vector<64x512xf32>
    %logistic3A_603 = arith.divf %logistic3A_601, %logistic3A_602 : vector<64x512xf32>
    %mul3A_604 = arith.mulf %logistic3A_594, %add3A_565 : vector<64x512xf32>
    %mul3A_605 = arith.mulf %logistic3A_587, %tanh3A_596 : vector<64x512xf32>
    %add3A_606 = arith.addf %mul3A_604, %mul3A_605 : vector<64x512xf32>
    %tanh3A_607 = math.tanh %add3A_606 : vector<64x512xf32>
    %mul3A_608 = arith.mulf %logistic3A_603, %tanh3A_607 : vector<64x512xf32>
    %swap3A_609 = arith.constant 832 : index
    %swap3A_610 = arith.constant 0 : index
    %swap3A_611 = vector.load %arg15[%swap3A_609, %swap3A_610] : memref<1280x512xf32, #tpu.memory_space<vmem>>, vector<64x512xf32>
    tpu.vector_store %arg15[%swap3A_609, %swap3A_610], %mul3A_608 {strides = array<i32>} : memref<1280x512xf32, #tpu.memory_space<vmem>>, vector<64x512xf32>,
    %get3A_612 = arith.constant 896 : index
    %get3A_613 = arith.constant 0 : index
    %get3A_614 = vector.load %arg16[%get3A_612, %get3A_613] : memref<1280x2048xf32, #tpu.memory_space<vmem>>, vector<64x2048xf32>
    %convert_element_type3A_615 = arith.truncf %mul3A_608 : vector<64x512xf32> to vector<64x512xbf16>
    %get3A_616 = arith.constant 0 : index
    %get3A_617 = arith.constant 0 : index
    %get3A_618 = vector.load %arg5[%get3A_616, %get3A_617] : memref<512x2048xbf16, #tpu.memory_space<vmem>>, vector<512x2048xbf16>
    %dot_general3A_619 = arith.constant dense<0.000000e+00> : vector<64x2048xf32>
    %dot_general3A_620 = tpu.matmul %convert_element_type3A_615, %get3A_618, %dot_general3A_619 {dimension_numbers = #tpu.dot_dimension_numbers<[1], [0], [0], [1], [0, 0, 1, 1], [], []>, transpose_lhs_hint = false} : vector<64x512xbf16>, vector<512x2048xbf16>, vector<64x2048xf32> -> vector<64x2048xf32>
    %add3A_621 = arith.addf %get3A_614, %dot_general3A_620 : vector<64x2048xf32>
    %slice3A_622 = vector.extract_strided_slice %add3A_621 {offsets = [0, 0], sizes = [64, 512], strides = [1, 1]} : vector<64x2048xf32> to vector<64x512xf32>
    %logistic3A_623 = arith.negf %slice3A_622 : vector<64x512xf32>
    %logistic3A_624 = math.exp %logistic3A_623 : vector<64x512xf32>
    %logistic3A_625 = arith.constant 1.000000e+00 : f32
    %logistic3A_626 = vector.broadcast %logistic3A_625 : f32 to vector<64x512xf32>
    %logistic3A_627 = arith.addf %logistic3A_626, %logistic3A_624 : vector<64x512xf32>
    %logistic3A_628 = arith.divf %logistic3A_626, %logistic3A_627 : vector<64x512xf32>
    %slice3A_629 = vector.extract_strided_slice %add3A_621 {offsets = [0, 512], sizes = [64, 512], strides = [1, 1]} : vector<64x2048xf32> to vector<64x512xf32>
    %logistic3A_630 = arith.negf %slice3A_629 : vector<64x512xf32>
    %logistic3A_631 = math.exp %logistic3A_630 : vector<64x512xf32>
    %logistic3A_632 = arith.constant 1.000000e+00 : f32
    %logistic3A_633 = vector.broadcast %logistic3A_632 : f32 to vector<64x512xf32>
    %logistic3A_634 = arith.addf %logistic3A_633, %logistic3A_631 : vector<64x512xf32>
    %logistic3A_635 = arith.divf %logistic3A_633, %logistic3A_634 : vector<64x512xf32>
    %slice3A_636 = vector.extract_strided_slice %add3A_621 {offsets = [0, 1024], sizes = [64, 512], strides = [1, 1]} : vector<64x2048xf32> to vector<64x512xf32>
    %tanh3A_637 = math.tanh %slice3A_636 : vector<64x512xf32>
    %slice3A_638 = vector.extract_strided_slice %add3A_621 {offsets = [0, 1536], sizes = [64, 512], strides = [1, 1]} : vector<64x2048xf32> to vector<64x512xf32>
    %logistic3A_639 = arith.negf %slice3A_638 : vector<64x512xf32>
    %logistic3A_640 = math.exp %logistic3A_639 : vector<64x512xf32>
    %logistic3A_641 = arith.constant 1.000000e+00 : f32
    %logistic3A_642 = vector.broadcast %logistic3A_641 : f32 to vector<64x512xf32>
    %logistic3A_643 = arith.addf %logistic3A_642, %logistic3A_640 : vector<64x512xf32>
    %logistic3A_644 = arith.divf %logistic3A_642, %logistic3A_643 : vector<64x512xf32>
    %mul3A_645 = arith.mulf %logistic3A_635, %add3A_606 : vector<64x512xf32>
    %mul3A_646 = arith.mulf %logistic3A_628, %tanh3A_637 : vector<64x512xf32>
    %add3A_647 = arith.addf %mul3A_645, %mul3A_646 : vector<64x512xf32>
    %tanh3A_648 = math.tanh %add3A_647 : vector<64x512xf32>
    %mul3A_649 = arith.mulf %logistic3A_644, %tanh3A_648 : vector<64x512xf32>
    %swap3A_650 = arith.constant 896 : index
    %swap3A_651 = arith.constant 0 : index
    %swap3A_652 = vector.load %arg15[%swap3A_650, %swap3A_651] : memref<1280x512xf32, #tpu.memory_space<vmem>>, vector<64x512xf32>
    tpu.vector_store %arg15[%swap3A_650, %swap3A_651], %mul3A_649 {strides = array<i32>} : memref<1280x512xf32, #tpu.memory_space<vmem>>, vector<64x512xf32>,
    %get3A_653 = arith.constant 960 : index
    %get3A_654 = arith.constant 0 : index
    %get3A_655 = vector.load %arg16[%get3A_653, %get3A_654] : memref<1280x2048xf32, #tpu.memory_space<vmem>>, vector<64x2048xf32>
    %convert_element_type3A_656 = arith.truncf %mul3A_649 : vector<64x512xf32> to vector<64x512xbf16>
    %get3A_657 = arith.constant 0 : index
    %get3A_658 = arith.constant 0 : index
    %get3A_659 = vector.load %arg5[%get3A_657, %get3A_658] : memref<512x2048xbf16, #tpu.memory_space<vmem>>, vector<512x2048xbf16>
    %dot_general3A_660 = arith.constant dense<0.000000e+00> : vector<64x2048xf32>
    %dot_general3A_661 = tpu.matmul %convert_element_type3A_656, %get3A_659, %dot_general3A_660 {dimension_numbers = #tpu.dot_dimension_numbers<[1], [0], [0], [1], [0, 0, 1, 1], [], []>, transpose_lhs_hint = false} : vector<64x512xbf16>, vector<512x2048xbf16>, vector<64x2048xf32> -> vector<64x2048xf32>
    %add3A_662 = arith.addf %get3A_655, %dot_general3A_661 : vector<64x2048xf32>
    %slice3A_663 = vector.extract_strided_slice %add3A_662 {offsets = [0, 0], sizes = [64, 512], strides = [1, 1]} : vector<64x2048xf32> to vector<64x512xf32>
    %logistic3A_664 = arith.negf %slice3A_663 : vector<64x512xf32>
    %logistic3A_665 = math.exp %logistic3A_664 : vector<64x512xf32>
    %logistic3A_666 = arith.constant 1.000000e+00 : f32
    %logistic3A_667 = vector.broadcast %logistic3A_666 : f32 to vector<64x512xf32>
    %logistic3A_668 = arith.addf %logistic3A_667, %logistic3A_665 : vector<64x512xf32>
    %logistic3A_669 = arith.divf %logistic3A_667, %logistic3A_668 : vector<64x512xf32>
    %slice3A_670 = vector.extract_strided_slice %add3A_662 {offsets = [0, 512], sizes = [64, 512], strides = [1, 1]} : vector<64x2048xf32> to vector<64x512xf32>
    %logistic3A_671 = arith.negf %slice3A_670 : vector<64x512xf32>
    %logistic3A_672 = math.exp %logistic3A_671 : vector<64x512xf32>
    %logistic3A_673 = arith.constant 1.000000e+00 : f32
    %logistic3A_674 = vector.broadcast %logistic3A_673 : f32 to vector<64x512xf32>
    %logistic3A_675 = arith.addf %logistic3A_674, %logistic3A_672 : vector<64x512xf32>
    %logistic3A_676 = arith.divf %logistic3A_674, %logistic3A_675 : vector<64x512xf32>
    %slice3A_677 = vector.extract_strided_slice %add3A_662 {offsets = [0, 1024], sizes = [64, 512], strides = [1, 1]} : vector<64x2048xf32> to vector<64x512xf32>
    %tanh3A_678 = math.tanh %slice3A_677 : vector<64x512xf32>
    %slice3A_679 = vector.extract_strided_slice %add3A_662 {offsets = [0, 1536], sizes = [64, 512], strides = [1, 1]} : vector<64x2048xf32> to vector<64x512xf32>
    %logistic3A_680 = arith.negf %slice3A_679 : vector<64x512xf32>
    %logistic3A_681 = math.exp %logistic3A_680 : vector<64x512xf32>
    %logistic3A_682 = arith.constant 1.000000e+00 : f32
    %logistic3A_683 = vector.broadcast %logistic3A_682 : f32 to vector<64x512xf32>
    %logistic3A_684 = arith.addf %logistic3A_683, %logistic3A_681 : vector<64x512xf32>
    %logistic3A_685 = arith.divf %logistic3A_683, %logistic3A_684 : vector<64x512xf32>
    %mul3A_686 = arith.mulf %logistic3A_676, %add3A_647 : vector<64x512xf32>
    %mul3A_687 = arith.mulf %logistic3A_669, %tanh3A_678 : vector<64x512xf32>
    %add3A_688 = arith.addf %mul3A_686, %mul3A_687 : vector<64x512xf32>
    %tanh3A_689 = math.tanh %add3A_688 : vector<64x512xf32>
    %mul3A_690 = arith.mulf %logistic3A_685, %tanh3A_689 : vector<64x512xf32>
    %swap3A_691 = arith.constant 960 : index
    %swap3A_692 = arith.constant 0 : index
    %swap3A_693 = vector.load %arg15[%swap3A_691, %swap3A_692] : memref<1280x512xf32, #tpu.memory_space<vmem>>, vector<64x512xf32>
    tpu.vector_store %arg15[%swap3A_691, %swap3A_692], %mul3A_690 {strides = array<i32>} : memref<1280x512xf32, #tpu.memory_space<vmem>>, vector<64x512xf32>,
    %get3A_694 = arith.constant 1024 : index
    %get3A_695 = arith.constant 0 : index
    %get3A_696 = vector.load %arg16[%get3A_694, %get3A_695] : memref<1280x2048xf32, #tpu.memory_space<vmem>>, vector<64x2048xf32>
    %convert_element_type3A_697 = arith.truncf %mul3A_690 : vector<64x512xf32> to vector<64x512xbf16>
    %get3A_698 = arith.constant 0 : index
    %get3A_699 = arith.constant 0 : index
    %get3A_700 = vector.load %arg5[%get3A_698, %get3A_699] : memref<512x2048xbf16, #tpu.memory_space<vmem>>, vector<512x2048xbf16>
    %dot_general3A_701 = arith.constant dense<0.000000e+00> : vector<64x2048xf32>
    %dot_general3A_702 = tpu.matmul %convert_element_type3A_697, %get3A_700, %dot_general3A_701 {dimension_numbers = #tpu.dot_dimension_numbers<[1], [0], [0], [1], [0, 0, 1, 1], [], []>, transpose_lhs_hint = false} : vector<64x512xbf16>, vector<512x2048xbf16>, vector<64x2048xf32> -> vector<64x2048xf32>
    %add3A_703 = arith.addf %get3A_696, %dot_general3A_702 : vector<64x2048xf32>
    %slice3A_704 = vector.extract_strided_slice %add3A_703 {offsets = [0, 0], sizes = [64, 512], strides = [1, 1]} : vector<64x2048xf32> to vector<64x512xf32>
    %logistic3A_705 = arith.negf %slice3A_704 : vector<64x512xf32>
    %logistic3A_706 = math.exp %logistic3A_705 : vector<64x512xf32>
    %logistic3A_707 = arith.constant 1.000000e+00 : f32
    %logistic3A_708 = vector.broadcast %logistic3A_707 : f32 to vector<64x512xf32>
    %logistic3A_709 = arith.addf %logistic3A_708, %logistic3A_706 : vector<64x512xf32>
    %logistic3A_710 = arith.divf %logistic3A_708, %logistic3A_709 : vector<64x512xf32>
    %slice3A_711 = vector.extract_strided_slice %add3A_703 {offsets = [0, 512], sizes = [64, 512], strides = [1, 1]} : vector<64x2048xf32> to vector<64x512xf32>
    %logistic3A_712 = arith.negf %slice3A_711 : vector<64x512xf32>
    %logistic3A_713 = math.exp %logistic3A_712 : vector<64x512xf32>
    %logistic3A_714 = arith.constant 1.000000e+00 : f32
    %logistic3A_715 = vector.broadcast %logistic3A_714 : f32 to vector<64x512xf32>
    %logistic3A_716 = arith.addf %logistic3A_715, %logistic3A_713 : vector<64x512xf32>
    %logistic3A_717 = arith.divf %logistic3A_715, %logistic3A_716 : vector<64x512xf32>
    %slice3A_718 = vector.extract_strided_slice %add3A_703 {offsets = [0, 1024], sizes = [64, 512], strides = [1, 1]} : vector<64x2048xf32> to vector<64x512xf32>
    %tanh3A_719 = math.tanh %slice3A_718 : vector<64x512xf32>
    %slice3A_720 = vector.extract_strided_slice %add3A_703 {offsets = [0, 1536], sizes = [64, 512], strides = [1, 1]} : vector<64x2048xf32> to vector<64x512xf32>
    %logistic3A_721 = arith.negf %slice3A_720 : vector<64x512xf32>
    %logistic3A_722 = math.exp %logistic3A_721 : vector<64x512xf32>
    %logistic3A_723 = arith.constant 1.000000e+00 : f32
    %logistic3A_724 = vector.broadcast %logistic3A_723 : f32 to vector<64x512xf32>
    %logistic3A_725 = arith.addf %logistic3A_724, %logistic3A_722 : vector<64x512xf32>
    %logistic3A_726 = arith.divf %logistic3A_724, %logistic3A_725 : vector<64x512xf32>
    %mul3A_727 = arith.mulf %logistic3A_717, %add3A_688 : vector<64x512xf32>
    %mul3A_728 = arith.mulf %logistic3A_710, %tanh3A_719 : vector<64x512xf32>
    %add3A_729 = arith.addf %mul3A_727, %mul3A_728 : vector<64x512xf32>
    %tanh3A_730 = math.tanh %add3A_729 : vector<64x512xf32>
    %mul3A_731 = arith.mulf %logistic3A_726, %tanh3A_730 : vector<64x512xf32>
    %swap3A_732 = arith.constant 1024 : index
    %swap3A_733 = arith.constant 0 : index
    %swap3A_734 = vector.load %arg15[%swap3A_732, %swap3A_733] : memref<1280x512xf32, #tpu.memory_space<vmem>>, vector<64x512xf32>
    tpu.vector_store %arg15[%swap3A_732, %swap3A_733], %mul3A_731 {strides = array<i32>} : memref<1280x512xf32, #tpu.memory_space<vmem>>, vector<64x512xf32>,
    %get3A_735 = arith.constant 1088 : index
    %get3A_736 = arith.constant 0 : index
    %get3A_737 = vector.load %arg16[%get3A_735, %get3A_736] : memref<1280x2048xf32, #tpu.memory_space<vmem>>, vector<64x2048xf32>
    %convert_element_type3A_738 = arith.truncf %mul3A_731 : vector<64x512xf32> to vector<64x512xbf16>
    %get3A_739 = arith.constant 0 : index
    %get3A_740 = arith.constant 0 : index
    %get3A_741 = vector.load %arg5[%get3A_739, %get3A_740] : memref<512x2048xbf16, #tpu.memory_space<vmem>>, vector<512x2048xbf16>
    %dot_general3A_742 = arith.constant dense<0.000000e+00> : vector<64x2048xf32>
    %dot_general3A_743 = tpu.matmul %convert_element_type3A_738, %get3A_741, %dot_general3A_742 {dimension_numbers = #tpu.dot_dimension_numbers<[1], [0], [0], [1], [0, 0, 1, 1], [], []>, transpose_lhs_hint = false} : vector<64x512xbf16>, vector<512x2048xbf16>, vector<64x2048xf32> -> vector<64x2048xf32>
    %add3A_744 = arith.addf %get3A_737, %dot_general3A_743 : vector<64x2048xf32>
    %slice3A_745 = vector.extract_strided_slice %add3A_744 {offsets = [0, 0], sizes = [64, 512], strides = [1, 1]} : vector<64x2048xf32> to vector<64x512xf32>
    %logistic3A_746 = arith.negf %slice3A_745 : vector<64x512xf32>
    %logistic3A_747 = math.exp %logistic3A_746 : vector<64x512xf32>
    %logistic3A_748 = arith.constant 1.000000e+00 : f32
    %logistic3A_749 = vector.broadcast %logistic3A_748 : f32 to vector<64x512xf32>
    %logistic3A_750 = arith.addf %logistic3A_749, %logistic3A_747 : vector<64x512xf32>
    %logistic3A_751 = arith.divf %logistic3A_749, %logistic3A_750 : vector<64x512xf32>
    %slice3A_752 = vector.extract_strided_slice %add3A_744 {offsets = [0, 512], sizes = [64, 512], strides = [1, 1]} : vector<64x2048xf32> to vector<64x512xf32>
    %logistic3A_753 = arith.negf %slice3A_752 : vector<64x512xf32>
    %logistic3A_754 = math.exp %logistic3A_753 : vector<64x512xf32>
    %logistic3A_755 = arith.constant 1.000000e+00 : f32
    %logistic3A_756 = vector.broadcast %logistic3A_755 : f32 to vector<64x512xf32>
    %logistic3A_757 = arith.addf %logistic3A_756, %logistic3A_754 : vector<64x512xf32>
    %logistic3A_758 = arith.divf %logistic3A_756, %logistic3A_757 : vector<64x512xf32>
    %slice3A_759 = vector.extract_strided_slice %add3A_744 {offsets = [0, 1024], sizes = [64, 512], strides = [1, 1]} : vector<64x2048xf32> to vector<64x512xf32>
    %tanh3A_760 = math.tanh %slice3A_759 : vector<64x512xf32>
    %slice3A_761 = vector.extract_strided_slice %add3A_744 {offsets = [0, 1536], sizes = [64, 512], strides = [1, 1]} : vector<64x2048xf32> to vector<64x512xf32>
    %logistic3A_762 = arith.negf %slice3A_761 : vector<64x512xf32>
    %logistic3A_763 = math.exp %logistic3A_762 : vector<64x512xf32>
    %logistic3A_764 = arith.constant 1.000000e+00 : f32
    %logistic3A_765 = vector.broadcast %logistic3A_764 : f32 to vector<64x512xf32>
    %logistic3A_766 = arith.addf %logistic3A_765, %logistic3A_763 : vector<64x512xf32>
    %logistic3A_767 = arith.divf %logistic3A_765, %logistic3A_766 : vector<64x512xf32>
    %mul3A_768 = arith.mulf %logistic3A_758, %add3A_729 : vector<64x512xf32>
    %mul3A_769 = arith.mulf %logistic3A_751, %tanh3A_760 : vector<64x512xf32>
    %add3A_770 = arith.addf %mul3A_768, %mul3A_769 : vector<64x512xf32>
    %tanh3A_771 = math.tanh %add3A_770 : vector<64x512xf32>
    %mul3A_772 = arith.mulf %logistic3A_767, %tanh3A_771 : vector<64x512xf32>
    %swap3A_773 = arith.constant 1088 : index
    %swap3A_774 = arith.constant 0 : index
    %swap3A_775 = vector.load %arg15[%swap3A_773, %swap3A_774] : memref<1280x512xf32, #tpu.memory_space<vmem>>, vector<64x512xf32>
    tpu.vector_store %arg15[%swap3A_773, %swap3A_774], %mul3A_772 {strides = array<i32>} : memref<1280x512xf32, #tpu.memory_space<vmem>>, vector<64x512xf32>,
    %get3A_776 = arith.constant 1152 : index
    %get3A_777 = arith.constant 0 : index
    %get3A_778 = vector.load %arg16[%get3A_776, %get3A_777] : memref<1280x2048xf32, #tpu.memory_space<vmem>>, vector<64x2048xf32>
    %convert_element_type3A_779 = arith.truncf %mul3A_772 : vector<64x512xf32> to vector<64x512xbf16>
    %get3A_780 = arith.constant 0 : index
    %get3A_781 = arith.constant 0 : index
    %get3A_782 = vector.load %arg5[%get3A_780, %get3A_781] : memref<512x2048xbf16, #tpu.memory_space<vmem>>, vector<512x2048xbf16>
    %dot_general3A_783 = arith.constant dense<0.000000e+00> : vector<64x2048xf32>
    %dot_general3A_784 = tpu.matmul %convert_element_type3A_779, %get3A_782, %dot_general3A_783 {dimension_numbers = #tpu.dot_dimension_numbers<[1], [0], [0], [1], [0, 0, 1, 1], [], []>, transpose_lhs_hint = false} : vector<64x512xbf16>, vector<512x2048xbf16>, vector<64x2048xf32> -> vector<64x2048xf32>
    %add3A_785 = arith.addf %get3A_778, %dot_general3A_784 : vector<64x2048xf32>
    %slice3A_786 = vector.extract_strided_slice %add3A_785 {offsets = [0, 0], sizes = [64, 512], strides = [1, 1]} : vector<64x2048xf32> to vector<64x512xf32>
    %logistic3A_787 = arith.negf %slice3A_786 : vector<64x512xf32>
    %logistic3A_788 = math.exp %logistic3A_787 : vector<64x512xf32>
    %logistic3A_789 = arith.constant 1.000000e+00 : f32
    %logistic3A_790 = vector.broadcast %logistic3A_789 : f32 to vector<64x512xf32>
    %logistic3A_791 = arith.addf %logistic3A_790, %logistic3A_788 : vector<64x512xf32>
    %logistic3A_792 = arith.divf %logistic3A_790, %logistic3A_791 : vector<64x512xf32>
    %slice3A_793 = vector.extract_strided_slice %add3A_785 {offsets = [0, 512], sizes = [64, 512], strides = [1, 1]} : vector<64x2048xf32> to vector<64x512xf32>
    %logistic3A_794 = arith.negf %slice3A_793 : vector<64x512xf32>
    %logistic3A_795 = math.exp %logistic3A_794 : vector<64x512xf32>
    %logistic3A_796 = arith.constant 1.000000e+00 : f32
    %logistic3A_797 = vector.broadcast %logistic3A_796 : f32 to vector<64x512xf32>
    %logistic3A_798 = arith.addf %logistic3A_797, %logistic3A_795 : vector<64x512xf32>
    %logistic3A_799 = arith.divf %logistic3A_797, %logistic3A_798 : vector<64x512xf32>
    %slice3A_800 = vector.extract_strided_slice %add3A_785 {offsets = [0, 1024], sizes = [64, 512], strides = [1, 1]} : vector<64x2048xf32> to vector<64x512xf32>
    %tanh3A_801 = math.tanh %slice3A_800 : vector<64x512xf32>
    %slice3A_802 = vector.extract_strided_slice %add3A_785 {offsets = [0, 1536], sizes = [64, 512], strides = [1, 1]} : vector<64x2048xf32> to vector<64x512xf32>
    %logistic3A_803 = arith.negf %slice3A_802 : vector<64x512xf32>
    %logistic3A_804 = math.exp %logistic3A_803 : vector<64x512xf32>
    %logistic3A_805 = arith.constant 1.000000e+00 : f32
    %logistic3A_806 = vector.broadcast %logistic3A_805 : f32 to vector<64x512xf32>
    %logistic3A_807 = arith.addf %logistic3A_806, %logistic3A_804 : vector<64x512xf32>
    %logistic3A_808 = arith.divf %logistic3A_806, %logistic3A_807 : vector<64x512xf32>
    %mul3A_809 = arith.mulf %logistic3A_799, %add3A_770 : vector<64x512xf32>
    %mul3A_810 = arith.mulf %logistic3A_792, %tanh3A_801 : vector<64x512xf32>
    %add3A_811 = arith.addf %mul3A_809, %mul3A_810 : vector<64x512xf32>
    %tanh3A_812 = math.tanh %add3A_811 : vector<64x512xf32>
    %mul3A_813 = arith.mulf %logistic3A_808, %tanh3A_812 : vector<64x512xf32>
    %swap3A_814 = arith.constant 1152 : index
    %swap3A_815 = arith.constant 0 : index
    %swap3A_816 = vector.load %arg15[%swap3A_814, %swap3A_815] : memref<1280x512xf32, #tpu.memory_space<vmem>>, vector<64x512xf32>
    tpu.vector_store %arg15[%swap3A_814, %swap3A_815], %mul3A_813 {strides = array<i32>} : memref<1280x512xf32, #tpu.memory_space<vmem>>, vector<64x512xf32>,
    %get3A_817 = arith.constant 1216 : index
    %get3A_818 = arith.constant 0 : index
    %get3A_819 = vector.load %arg16[%get3A_817, %get3A_818] : memref<1280x2048xf32, #tpu.memory_space<vmem>>, vector<64x2048xf32>
    %convert_element_type3A_820 = arith.truncf %mul3A_813 : vector<64x512xf32> to vector<64x512xbf16>
    %get3A_821 = arith.constant 0 : index
    %get3A_822 = arith.constant 0 : index
    %get3A_823 = vector.load %arg5[%get3A_821, %get3A_822] : memref<512x2048xbf16, #tpu.memory_space<vmem>>, vector<512x2048xbf16>
    %dot_general3A_824 = arith.constant dense<0.000000e+00> : vector<64x2048xf32>
    %dot_general3A_825 = tpu.matmul %convert_element_type3A_820, %get3A_823, %dot_general3A_824 {dimension_numbers = #tpu.dot_dimension_numbers<[1], [0], [0], [1], [0, 0, 1, 1], [], []>, transpose_lhs_hint = false} : vector<64x512xbf16>, vector<512x2048xbf16>, vector<64x2048xf32> -> vector<64x2048xf32>
    %add3A_826 = arith.addf %get3A_819, %dot_general3A_825 : vector<64x2048xf32>
    %slice3A_827 = vector.extract_strided_slice %add3A_826 {offsets = [0, 0], sizes = [64, 512], strides = [1, 1]} : vector<64x2048xf32> to vector<64x512xf32>
    %logistic3A_828 = arith.negf %slice3A_827 : vector<64x512xf32>
    %logistic3A_829 = math.exp %logistic3A_828 : vector<64x512xf32>
    %logistic3A_830 = arith.constant 1.000000e+00 : f32
    %logistic3A_831 = vector.broadcast %logistic3A_830 : f32 to vector<64x512xf32>
    %logistic3A_832 = arith.addf %logistic3A_831, %logistic3A_829 : vector<64x512xf32>
    %logistic3A_833 = arith.divf %logistic3A_831, %logistic3A_832 : vector<64x512xf32>
    %slice3A_834 = vector.extract_strided_slice %add3A_826 {offsets = [0, 512], sizes = [64, 512], strides = [1, 1]} : vector<64x2048xf32> to vector<64x512xf32>
    %logistic3A_835 = arith.negf %slice3A_834 : vector<64x512xf32>
    %logistic3A_836 = math.exp %logistic3A_835 : vector<64x512xf32>
    %logistic3A_837 = arith.constant 1.000000e+00 : f32
    %logistic3A_838 = vector.broadcast %logistic3A_837 : f32 to vector<64x512xf32>
    %logistic3A_839 = arith.addf %logistic3A_838, %logistic3A_836 : vector<64x512xf32>
    %logistic3A_840 = arith.divf %logistic3A_838, %logistic3A_839 : vector<64x512xf32>
    %slice3A_841 = vector.extract_strided_slice %add3A_826 {offsets = [0, 1024], sizes = [64, 512], strides = [1, 1]} : vector<64x2048xf32> to vector<64x512xf32>
    %tanh3A_842 = math.tanh %slice3A_841 : vector<64x512xf32>
    %slice3A_843 = vector.extract_strided_slice %add3A_826 {offsets = [0, 1536], sizes = [64, 512], strides = [1, 1]} : vector<64x2048xf32> to vector<64x512xf32>
    %logistic3A_844 = arith.negf %slice3A_843 : vector<64x512xf32>
    %logistic3A_845 = math.exp %logistic3A_844 : vector<64x512xf32>
    %logistic3A_846 = arith.constant 1.000000e+00 : f32
    %logistic3A_847 = vector.broadcast %logistic3A_846 : f32 to vector<64x512xf32>
    %logistic3A_848 = arith.addf %logistic3A_847, %logistic3A_845 : vector<64x512xf32>
    %logistic3A_849 = arith.divf %logistic3A_847, %logistic3A_848 : vector<64x512xf32>
    %mul3A_850 = arith.mulf %logistic3A_840, %add3A_811 : vector<64x512xf32>
    %mul3A_851 = arith.mulf %logistic3A_833, %tanh3A_842 : vector<64x512xf32>
    %add3A_852 = arith.addf %mul3A_850, %mul3A_851 : vector<64x512xf32>
    %tanh3A_853 = math.tanh %add3A_852 : vector<64x512xf32>
    %mul3A_854 = arith.mulf %logistic3A_849, %tanh3A_853 : vector<64x512xf32>
    %swap3A_855 = arith.constant 1216 : index
    %swap3A_856 = arith.constant 0 : index
    %swap3A_857 = vector.load %arg15[%swap3A_855, %swap3A_856] : memref<1280x512xf32, #tpu.memory_space<vmem>>, vector<64x512xf32>
    tpu.vector_store %arg15[%swap3A_855, %swap3A_856], %mul3A_854 {strides = array<i32>} : memref<1280x512xf32, #tpu.memory_space<vmem>>, vector<64x512xf32>,
    %swap3A_858 = arith.constant 0 : index
    %swap3A_859 = arith.constant 0 : index
    %swap3A_860 = arith.constant 0 : index
    %swap3A_861 = vector.load %arg13[%swap3A_858, %swap3A_859, %swap3A_860] : memref<3x64x512xf32, #tpu.memory_space<vmem>>, vector<1x64x512xf32>
    %swap3A_862 = vector.shape_cast %swap3A_861 : vector<1x64x512xf32> to vector<64x512xf32>
    %swap3A_863 = vector.shape_cast %mul3A_854 : vector<64x512xf32> to vector<1x64x512xf32>
    tpu.vector_store %arg13[%swap3A_858, %swap3A_859, %swap3A_860], %swap3A_863 {strides = array<i32>} : memref<3x64x512xf32, #tpu.memory_space<vmem>>, vector<1x64x512xf32>,
    %swap3A_864 = arith.constant 0 : index
    %swap3A_865 = arith.constant 0 : index
    %swap3A_866 = arith.constant 0 : index
    %swap3A_867 = vector.load %arg14[%swap3A_864, %swap3A_865, %swap3A_866] : memref<3x64x512xf32, #tpu.memory_space<vmem>>, vector<1x64x512xf32>
    %swap3A_868 = vector.shape_cast %swap3A_867 : vector<1x64x512xf32> to vector<64x512xf32>
    %swap3A_869 = vector.shape_cast %add3A_852 : vector<64x512xf32> to vector<1x64x512xf32>
    tpu.vector_store %arg14[%swap3A_864, %swap3A_865, %swap3A_866], %swap3A_869 {strides = array<i32>} : memref<3x64x512xf32, #tpu.memory_space<vmem>>, vector<1x64x512xf32>,
    %get3A_870 = arith.constant 0 : index
    %get3A_871 = arith.constant 0 : index
    %get3A_872 = vector.load %arg15[%get3A_870, %get3A_871] : memref<1280x512xf32, #tpu.memory_space<vmem>>, vector<1280x512xf32>
    %get3A_873 = arith.constant 0 : index
    %get3A_874 = arith.constant 0 : index
    %get3A_875 = vector.load %arg7[%get3A_873, %get3A_874] : memref<512x2048xf32, #tpu.memory_space<vmem>>, vector<512x2048xf32>
    %dot_general3A_876 = arith.constant dense<0.000000e+00> : vector<1280x2048xf32>
    %dot_general3A_877 = tpu.matmul %get3A_872, %get3A_875, %dot_general3A_876 {dimension_numbers = #tpu.dot_dimension_numbers<[1], [0], [0], [1], [0, 0, 1, 1], [], []>, transpose_lhs_hint = false} : vector<1280x512xf32>, vector<512x2048xf32>, vector<1280x2048xf32> -> vector<1280x2048xf32>
    %get3A_878 = arith.constant 0 : index
    %get3A_879 = arith.constant 0 : index
    %get3A_880 = vector.load %arg9[%get3A_878, %get3A_879] : memref<1x2048xf32, #tpu.memory_space<vmem>>, vector<1x2048xf32>
    %add3A_881 = vector.broadcast %get3A_880 : vector<1x2048xf32> to vector<1280x2048xf32>
    %add3A_882 = arith.addf %dot_general3A_877, %add3A_881 : vector<1280x2048xf32>
    %swap3A_883 = arith.constant 0 : index
    %swap3A_884 = arith.constant 0 : index
    %swap3A_885 = vector.load %arg16[%swap3A_883, %swap3A_884] : memref<1280x2048xf32, #tpu.memory_space<vmem>>, vector<1280x2048xf32>
    tpu.vector_store %arg16[%swap3A_883, %swap3A_884], %add3A_882 {strides = array<i32>} : memref<1280x2048xf32, #tpu.memory_space<vmem>>, vector<1280x2048xf32>,
    %broadcast_in_dim3A_886 = arith.constant 0.000000e+00 : f32
    %broadcast_in_dim3A_887 = vector.broadcast %broadcast_in_dim3A_886 : f32 to vector<64x512xf32>
    %get3A_888 = arith.constant 0 : index
    %get3A_889 = arith.constant 0 : index
    %get3A_890 = vector.load %arg16[%get3A_888, %get3A_889] : memref<1280x2048xf32, #tpu.memory_space<vmem>>, vector<64x2048xf32>
    %convert_element_type3A_891 = arith.truncf %broadcast_in_dim3A_887 : vector<64x512xf32> to vector<64x512xbf16>
    %get3A_892 = arith.constant 0 : index
    %get3A_893 = arith.constant 0 : index
    %get3A_894 = vector.load %arg8[%get3A_892, %get3A_893] : memref<512x2048xbf16, #tpu.memory_space<vmem>>, vector<512x2048xbf16>
    %dot_general3A_895 = arith.constant dense<0.000000e+00> : vector<64x2048xf32>
    %dot_general3A_896 = tpu.matmul %convert_element_type3A_891, %get3A_894, %dot_general3A_895 {dimension_numbers = #tpu.dot_dimension_numbers<[1], [0], [0], [1], [0, 0, 1, 1], [], []>, transpose_lhs_hint = false} : vector<64x512xbf16>, vector<512x2048xbf16>, vector<64x2048xf32> -> vector<64x2048xf32>
    %add3A_897 = arith.addf %get3A_890, %dot_general3A_896 : vector<64x2048xf32>
    %slice3A_898 = vector.extract_strided_slice %add3A_897 {offsets = [0, 0], sizes = [64, 512], strides = [1, 1]} : vector<64x2048xf32> to vector<64x512xf32>
    %logistic3A_899 = arith.negf %slice3A_898 : vector<64x512xf32>
    %logistic3A_900 = math.exp %logistic3A_899 : vector<64x512xf32>
    %logistic3A_901 = arith.constant 1.000000e+00 : f32
    %logistic3A_902 = vector.broadcast %logistic3A_901 : f32 to vector<64x512xf32>
    %logistic3A_903 = arith.addf %logistic3A_902, %logistic3A_900 : vector<64x512xf32>
    %logistic3A_904 = arith.divf %logistic3A_902, %logistic3A_903 : vector<64x512xf32>
    %slice3A_905 = vector.extract_strided_slice %add3A_897 {offsets = [0, 512], sizes = [64, 512], strides = [1, 1]} : vector<64x2048xf32> to vector<64x512xf32>
    %logistic3A_906 = arith.negf %slice3A_905 : vector<64x512xf32>
    %logistic3A_907 = math.exp %logistic3A_906 : vector<64x512xf32>
    %logistic3A_908 = arith.constant 1.000000e+00 : f32
    %logistic3A_909 = vector.broadcast %logistic3A_908 : f32 to vector<64x512xf32>
    %logistic3A_910 = arith.addf %logistic3A_909, %logistic3A_907 : vector<64x512xf32>
    %logistic3A_911 = arith.divf %logistic3A_909, %logistic3A_910 : vector<64x512xf32>
    %slice3A_912 = vector.extract_strided_slice %add3A_897 {offsets = [0, 1024], sizes = [64, 512], strides = [1, 1]} : vector<64x2048xf32> to vector<64x512xf32>
    %tanh3A_913 = math.tanh %slice3A_912 : vector<64x512xf32>
    %slice3A_914 = vector.extract_strided_slice %add3A_897 {offsets = [0, 1536], sizes = [64, 512], strides = [1, 1]} : vector<64x2048xf32> to vector<64x512xf32>
    %logistic3A_915 = arith.negf %slice3A_914 : vector<64x512xf32>
    %logistic3A_916 = math.exp %logistic3A_915 : vector<64x512xf32>
    %logistic3A_917 = arith.constant 1.000000e+00 : f32
    %logistic3A_918 = vector.broadcast %logistic3A_917 : f32 to vector<64x512xf32>
    %logistic3A_919 = arith.addf %logistic3A_918, %logistic3A_916 : vector<64x512xf32>
    %logistic3A_920 = arith.divf %logistic3A_918, %logistic3A_919 : vector<64x512xf32>
    %mul3A_921 = arith.mulf %logistic3A_911, %broadcast_in_dim3A_887 : vector<64x512xf32>
    %mul3A_922 = arith.mulf %logistic3A_904, %tanh3A_913 : vector<64x512xf32>
    %add3A_923 = arith.addf %mul3A_921, %mul3A_922 : vector<64x512xf32>
    %tanh3A_924 = math.tanh %add3A_923 : vector<64x512xf32>
    %mul3A_925 = arith.mulf %logistic3A_920, %tanh3A_924 : vector<64x512xf32>
    %swap3A_926 = arith.constant 0 : index
    %swap3A_927 = arith.constant 0 : index
    %swap3A_928 = vector.load %arg15[%swap3A_926, %swap3A_927] : memref<1280x512xf32, #tpu.memory_space<vmem>>, vector<64x512xf32>
    tpu.vector_store %arg15[%swap3A_926, %swap3A_927], %mul3A_925 {strides = array<i32>} : memref<1280x512xf32, #tpu.memory_space<vmem>>, vector<64x512xf32>,
    %get3A_929 = arith.constant 64 : index
    %get3A_930 = arith.constant 0 : index
    %get3A_931 = vector.load %arg16[%get3A_929, %get3A_930] : memref<1280x2048xf32, #tpu.memory_space<vmem>>, vector<64x2048xf32>
    %convert_element_type3A_932 = arith.truncf %mul3A_925 : vector<64x512xf32> to vector<64x512xbf16>
    %get3A_933 = arith.constant 0 : index
    %get3A_934 = arith.constant 0 : index
    %get3A_935 = vector.load %arg8[%get3A_933, %get3A_934] : memref<512x2048xbf16, #tpu.memory_space<vmem>>, vector<512x2048xbf16>
    %dot_general3A_936 = arith.constant dense<0.000000e+00> : vector<64x2048xf32>
    %dot_general3A_937 = tpu.matmul %convert_element_type3A_932, %get3A_935, %dot_general3A_936 {dimension_numbers = #tpu.dot_dimension_numbers<[1], [0], [0], [1], [0, 0, 1, 1], [], []>, transpose_lhs_hint = false} : vector<64x512xbf16>, vector<512x2048xbf16>, vector<64x2048xf32> -> vector<64x2048xf32>
    %add3A_938 = arith.addf %get3A_931, %dot_general3A_937 : vector<64x2048xf32>
    %slice3A_939 = vector.extract_strided_slice %add3A_938 {offsets = [0, 0], sizes = [64, 512], strides = [1, 1]} : vector<64x2048xf32> to vector<64x512xf32>
    %logistic3A_940 = arith.negf %slice3A_939 : vector<64x512xf32>
    %logistic3A_941 = math.exp %logistic3A_940 : vector<64x512xf32>
    %logistic3A_942 = arith.constant 1.000000e+00 : f32
    %logistic3A_943 = vector.broadcast %logistic3A_942 : f32 to vector<64x512xf32>
    %logistic3A_944 = arith.addf %logistic3A_943, %logistic3A_941 : vector<64x512xf32>
    %logistic3A_945 = arith.divf %logistic3A_943, %logistic3A_944 : vector<64x512xf32>
    %slice3A_946 = vector.extract_strided_slice %add3A_938 {offsets = [0, 512], sizes = [64, 512], strides = [1, 1]} : vector<64x2048xf32> to vector<64x512xf32>
    %logistic3A_947 = arith.negf %slice3A_946 : vector<64x512xf32>
    %logistic3A_948 = math.exp %logistic3A_947 : vector<64x512xf32>
    %logistic3A_949 = arith.constant 1.000000e+00 : f32
    %logistic3A_950 = vector.broadcast %logistic3A_949 : f32 to vector<64x512xf32>
    %logistic3A_951 = arith.addf %logistic3A_950, %logistic3A_948 : vector<64x512xf32>
    %logistic3A_952 = arith.divf %logistic3A_950, %logistic3A_951 : vector<64x512xf32>
    %slice3A_953 = vector.extract_strided_slice %add3A_938 {offsets = [0, 1024], sizes = [64, 512], strides = [1, 1]} : vector<64x2048xf32> to vector<64x512xf32>
    %tanh3A_954 = math.tanh %slice3A_953 : vector<64x512xf32>
    %slice3A_955 = vector.extract_strided_slice %add3A_938 {offsets = [0, 1536], sizes = [64, 512], strides = [1, 1]} : vector<64x2048xf32> to vector<64x512xf32>
    %logistic3A_956 = arith.negf %slice3A_955 : vector<64x512xf32>
    %logistic3A_957 = math.exp %logistic3A_956 : vector<64x512xf32>
    %logistic3A_958 = arith.constant 1.000000e+00 : f32
    %logistic3A_959 = vector.broadcast %logistic3A_958 : f32 to vector<64x512xf32>
    %logistic3A_960 = arith.addf %logistic3A_959, %logistic3A_957 : vector<64x512xf32>
    %logistic3A_961 = arith.divf %logistic3A_959, %logistic3A_960 : vector<64x512xf32>
    %mul3A_962 = arith.mulf %logistic3A_952, %add3A_923 : vector<64x512xf32>
    %mul3A_963 = arith.mulf %logistic3A_945, %tanh3A_954 : vector<64x512xf32>
    %add3A_964 = arith.addf %mul3A_962, %mul3A_963 : vector<64x512xf32>
    %tanh3A_965 = math.tanh %add3A_964 : vector<64x512xf32>
    %mul3A_966 = arith.mulf %logistic3A_961, %tanh3A_965 : vector<64x512xf32>
    %swap3A_967 = arith.constant 64 : index
    %swap3A_968 = arith.constant 0 : index
    %swap3A_969 = vector.load %arg15[%swap3A_967, %swap3A_968] : memref<1280x512xf32, #tpu.memory_space<vmem>>, vector<64x512xf32>
    tpu.vector_store %arg15[%swap3A_967, %swap3A_968], %mul3A_966 {strides = array<i32>} : memref<1280x512xf32, #tpu.memory_space<vmem>>, vector<64x512xf32>,
    %get3A_970 = arith.constant 128 : index
    %get3A_971 = arith.constant 0 : index
    %get3A_972 = vector.load %arg16[%get3A_970, %get3A_971] : memref<1280x2048xf32, #tpu.memory_space<vmem>>, vector<64x2048xf32>
    %convert_element_type3A_973 = arith.truncf %mul3A_966 : vector<64x512xf32> to vector<64x512xbf16>
    %get3A_974 = arith.constant 0 : index
    %get3A_975 = arith.constant 0 : index
    %get3A_976 = vector.load %arg8[%get3A_974, %get3A_975] : memref<512x2048xbf16, #tpu.memory_space<vmem>>, vector<512x2048xbf16>
    %dot_general3A_977 = arith.constant dense<0.000000e+00> : vector<64x2048xf32>
    %dot_general3A_978 = tpu.matmul %convert_element_type3A_973, %get3A_976, %dot_general3A_977 {dimension_numbers = #tpu.dot_dimension_numbers<[1], [0], [0], [1], [0, 0, 1, 1], [], []>, transpose_lhs_hint = false} : vector<64x512xbf16>, vector<512x2048xbf16>, vector<64x2048xf32> -> vector<64x2048xf32>
    %add3A_979 = arith.addf %get3A_972, %dot_general3A_978 : vector<64x2048xf32>
    %slice3A_980 = vector.extract_strided_slice %add3A_979 {offsets = [0, 0], sizes = [64, 512], strides = [1, 1]} : vector<64x2048xf32> to vector<64x512xf32>
    %logistic3A_981 = arith.negf %slice3A_980 : vector<64x512xf32>
    %logistic3A_982 = math.exp %logistic3A_981 : vector<64x512xf32>
    %logistic3A_983 = arith.constant 1.000000e+00 : f32
    %logistic3A_984 = vector.broadcast %logistic3A_983 : f32 to vector<64x512xf32>
    %logistic3A_985 = arith.addf %logistic3A_984, %logistic3A_982 : vector<64x512xf32>
    %logistic3A_986 = arith.divf %logistic3A_984, %logistic3A_985 : vector<64x512xf32>
    %slice3A_987 = vector.extract_strided_slice %add3A_979 {offsets = [0, 512], sizes = [64, 512], strides = [1, 1]} : vector<64x2048xf32> to vector<64x512xf32>
    %logistic3A_988 = arith.negf %slice3A_987 : vector<64x512xf32>
    %logistic3A_989 = math.exp %logistic3A_988 : vector<64x512xf32>
    %logistic3A_990 = arith.constant 1.000000e+00 : f32
    %logistic3A_991 = vector.broadcast %logistic3A_990 : f32 to vector<64x512xf32>
    %logistic3A_992 = arith.addf %logistic3A_991, %logistic3A_989 : vector<64x512xf32>
    %logistic3A_993 = arith.divf %logistic3A_991, %logistic3A_992 : vector<64x512xf32>
    %slice3A_994 = vector.extract_strided_slice %add3A_979 {offsets = [0, 1024], sizes = [64, 512], strides = [1, 1]} : vector<64x2048xf32> to vector<64x512xf32>
    %tanh3A_995 = math.tanh %slice3A_994 : vector<64x512xf32>
    %slice3A_996 = vector.extract_strided_slice %add3A_979 {offsets = [0, 1536], sizes = [64, 512], strides = [1, 1]} : vector<64x2048xf32> to vector<64x512xf32>
    %logistic3A_997 = arith.negf %slice3A_996 : vector<64x512xf32>
    %logistic3A_998 = math.exp %logistic3A_997 : vector<64x512xf32>
    %logistic3A_999 = arith.constant 1.000000e+00 : f32
    %logistic3A_1000 = vector.broadcast %logistic3A_999 : f32 to vector<64x512xf32>
    %logistic3A_1001 = arith.addf %logistic3A_1000, %logistic3A_998 : vector<64x512xf32>
    %logistic3A_1002 = arith.divf %logistic3A_1000, %logistic3A_1001 : vector<64x512xf32>
    %mul3A_1003 = arith.mulf %logistic3A_993, %add3A_964 : vector<64x512xf32>
    %mul3A_1004 = arith.mulf %logistic3A_986, %tanh3A_995 : vector<64x512xf32>
    %add3A_1005 = arith.addf %mul3A_1003, %mul3A_1004 : vector<64x512xf32>
    %tanh3A_1006 = math.tanh %add3A_1005 : vector<64x512xf32>
    %mul3A_1007 = arith.mulf %logistic3A_1002, %tanh3A_1006 : vector<64x512xf32>
    %swap3A_1008 = arith.constant 128 : index
    %swap3A_1009 = arith.constant 0 : index
    %swap3A_1010 = vector.load %arg15[%swap3A_1008, %swap3A_1009] : memref<1280x512xf32, #tpu.memory_space<vmem>>, vector<64x512xf32>
    tpu.vector_store %arg15[%swap3A_1008, %swap3A_1009], %mul3A_1007 {strides = array<i32>} : memref<1280x512xf32, #tpu.memory_space<vmem>>, vector<64x512xf32>,
    %get3A_1011 = arith.constant 192 : index
    %get3A_1012 = arith.constant 0 : index
    %get3A_1013 = vector.load %arg16[%get3A_1011, %get3A_1012] : memref<1280x2048xf32, #tpu.memory_space<vmem>>, vector<64x2048xf32>
    %convert_element_type3A_1014 = arith.truncf %mul3A_1007 : vector<64x512xf32> to vector<64x512xbf16>
    %get3A_1015 = arith.constant 0 : index
    %get3A_1016 = arith.constant 0 : index
    %get3A_1017 = vector.load %arg8[%get3A_1015, %get3A_1016] : memref<512x2048xbf16, #tpu.memory_space<vmem>>, vector<512x2048xbf16>
    %dot_general3A_1018 = arith.constant dense<0.000000e+00> : vector<64x2048xf32>
    %dot_general3A_1019 = tpu.matmul %convert_element_type3A_1014, %get3A_1017, %dot_general3A_1018 {dimension_numbers = #tpu.dot_dimension_numbers<[1], [0], [0], [1], [0, 0, 1, 1], [], []>, transpose_lhs_hint = false} : vector<64x512xbf16>, vector<512x2048xbf16>, vector<64x2048xf32> -> vector<64x2048xf32>
    %add3A_1020 = arith.addf %get3A_1013, %dot_general3A_1019 : vector<64x2048xf32>
    %slice3A_1021 = vector.extract_strided_slice %add3A_1020 {offsets = [0, 0], sizes = [64, 512], strides = [1, 1]} : vector<64x2048xf32> to vector<64x512xf32>
    %logistic3A_1022 = arith.negf %slice3A_1021 : vector<64x512xf32>
    %logistic3A_1023 = math.exp %logistic3A_1022 : vector<64x512xf32>
    %logistic3A_1024 = arith.constant 1.000000e+00 : f32
    %logistic3A_1025 = vector.broadcast %logistic3A_1024 : f32 to vector<64x512xf32>
    %logistic3A_1026 = arith.addf %logistic3A_1025, %logistic3A_1023 : vector<64x512xf32>
    %logistic3A_1027 = arith.divf %logistic3A_1025, %logistic3A_1026 : vector<64x512xf32>
    %slice3A_1028 = vector.extract_strided_slice %add3A_1020 {offsets = [0, 512], sizes = [64, 512], strides = [1, 1]} : vector<64x2048xf32> to vector<64x512xf32>
    %logistic3A_1029 = arith.negf %slice3A_1028 : vector<64x512xf32>
    %logistic3A_1030 = math.exp %logistic3A_1029 : vector<64x512xf32>
    %logistic3A_1031 = arith.constant 1.000000e+00 : f32
    %logistic3A_1032 = vector.broadcast %logistic3A_1031 : f32 to vector<64x512xf32>
    %logistic3A_1033 = arith.addf %logistic3A_1032, %logistic3A_1030 : vector<64x512xf32>
    %logistic3A_1034 = arith.divf %logistic3A_1032, %logistic3A_1033 : vector<64x512xf32>
    %slice3A_1035 = vector.extract_strided_slice %add3A_1020 {offsets = [0, 1024], sizes = [64, 512], strides = [1, 1]} : vector<64x2048xf32> to vector<64x512xf32>
    %tanh3A_1036 = math.tanh %slice3A_1035 : vector<64x512xf32>
    %slice3A_1037 = vector.extract_strided_slice %add3A_1020 {offsets = [0, 1536], sizes = [64, 512], strides = [1, 1]} : vector<64x2048xf32> to vector<64x512xf32>
    %logistic3A_1038 = arith.negf %slice3A_1037 : vector<64x512xf32>
    %logistic3A_1039 = math.exp %logistic3A_1038 : vector<64x512xf32>
    %logistic3A_1040 = arith.constant 1.000000e+00 : f32
    %logistic3A_1041 = vector.broadcast %logistic3A_1040 : f32 to vector<64x512xf32>
    %logistic3A_1042 = arith.addf %logistic3A_1041, %logistic3A_1039 : vector<64x512xf32>
    %logistic3A_1043 = arith.divf %logistic3A_1041, %logistic3A_1042 : vector<64x512xf32>
    %mul3A_1044 = arith.mulf %logistic3A_1034, %add3A_1005 : vector<64x512xf32>
    %mul3A_1045 = arith.mulf %logistic3A_1027, %tanh3A_1036 : vector<64x512xf32>
    %add3A_1046 = arith.addf %mul3A_1044, %mul3A_1045 : vector<64x512xf32>
    %tanh3A_1047 = math.tanh %add3A_1046 : vector<64x512xf32>
    %mul3A_1048 = arith.mulf %logistic3A_1043, %tanh3A_1047 : vector<64x512xf32>
    %swap3A_1049 = arith.constant 192 : index
    %swap3A_1050 = arith.constant 0 : index
    %swap3A_1051 = vector.load %arg15[%swap3A_1049, %swap3A_1050] : memref<1280x512xf32, #tpu.memory_space<vmem>>, vector<64x512xf32>
    tpu.vector_store %arg15[%swap3A_1049, %swap3A_1050], %mul3A_1048 {strides = array<i32>} : memref<1280x512xf32, #tpu.memory_space<vmem>>, vector<64x512xf32>,
    %get3A_1052 = arith.constant 256 : index
    %get3A_1053 = arith.constant 0 : index
    %get3A_1054 = vector.load %arg16[%get3A_1052, %get3A_1053] : memref<1280x2048xf32, #tpu.memory_space<vmem>>, vector<64x2048xf32>
    %convert_element_type3A_1055 = arith.truncf %mul3A_1048 : vector<64x512xf32> to vector<64x512xbf16>
    %get3A_1056 = arith.constant 0 : index
    %get3A_1057 = arith.constant 0 : index
    %get3A_1058 = vector.load %arg8[%get3A_1056, %get3A_1057] : memref<512x2048xbf16, #tpu.memory_space<vmem>>, vector<512x2048xbf16>
    %dot_general3A_1059 = arith.constant dense<0.000000e+00> : vector<64x2048xf32>
    %dot_general3A_1060 = tpu.matmul %convert_element_type3A_1055, %get3A_1058, %dot_general3A_1059 {dimension_numbers = #tpu.dot_dimension_numbers<[1], [0], [0], [1], [0, 0, 1, 1], [], []>, transpose_lhs_hint = false} : vector<64x512xbf16>, vector<512x2048xbf16>, vector<64x2048xf32> -> vector<64x2048xf32>
    %add3A_1061 = arith.addf %get3A_1054, %dot_general3A_1060 : vector<64x2048xf32>
    %slice3A_1062 = vector.extract_strided_slice %add3A_1061 {offsets = [0, 0], sizes = [64, 512], strides = [1, 1]} : vector<64x2048xf32> to vector<64x512xf32>
    %logistic3A_1063 = arith.negf %slice3A_1062 : vector<64x512xf32>
    %logistic3A_1064 = math.exp %logistic3A_1063 : vector<64x512xf32>
    %logistic3A_1065 = arith.constant 1.000000e+00 : f32
    %logistic3A_1066 = vector.broadcast %logistic3A_1065 : f32 to vector<64x512xf32>
    %logistic3A_1067 = arith.addf %logistic3A_1066, %logistic3A_1064 : vector<64x512xf32>
    %logistic3A_1068 = arith.divf %logistic3A_1066, %logistic3A_1067 : vector<64x512xf32>
    %slice3A_1069 = vector.extract_strided_slice %add3A_1061 {offsets = [0, 512], sizes = [64, 512], strides = [1, 1]} : vector<64x2048xf32> to vector<64x512xf32>
    %logistic3A_1070 = arith.negf %slice3A_1069 : vector<64x512xf32>
    %logistic3A_1071 = math.exp %logistic3A_1070 : vector<64x512xf32>
    %logistic3A_1072 = arith.constant 1.000000e+00 : f32
    %logistic3A_1073 = vector.broadcast %logistic3A_1072 : f32 to vector<64x512xf32>
    %logistic3A_1074 = arith.addf %logistic3A_1073, %logistic3A_1071 : vector<64x512xf32>
    %logistic3A_1075 = arith.divf %logistic3A_1073, %logistic3A_1074 : vector<64x512xf32>
    %slice3A_1076 = vector.extract_strided_slice %add3A_1061 {offsets = [0, 1024], sizes = [64, 512], strides = [1, 1]} : vector<64x2048xf32> to vector<64x512xf32>
    %tanh3A_1077 = math.tanh %slice3A_1076 : vector<64x512xf32>
    %slice3A_1078 = vector.extract_strided_slice %add3A_1061 {offsets = [0, 1536], sizes = [64, 512], strides = [1, 1]} : vector<64x2048xf32> to vector<64x512xf32>
    %logistic3A_1079 = arith.negf %slice3A_1078 : vector<64x512xf32>
    %logistic3A_1080 = math.exp %logistic3A_1079 : vector<64x512xf32>
    %logistic3A_1081 = arith.constant 1.000000e+00 : f32
    %logistic3A_1082 = vector.broadcast %logistic3A_1081 : f32 to vector<64x512xf32>
    %logistic3A_1083 = arith.addf %logistic3A_1082, %logistic3A_1080 : vector<64x512xf32>
    %logistic3A_1084 = arith.divf %logistic3A_1082, %logistic3A_1083 : vector<64x512xf32>
    %mul3A_1085 = arith.mulf %logistic3A_1075, %add3A_1046 : vector<64x512xf32>
    %mul3A_1086 = arith.mulf %logistic3A_1068, %tanh3A_1077 : vector<64x512xf32>
    %add3A_1087 = arith.addf %mul3A_1085, %mul3A_1086 : vector<64x512xf32>
    %tanh3A_1088 = math.tanh %add3A_1087 : vector<64x512xf32>
    %mul3A_1089 = arith.mulf %logistic3A_1084, %tanh3A_1088 : vector<64x512xf32>
    %swap3A_1090 = arith.constant 256 : index
    %swap3A_1091 = arith.constant 0 : index
    %swap3A_1092 = vector.load %arg15[%swap3A_1090, %swap3A_1091] : memref<1280x512xf32, #tpu.memory_space<vmem>>, vector<64x512xf32>
    tpu.vector_store %arg15[%swap3A_1090, %swap3A_1091], %mul3A_1089 {strides = array<i32>} : memref<1280x512xf32, #tpu.memory_space<vmem>>, vector<64x512xf32>,
    %get3A_1093 = arith.constant 320 : index
    %get3A_1094 = arith.constant 0 : index
    %get3A_1095 = vector.load %arg16[%get3A_1093, %get3A_1094] : memref<1280x2048xf32, #tpu.memory_space<vmem>>, vector<64x2048xf32>
    %convert_element_type3A_1096 = arith.truncf %mul3A_1089 : vector<64x512xf32> to vector<64x512xbf16>
    %get3A_1097 = arith.constant 0 : index
    %get3A_1098 = arith.constant 0 : index
    %get3A_1099 = vector.load %arg8[%get3A_1097, %get3A_1098] : memref<512x2048xbf16, #tpu.memory_space<vmem>>, vector<512x2048xbf16>
    %dot_general3A_1100 = arith.constant dense<0.000000e+00> : vector<64x2048xf32>
    %dot_general3A_1101 = tpu.matmul %convert_element_type3A_1096, %get3A_1099, %dot_general3A_1100 {dimension_numbers = #tpu.dot_dimension_numbers<[1], [0], [0], [1], [0, 0, 1, 1], [], []>, transpose_lhs_hint = false} : vector<64x512xbf16>, vector<512x2048xbf16>, vector<64x2048xf32> -> vector<64x2048xf32>
    %add3A_1102 = arith.addf %get3A_1095, %dot_general3A_1101 : vector<64x2048xf32>
    %slice3A_1103 = vector.extract_strided_slice %add3A_1102 {offsets = [0, 0], sizes = [64, 512], strides = [1, 1]} : vector<64x2048xf32> to vector<64x512xf32>
    %logistic3A_1104 = arith.negf %slice3A_1103 : vector<64x512xf32>
    %logistic3A_1105 = math.exp %logistic3A_1104 : vector<64x512xf32>
    %logistic3A_1106 = arith.constant 1.000000e+00 : f32
    %logistic3A_1107 = vector.broadcast %logistic3A_1106 : f32 to vector<64x512xf32>
    %logistic3A_1108 = arith.addf %logistic3A_1107, %logistic3A_1105 : vector<64x512xf32>
    %logistic3A_1109 = arith.divf %logistic3A_1107, %logistic3A_1108 : vector<64x512xf32>
    %slice3A_1110 = vector.extract_strided_slice %add3A_1102 {offsets = [0, 512], sizes = [64, 512], strides = [1, 1]} : vector<64x2048xf32> to vector<64x512xf32>
    %logistic3A_1111 = arith.negf %slice3A_1110 : vector<64x512xf32>
    %logistic3A_1112 = math.exp %logistic3A_1111 : vector<64x512xf32>
    %logistic3A_1113 = arith.constant 1.000000e+00 : f32
    %logistic3A_1114 = vector.broadcast %logistic3A_1113 : f32 to vector<64x512xf32>
    %logistic3A_1115 = arith.addf %logistic3A_1114, %logistic3A_1112 : vector<64x512xf32>
    %logistic3A_1116 = arith.divf %logistic3A_1114, %logistic3A_1115 : vector<64x512xf32>
    %slice3A_1117 = vector.extract_strided_slice %add3A_1102 {offsets = [0, 1024], sizes = [64, 512], strides = [1, 1]} : vector<64x2048xf32> to vector<64x512xf32>
    %tanh3A_1118 = math.tanh %slice3A_1117 : vector<64x512xf32>
    %slice3A_1119 = vector.extract_strided_slice %add3A_1102 {offsets = [0, 1536], sizes = [64, 512], strides = [1, 1]} : vector<64x2048xf32> to vector<64x512xf32>
    %logistic3A_1120 = arith.negf %slice3A_1119 : vector<64x512xf32>
    %logistic3A_1121 = math.exp %logistic3A_1120 : vector<64x512xf32>
    %logistic3A_1122 = arith.constant 1.000000e+00 : f32
    %logistic3A_1123 = vector.broadcast %logistic3A_1122 : f32 to vector<64x512xf32>
    %logistic3A_1124 = arith.addf %logistic3A_1123, %logistic3A_1121 : vector<64x512xf32>
    %logistic3A_1125 = arith.divf %logistic3A_1123, %logistic3A_1124 : vector<64x512xf32>
    %mul3A_1126 = arith.mulf %logistic3A_1116, %add3A_1087 : vector<64x512xf32>
    %mul3A_1127 = arith.mulf %logistic3A_1109, %tanh3A_1118 : vector<64x512xf32>
    %add3A_1128 = arith.addf %mul3A_1126, %mul3A_1127 : vector<64x512xf32>
    %tanh3A_1129 = math.tanh %add3A_1128 : vector<64x512xf32>
    %mul3A_1130 = arith.mulf %logistic3A_1125, %tanh3A_1129 : vector<64x512xf32>
    %swap3A_1131 = arith.constant 320 : index
    %swap3A_1132 = arith.constant 0 : index
    %swap3A_1133 = vector.load %arg15[%swap3A_1131, %swap3A_1132] : memref<1280x512xf32, #tpu.memory_space<vmem>>, vector<64x512xf32>
    tpu.vector_store %arg15[%swap3A_1131, %swap3A_1132], %mul3A_1130 {strides = array<i32>} : memref<1280x512xf32, #tpu.memory_space<vmem>>, vector<64x512xf32>,
    %get3A_1134 = arith.constant 384 : index
    %get3A_1135 = arith.constant 0 : index
    %get3A_1136 = vector.load %arg16[%get3A_1134, %get3A_1135] : memref<1280x2048xf32, #tpu.memory_space<vmem>>, vector<64x2048xf32>
    %convert_element_type3A_1137 = arith.truncf %mul3A_1130 : vector<64x512xf32> to vector<64x512xbf16>
    %get3A_1138 = arith.constant 0 : index
    %get3A_1139 = arith.constant 0 : index
    %get3A_1140 = vector.load %arg8[%get3A_1138, %get3A_1139] : memref<512x2048xbf16, #tpu.memory_space<vmem>>, vector<512x2048xbf16>
    %dot_general3A_1141 = arith.constant dense<0.000000e+00> : vector<64x2048xf32>
    %dot_general3A_1142 = tpu.matmul %convert_element_type3A_1137, %get3A_1140, %dot_general3A_1141 {dimension_numbers = #tpu.dot_dimension_numbers<[1], [0], [0], [1], [0, 0, 1, 1], [], []>, transpose_lhs_hint = false} : vector<64x512xbf16>, vector<512x2048xbf16>, vector<64x2048xf32> -> vector<64x2048xf32>
    %add3A_1143 = arith.addf %get3A_1136, %dot_general3A_1142 : vector<64x2048xf32>
    %slice3A_1144 = vector.extract_strided_slice %add3A_1143 {offsets = [0, 0], sizes = [64, 512], strides = [1, 1]} : vector<64x2048xf32> to vector<64x512xf32>
    %logistic3A_1145 = arith.negf %slice3A_1144 : vector<64x512xf32>
    %logistic3A_1146 = math.exp %logistic3A_1145 : vector<64x512xf32>
    %logistic3A_1147 = arith.constant 1.000000e+00 : f32
    %logistic3A_1148 = vector.broadcast %logistic3A_1147 : f32 to vector<64x512xf32>
    %logistic3A_1149 = arith.addf %logistic3A_1148, %logistic3A_1146 : vector<64x512xf32>
    %logistic3A_1150 = arith.divf %logistic3A_1148, %logistic3A_1149 : vector<64x512xf32>
    %slice3A_1151 = vector.extract_strided_slice %add3A_1143 {offsets = [0, 512], sizes = [64, 512], strides = [1, 1]} : vector<64x2048xf32> to vector<64x512xf32>
    %logistic3A_1152 = arith.negf %slice3A_1151 : vector<64x512xf32>
    %logistic3A_1153 = math.exp %logistic3A_1152 : vector<64x512xf32>
    %logistic3A_1154 = arith.constant 1.000000e+00 : f32
    %logistic3A_1155 = vector.broadcast %logistic3A_1154 : f32 to vector<64x512xf32>
    %logistic3A_1156 = arith.addf %logistic3A_1155, %logistic3A_1153 : vector<64x512xf32>
    %logistic3A_1157 = arith.divf %logistic3A_1155, %logistic3A_1156 : vector<64x512xf32>
    %slice3A_1158 = vector.extract_strided_slice %add3A_1143 {offsets = [0, 1024], sizes = [64, 512], strides = [1, 1]} : vector<64x2048xf32> to vector<64x512xf32>
    %tanh3A_1159 = math.tanh %slice3A_1158 : vector<64x512xf32>
    %slice3A_1160 = vector.extract_strided_slice %add3A_1143 {offsets = [0, 1536], sizes = [64, 512], strides = [1, 1]} : vector<64x2048xf32> to vector<64x512xf32>
    %logistic3A_1161 = arith.negf %slice3A_1160 : vector<64x512xf32>
    %logistic3A_1162 = math.exp %logistic3A_1161 : vector<64x512xf32>
    %logistic3A_1163 = arith.constant 1.000000e+00 : f32
    %logistic3A_1164 = vector.broadcast %logistic3A_1163 : f32 to vector<64x512xf32>
    %logistic3A_1165 = arith.addf %logistic3A_1164, %logistic3A_1162 : vector<64x512xf32>
    %logistic3A_1166 = arith.divf %logistic3A_1164, %logistic3A_1165 : vector<64x512xf32>
    %mul3A_1167 = arith.mulf %logistic3A_1157, %add3A_1128 : vector<64x512xf32>
    %mul3A_1168 = arith.mulf %logistic3A_1150, %tanh3A_1159 : vector<64x512xf32>
    %add3A_1169 = arith.addf %mul3A_1167, %mul3A_1168 : vector<64x512xf32>
    %tanh3A_1170 = math.tanh %add3A_1169 : vector<64x512xf32>
    %mul3A_1171 = arith.mulf %logistic3A_1166, %tanh3A_1170 : vector<64x512xf32>
    %swap3A_1172 = arith.constant 384 : index
    %swap3A_1173 = arith.constant 0 : index
    %swap3A_1174 = vector.load %arg15[%swap3A_1172, %swap3A_1173] : memref<1280x512xf32, #tpu.memory_space<vmem>>, vector<64x512xf32>
    tpu.vector_store %arg15[%swap3A_1172, %swap3A_1173], %mul3A_1171 {strides = array<i32>} : memref<1280x512xf32, #tpu.memory_space<vmem>>, vector<64x512xf32>,
    %get3A_1175 = arith.constant 448 : index
    %get3A_1176 = arith.constant 0 : index
    %get3A_1177 = vector.load %arg16[%get3A_1175, %get3A_1176] : memref<1280x2048xf32, #tpu.memory_space<vmem>>, vector<64x2048xf32>
    %convert_element_type3A_1178 = arith.truncf %mul3A_1171 : vector<64x512xf32> to vector<64x512xbf16>
    %get3A_1179 = arith.constant 0 : index
    %get3A_1180 = arith.constant 0 : index
    %get3A_1181 = vector.load %arg8[%get3A_1179, %get3A_1180] : memref<512x2048xbf16, #tpu.memory_space<vmem>>, vector<512x2048xbf16>
    %dot_general3A_1182 = arith.constant dense<0.000000e+00> : vector<64x2048xf32>
    %dot_general3A_1183 = tpu.matmul %convert_element_type3A_1178, %get3A_1181, %dot_general3A_1182 {dimension_numbers = #tpu.dot_dimension_numbers<[1], [0], [0], [1], [0, 0, 1, 1], [], []>, transpose_lhs_hint = false} : vector<64x512xbf16>, vector<512x2048xbf16>, vector<64x2048xf32> -> vector<64x2048xf32>
    %add3A_1184 = arith.addf %get3A_1177, %dot_general3A_1183 : vector<64x2048xf32>
    %slice3A_1185 = vector.extract_strided_slice %add3A_1184 {offsets = [0, 0], sizes = [64, 512], strides = [1, 1]} : vector<64x2048xf32> to vector<64x512xf32>
    %logistic3A_1186 = arith.negf %slice3A_1185 : vector<64x512xf32>
    %logistic3A_1187 = math.exp %logistic3A_1186 : vector<64x512xf32>
    %logistic3A_1188 = arith.constant 1.000000e+00 : f32
    %logistic3A_1189 = vector.broadcast %logistic3A_1188 : f32 to vector<64x512xf32>
    %logistic3A_1190 = arith.addf %logistic3A_1189, %logistic3A_1187 : vector<64x512xf32>
    %logistic3A_1191 = arith.divf %logistic3A_1189, %logistic3A_1190 : vector<64x512xf32>
    %slice3A_1192 = vector.extract_strided_slice %add3A_1184 {offsets = [0, 512], sizes = [64, 512], strides = [1, 1]} : vector<64x2048xf32> to vector<64x512xf32>
    %logistic3A_1193 = arith.negf %slice3A_1192 : vector<64x512xf32>
    %logistic3A_1194 = math.exp %logistic3A_1193 : vector<64x512xf32>
    %logistic3A_1195 = arith.constant 1.000000e+00 : f32
    %logistic3A_1196 = vector.broadcast %logistic3A_1195 : f32 to vector<64x512xf32>
    %logistic3A_1197 = arith.addf %logistic3A_1196, %logistic3A_1194 : vector<64x512xf32>
    %logistic3A_1198 = arith.divf %logistic3A_1196, %logistic3A_1197 : vector<64x512xf32>
    %slice3A_1199 = vector.extract_strided_slice %add3A_1184 {offsets = [0, 1024], sizes = [64, 512], strides = [1, 1]} : vector<64x2048xf32> to vector<64x512xf32>
    %tanh3A_1200 = math.tanh %slice3A_1199 : vector<64x512xf32>
    %slice3A_1201 = vector.extract_strided_slice %add3A_1184 {offsets = [0, 1536], sizes = [64, 512], strides = [1, 1]} : vector<64x2048xf32> to vector<64x512xf32>
    %logistic3A_1202 = arith.negf %slice3A_1201 : vector<64x512xf32>
    %logistic3A_1203 = math.exp %logistic3A_1202 : vector<64x512xf32>
    %logistic3A_1204 = arith.constant 1.000000e+00 : f32
    %logistic3A_1205 = vector.broadcast %logistic3A_1204 : f32 to vector<64x512xf32>
    %logistic3A_1206 = arith.addf %logistic3A_1205, %logistic3A_1203 : vector<64x512xf32>
    %logistic3A_1207 = arith.divf %logistic3A_1205, %logistic3A_1206 : vector<64x512xf32>
    %mul3A_1208 = arith.mulf %logistic3A_1198, %add3A_1169 : vector<64x512xf32>
    %mul3A_1209 = arith.mulf %logistic3A_1191, %tanh3A_1200 : vector<64x512xf32>
    %add3A_1210 = arith.addf %mul3A_1208, %mul3A_1209 : vector<64x512xf32>
    %tanh3A_1211 = math.tanh %add3A_1210 : vector<64x512xf32>
    %mul3A_1212 = arith.mulf %logistic3A_1207, %tanh3A_1211 : vector<64x512xf32>
    %swap3A_1213 = arith.constant 448 : index
    %swap3A_1214 = arith.constant 0 : index
    %swap3A_1215 = vector.load %arg15[%swap3A_1213, %swap3A_1214] : memref<1280x512xf32, #tpu.memory_space<vmem>>, vector<64x512xf32>
    tpu.vector_store %arg15[%swap3A_1213, %swap3A_1214], %mul3A_1212 {strides = array<i32>} : memref<1280x512xf32, #tpu.memory_space<vmem>>, vector<64x512xf32>,
    %get3A_1216 = arith.constant 512 : index
    %get3A_1217 = arith.constant 0 : index
    %get3A_1218 = vector.load %arg16[%get3A_1216, %get3A_1217] : memref<1280x2048xf32, #tpu.memory_space<vmem>>, vector<64x2048xf32>
    %convert_element_type3A_1219 = arith.truncf %mul3A_1212 : vector<64x512xf32> to vector<64x512xbf16>
    %get3A_1220 = arith.constant 0 : index
    %get3A_1221 = arith.constant 0 : index
    %get3A_1222 = vector.load %arg8[%get3A_1220, %get3A_1221] : memref<512x2048xbf16, #tpu.memory_space<vmem>>, vector<512x2048xbf16>
    %dot_general3A_1223 = arith.constant dense<0.000000e+00> : vector<64x2048xf32>
    %dot_general3A_1224 = tpu.matmul %convert_element_type3A_1219, %get3A_1222, %dot_general3A_1223 {dimension_numbers = #tpu.dot_dimension_numbers<[1], [0], [0], [1], [0, 0, 1, 1], [], []>, transpose_lhs_hint = false} : vector<64x512xbf16>, vector<512x2048xbf16>, vector<64x2048xf32> -> vector<64x2048xf32>
    %add3A_1225 = arith.addf %get3A_1218, %dot_general3A_1224 : vector<64x2048xf32>
    %slice3A_1226 = vector.extract_strided_slice %add3A_1225 {offsets = [0, 0], sizes = [64, 512], strides = [1, 1]} : vector<64x2048xf32> to vector<64x512xf32>
    %logistic3A_1227 = arith.negf %slice3A_1226 : vector<64x512xf32>
    %logistic3A_1228 = math.exp %logistic3A_1227 : vector<64x512xf32>
    %logistic3A_1229 = arith.constant 1.000000e+00 : f32
    %logistic3A_1230 = vector.broadcast %logistic3A_1229 : f32 to vector<64x512xf32>
    %logistic3A_1231 = arith.addf %logistic3A_1230, %logistic3A_1228 : vector<64x512xf32>
    %logistic3A_1232 = arith.divf %logistic3A_1230, %logistic3A_1231 : vector<64x512xf32>
    %slice3A_1233 = vector.extract_strided_slice %add3A_1225 {offsets = [0, 512], sizes = [64, 512], strides = [1, 1]} : vector<64x2048xf32> to vector<64x512xf32>
    %logistic3A_1234 = arith.negf %slice3A_1233 : vector<64x512xf32>
    %logistic3A_1235 = math.exp %logistic3A_1234 : vector<64x512xf32>
    %logistic3A_1236 = arith.constant 1.000000e+00 : f32
    %logistic3A_1237 = vector.broadcast %logistic3A_1236 : f32 to vector<64x512xf32>
    %logistic3A_1238 = arith.addf %logistic3A_1237, %logistic3A_1235 : vector<64x512xf32>
    %logistic3A_1239 = arith.divf %logistic3A_1237, %logistic3A_1238 : vector<64x512xf32>
    %slice3A_1240 = vector.extract_strided_slice %add3A_1225 {offsets = [0, 1024], sizes = [64, 512], strides = [1, 1]} : vector<64x2048xf32> to vector<64x512xf32>
    %tanh3A_1241 = math.tanh %slice3A_1240 : vector<64x512xf32>
    %slice3A_1242 = vector.extract_strided_slice %add3A_1225 {offsets = [0, 1536], sizes = [64, 512], strides = [1, 1]} : vector<64x2048xf32> to vector<64x512xf32>
    %logistic3A_1243 = arith.negf %slice3A_1242 : vector<64x512xf32>
    %logistic3A_1244 = math.exp %logistic3A_1243 : vector<64x512xf32>
    %logistic3A_1245 = arith.constant 1.000000e+00 : f32
    %logistic3A_1246 = vector.broadcast %logistic3A_1245 : f32 to vector<64x512xf32>
    %logistic3A_1247 = arith.addf %logistic3A_1246, %logistic3A_1244 : vector<64x512xf32>
    %logistic3A_1248 = arith.divf %logistic3A_1246, %logistic3A_1247 : vector<64x512xf32>
    %mul3A_1249 = arith.mulf %logistic3A_1239, %add3A_1210 : vector<64x512xf32>
    %mul3A_1250 = arith.mulf %logistic3A_1232, %tanh3A_1241 : vector<64x512xf32>
    %add3A_1251 = arith.addf %mul3A_1249, %mul3A_1250 : vector<64x512xf32>
    %tanh3A_1252 = math.tanh %add3A_1251 : vector<64x512xf32>
    %mul3A_1253 = arith.mulf %logistic3A_1248, %tanh3A_1252 : vector<64x512xf32>
    %swap3A_1254 = arith.constant 512 : index
    %swap3A_1255 = arith.constant 0 : index
    %swap3A_1256 = vector.load %arg15[%swap3A_1254, %swap3A_1255] : memref<1280x512xf32, #tpu.memory_space<vmem>>, vector<64x512xf32>
    tpu.vector_store %arg15[%swap3A_1254, %swap3A_1255], %mul3A_1253 {strides = array<i32>} : memref<1280x512xf32, #tpu.memory_space<vmem>>, vector<64x512xf32>,
    %get3A_1257 = arith.constant 576 : index
    %get3A_1258 = arith.constant 0 : index
    %get3A_1259 = vector.load %arg16[%get3A_1257, %get3A_1258] : memref<1280x2048xf32, #tpu.memory_space<vmem>>, vector<64x2048xf32>
    %convert_element_type3A_1260 = arith.truncf %mul3A_1253 : vector<64x512xf32> to vector<64x512xbf16>
    %get3A_1261 = arith.constant 0 : index
    %get3A_1262 = arith.constant 0 : index
    %get3A_1263 = vector.load %arg8[%get3A_1261, %get3A_1262] : memref<512x2048xbf16, #tpu.memory_space<vmem>>, vector<512x2048xbf16>
    %dot_general3A_1264 = arith.constant dense<0.000000e+00> : vector<64x2048xf32>
    %dot_general3A_1265 = tpu.matmul %convert_element_type3A_1260, %get3A_1263, %dot_general3A_1264 {dimension_numbers = #tpu.dot_dimension_numbers<[1], [0], [0], [1], [0, 0, 1, 1], [], []>, transpose_lhs_hint = false} : vector<64x512xbf16>, vector<512x2048xbf16>, vector<64x2048xf32> -> vector<64x2048xf32>
    %add3A_1266 = arith.addf %get3A_1259, %dot_general3A_1265 : vector<64x2048xf32>
    %slice3A_1267 = vector.extract_strided_slice %add3A_1266 {offsets = [0, 0], sizes = [64, 512], strides = [1, 1]} : vector<64x2048xf32> to vector<64x512xf32>
    %logistic3A_1268 = arith.negf %slice3A_1267 : vector<64x512xf32>
    %logistic3A_1269 = math.exp %logistic3A_1268 : vector<64x512xf32>
    %logistic3A_1270 = arith.constant 1.000000e+00 : f32
    %logistic3A_1271 = vector.broadcast %logistic3A_1270 : f32 to vector<64x512xf32>
    %logistic3A_1272 = arith.addf %logistic3A_1271, %logistic3A_1269 : vector<64x512xf32>
    %logistic3A_1273 = arith.divf %logistic3A_1271, %logistic3A_1272 : vector<64x512xf32>
    %slice3A_1274 = vector.extract_strided_slice %add3A_1266 {offsets = [0, 512], sizes = [64, 512], strides = [1, 1]} : vector<64x2048xf32> to vector<64x512xf32>
    %logistic3A_1275 = arith.negf %slice3A_1274 : vector<64x512xf32>
    %logistic3A_1276 = math.exp %logistic3A_1275 : vector<64x512xf32>
    %logistic3A_1277 = arith.constant 1.000000e+00 : f32
    %logistic3A_1278 = vector.broadcast %logistic3A_1277 : f32 to vector<64x512xf32>
    %logistic3A_1279 = arith.addf %logistic3A_1278, %logistic3A_1276 : vector<64x512xf32>
    %logistic3A_1280 = arith.divf %logistic3A_1278, %logistic3A_1279 : vector<64x512xf32>
    %slice3A_1281 = vector.extract_strided_slice %add3A_1266 {offsets = [0, 1024], sizes = [64, 512], strides = [1, 1]} : vector<64x2048xf32> to vector<64x512xf32>
    %tanh3A_1282 = math.tanh %slice3A_1281 : vector<64x512xf32>
    %slice3A_1283 = vector.extract_strided_slice %add3A_1266 {offsets = [0, 1536], sizes = [64, 512], strides = [1, 1]} : vector<64x2048xf32> to vector<64x512xf32>
    %logistic3A_1284 = arith.negf %slice3A_1283 : vector<64x512xf32>
    %logistic3A_1285 = math.exp %logistic3A_1284 : vector<64x512xf32>
    %logistic3A_1286 = arith.constant 1.000000e+00 : f32
    %logistic3A_1287 = vector.broadcast %logistic3A_1286 : f32 to vector<64x512xf32>
    %logistic3A_1288 = arith.addf %logistic3A_1287, %logistic3A_1285 : vector<64x512xf32>
    %logistic3A_1289 = arith.divf %logistic3A_1287, %logistic3A_1288 : vector<64x512xf32>
    %mul3A_1290 = arith.mulf %logistic3A_1280, %add3A_1251 : vector<64x512xf32>
    %mul3A_1291 = arith.mulf %logistic3A_1273, %tanh3A_1282 : vector<64x512xf32>
    %add3A_1292 = arith.addf %mul3A_1290, %mul3A_1291 : vector<64x512xf32>
    %tanh3A_1293 = math.tanh %add3A_1292 : vector<64x512xf32>
    %mul3A_1294 = arith.mulf %logistic3A_1289, %tanh3A_1293 : vector<64x512xf32>
    %swap3A_1295 = arith.constant 576 : index
    %swap3A_1296 = arith.constant 0 : index
    %swap3A_1297 = vector.load %arg15[%swap3A_1295, %swap3A_1296] : memref<1280x512xf32, #tpu.memory_space<vmem>>, vector<64x512xf32>
    tpu.vector_store %arg15[%swap3A_1295, %swap3A_1296], %mul3A_1294 {strides = array<i32>} : memref<1280x512xf32, #tpu.memory_space<vmem>>, vector<64x512xf32>,
    %get3A_1298 = arith.constant 640 : index
    %get3A_1299 = arith.constant 0 : index
    %get3A_1300 = vector.load %arg16[%get3A_1298, %get3A_1299] : memref<1280x2048xf32, #tpu.memory_space<vmem>>, vector<64x2048xf32>
    %convert_element_type3A_1301 = arith.truncf %mul3A_1294 : vector<64x512xf32> to vector<64x512xbf16>
    %get3A_1302 = arith.constant 0 : index
    %get3A_1303 = arith.constant 0 : index
    %get3A_1304 = vector.load %arg8[%get3A_1302, %get3A_1303] : memref<512x2048xbf16, #tpu.memory_space<vmem>>, vector<512x2048xbf16>
    %dot_general3A_1305 = arith.constant dense<0.000000e+00> : vector<64x2048xf32>
    %dot_general3A_1306 = tpu.matmul %convert_element_type3A_1301, %get3A_1304, %dot_general3A_1305 {dimension_numbers = #tpu.dot_dimension_numbers<[1], [0], [0], [1], [0, 0, 1, 1], [], []>, transpose_lhs_hint = false} : vector<64x512xbf16>, vector<512x2048xbf16>, vector<64x2048xf32> -> vector<64x2048xf32>
    %add3A_1307 = arith.addf %get3A_1300, %dot_general3A_1306 : vector<64x2048xf32>
    %slice3A_1308 = vector.extract_strided_slice %add3A_1307 {offsets = [0, 0], sizes = [64, 512], strides = [1, 1]} : vector<64x2048xf32> to vector<64x512xf32>
    %logistic3A_1309 = arith.negf %slice3A_1308 : vector<64x512xf32>
    %logistic3A_1310 = math.exp %logistic3A_1309 : vector<64x512xf32>
    %logistic3A_1311 = arith.constant 1.000000e+00 : f32
    %logistic3A_1312 = vector.broadcast %logistic3A_1311 : f32 to vector<64x512xf32>
    %logistic3A_1313 = arith.addf %logistic3A_1312, %logistic3A_1310 : vector<64x512xf32>
    %logistic3A_1314 = arith.divf %logistic3A_1312, %logistic3A_1313 : vector<64x512xf32>
    %slice3A_1315 = vector.extract_strided_slice %add3A_1307 {offsets = [0, 512], sizes = [64, 512], strides = [1, 1]} : vector<64x2048xf32> to vector<64x512xf32>
    %logistic3A_1316 = arith.negf %slice3A_1315 : vector<64x512xf32>
    %logistic3A_1317 = math.exp %logistic3A_1316 : vector<64x512xf32>
    %logistic3A_1318 = arith.constant 1.000000e+00 : f32
    %logistic3A_1319 = vector.broadcast %logistic3A_1318 : f32 to vector<64x512xf32>
    %logistic3A_1320 = arith.addf %logistic3A_1319, %logistic3A_1317 : vector<64x512xf32>
    %logistic3A_1321 = arith.divf %logistic3A_1319, %logistic3A_1320 : vector<64x512xf32>
    %slice3A_1322 = vector.extract_strided_slice %add3A_1307 {offsets = [0, 1024], sizes = [64, 512], strides = [1, 1]} : vector<64x2048xf32> to vector<64x512xf32>
    %tanh3A_1323 = math.tanh %slice3A_1322 : vector<64x512xf32>
    %slice3A_1324 = vector.extract_strided_slice %add3A_1307 {offsets = [0, 1536], sizes = [64, 512], strides = [1, 1]} : vector<64x2048xf32> to vector<64x512xf32>
    %logistic3A_1325 = arith.negf %slice3A_1324 : vector<64x512xf32>
    %logistic3A_1326 = math.exp %logistic3A_1325 : vector<64x512xf32>
    %logistic3A_1327 = arith.constant 1.000000e+00 : f32
    %logistic3A_1328 = vector.broadcast %logistic3A_1327 : f32 to vector<64x512xf32>
    %logistic3A_1329 = arith.addf %logistic3A_1328, %logistic3A_1326 : vector<64x512xf32>
    %logistic3A_1330 = arith.divf %logistic3A_1328, %logistic3A_1329 : vector<64x512xf32>
    %mul3A_1331 = arith.mulf %logistic3A_1321, %add3A_1292 : vector<64x512xf32>
    %mul3A_1332 = arith.mulf %logistic3A_1314, %tanh3A_1323 : vector<64x512xf32>
    %add3A_1333 = arith.addf %mul3A_1331, %mul3A_1332 : vector<64x512xf32>
    %tanh3A_1334 = math.tanh %add3A_1333 : vector<64x512xf32>
    %mul3A_1335 = arith.mulf %logistic3A_1330, %tanh3A_1334 : vector<64x512xf32>
    %swap3A_1336 = arith.constant 640 : index
    %swap3A_1337 = arith.constant 0 : index
    %swap3A_1338 = vector.load %arg15[%swap3A_1336, %swap3A_1337] : memref<1280x512xf32, #tpu.memory_space<vmem>>, vector<64x512xf32>
    tpu.vector_store %arg15[%swap3A_1336, %swap3A_1337], %mul3A_1335 {strides = array<i32>} : memref<1280x512xf32, #tpu.memory_space<vmem>>, vector<64x512xf32>,
    %get3A_1339 = arith.constant 704 : index
    %get3A_1340 = arith.constant 0 : index
    %get3A_1341 = vector.load %arg16[%get3A_1339, %get3A_1340] : memref<1280x2048xf32, #tpu.memory_space<vmem>>, vector<64x2048xf32>
    %convert_element_type3A_1342 = arith.truncf %mul3A_1335 : vector<64x512xf32> to vector<64x512xbf16>
    %get3A_1343 = arith.constant 0 : index
    %get3A_1344 = arith.constant 0 : index
    %get3A_1345 = vector.load %arg8[%get3A_1343, %get3A_1344] : memref<512x2048xbf16, #tpu.memory_space<vmem>>, vector<512x2048xbf16>
    %dot_general3A_1346 = arith.constant dense<0.000000e+00> : vector<64x2048xf32>
    %dot_general3A_1347 = tpu.matmul %convert_element_type3A_1342, %get3A_1345, %dot_general3A_1346 {dimension_numbers = #tpu.dot_dimension_numbers<[1], [0], [0], [1], [0, 0, 1, 1], [], []>, transpose_lhs_hint = false} : vector<64x512xbf16>, vector<512x2048xbf16>, vector<64x2048xf32> -> vector<64x2048xf32>
    %add3A_1348 = arith.addf %get3A_1341, %dot_general3A_1347 : vector<64x2048xf32>
    %slice3A_1349 = vector.extract_strided_slice %add3A_1348 {offsets = [0, 0], sizes = [64, 512], strides = [1, 1]} : vector<64x2048xf32> to vector<64x512xf32>
    %logistic3A_1350 = arith.negf %slice3A_1349 : vector<64x512xf32>
    %logistic3A_1351 = math.exp %logistic3A_1350 : vector<64x512xf32>
    %logistic3A_1352 = arith.constant 1.000000e+00 : f32
    %logistic3A_1353 = vector.broadcast %logistic3A_1352 : f32 to vector<64x512xf32>
    %logistic3A_1354 = arith.addf %logistic3A_1353, %logistic3A_1351 : vector<64x512xf32>
    %logistic3A_1355 = arith.divf %logistic3A_1353, %logistic3A_1354 : vector<64x512xf32>
    %slice3A_1356 = vector.extract_strided_slice %add3A_1348 {offsets = [0, 512], sizes = [64, 512], strides = [1, 1]} : vector<64x2048xf32> to vector<64x512xf32>
    %logistic3A_1357 = arith.negf %slice3A_1356 : vector<64x512xf32>
    %logistic3A_1358 = math.exp %logistic3A_1357 : vector<64x512xf32>
    %logistic3A_1359 = arith.constant 1.000000e+00 : f32
    %logistic3A_1360 = vector.broadcast %logistic3A_1359 : f32 to vector<64x512xf32>
    %logistic3A_1361 = arith.addf %logistic3A_1360, %logistic3A_1358 : vector<64x512xf32>
    %logistic3A_1362 = arith.divf %logistic3A_1360, %logistic3A_1361 : vector<64x512xf32>
    %slice3A_1363 = vector.extract_strided_slice %add3A_1348 {offsets = [0, 1024], sizes = [64, 512], strides = [1, 1]} : vector<64x2048xf32> to vector<64x512xf32>
    %tanh3A_1364 = math.tanh %slice3A_1363 : vector<64x512xf32>
    %slice3A_1365 = vector.extract_strided_slice %add3A_1348 {offsets = [0, 1536], sizes = [64, 512], strides = [1, 1]} : vector<64x2048xf32> to vector<64x512xf32>
    %logistic3A_1366 = arith.negf %slice3A_1365 : vector<64x512xf32>
    %logistic3A_1367 = math.exp %logistic3A_1366 : vector<64x512xf32>
    %logistic3A_1368 = arith.constant 1.000000e+00 : f32
    %logistic3A_1369 = vector.broadcast %logistic3A_1368 : f32 to vector<64x512xf32>
    %logistic3A_1370 = arith.addf %logistic3A_1369, %logistic3A_1367 : vector<64x512xf32>
    %logistic3A_1371 = arith.divf %logistic3A_1369, %logistic3A_1370 : vector<64x512xf32>
    %mul3A_1372 = arith.mulf %logistic3A_1362, %add3A_1333 : vector<64x512xf32>
    %mul3A_1373 = arith.mulf %logistic3A_1355, %tanh3A_1364 : vector<64x512xf32>
    %add3A_1374 = arith.addf %mul3A_1372, %mul3A_1373 : vector<64x512xf32>
    %tanh3A_1375 = math.tanh %add3A_1374 : vector<64x512xf32>
    %mul3A_1376 = arith.mulf %logistic3A_1371, %tanh3A_1375 : vector<64x512xf32>
    %swap3A_1377 = arith.constant 704 : index
    %swap3A_1378 = arith.constant 0 : index
    %swap3A_1379 = vector.load %arg15[%swap3A_1377, %swap3A_1378] : memref<1280x512xf32, #tpu.memory_space<vmem>>, vector<64x512xf32>
    tpu.vector_store %arg15[%swap3A_1377, %swap3A_1378], %mul3A_1376 {strides = array<i32>} : memref<1280x512xf32, #tpu.memory_space<vmem>>, vector<64x512xf32>,
    %get3A_1380 = arith.constant 768 : index
    %get3A_1381 = arith.constant 0 : index
    %get3A_1382 = vector.load %arg16[%get3A_1380, %get3A_1381] : memref<1280x2048xf32, #tpu.memory_space<vmem>>, vector<64x2048xf32>
    %convert_element_type3A_1383 = arith.truncf %mul3A_1376 : vector<64x512xf32> to vector<64x512xbf16>
    %get3A_1384 = arith.constant 0 : index
    %get3A_1385 = arith.constant 0 : index
    %get3A_1386 = vector.load %arg8[%get3A_1384, %get3A_1385] : memref<512x2048xbf16, #tpu.memory_space<vmem>>, vector<512x2048xbf16>
    %dot_general3A_1387 = arith.constant dense<0.000000e+00> : vector<64x2048xf32>
    %dot_general3A_1388 = tpu.matmul %convert_element_type3A_1383, %get3A_1386, %dot_general3A_1387 {dimension_numbers = #tpu.dot_dimension_numbers<[1], [0], [0], [1], [0, 0, 1, 1], [], []>, transpose_lhs_hint = false} : vector<64x512xbf16>, vector<512x2048xbf16>, vector<64x2048xf32> -> vector<64x2048xf32>
    %add3A_1389 = arith.addf %get3A_1382, %dot_general3A_1388 : vector<64x2048xf32>
    %slice3A_1390 = vector.extract_strided_slice %add3A_1389 {offsets = [0, 0], sizes = [64, 512], strides = [1, 1]} : vector<64x2048xf32> to vector<64x512xf32>
    %logistic3A_1391 = arith.negf %slice3A_1390 : vector<64x512xf32>
    %logistic3A_1392 = math.exp %logistic3A_1391 : vector<64x512xf32>
    %logistic3A_1393 = arith.constant 1.000000e+00 : f32
    %logistic3A_1394 = vector.broadcast %logistic3A_1393 : f32 to vector<64x512xf32>
    %logistic3A_1395 = arith.addf %logistic3A_1394, %logistic3A_1392 : vector<64x512xf32>
    %logistic3A_1396 = arith.divf %logistic3A_1394, %logistic3A_1395 : vector<64x512xf32>
    %slice3A_1397 = vector.extract_strided_slice %add3A_1389 {offsets = [0, 512], sizes = [64, 512], strides = [1, 1]} : vector<64x2048xf32> to vector<64x512xf32>
    %logistic3A_1398 = arith.negf %slice3A_1397 : vector<64x512xf32>
    %logistic3A_1399 = math.exp %logistic3A_1398 : vector<64x512xf32>
    %logistic3A_1400 = arith.constant 1.000000e+00 : f32
    %logistic3A_1401 = vector.broadcast %logistic3A_1400 : f32 to vector<64x512xf32>
    %logistic3A_1402 = arith.addf %logistic3A_1401, %logistic3A_1399 : vector<64x512xf32>
    %logistic3A_1403 = arith.divf %logistic3A_1401, %logistic3A_1402 : vector<64x512xf32>
    %slice3A_1404 = vector.extract_strided_slice %add3A_1389 {offsets = [0, 1024], sizes = [64, 512], strides = [1, 1]} : vector<64x2048xf32> to vector<64x512xf32>
    %tanh3A_1405 = math.tanh %slice3A_1404 : vector<64x512xf32>
    %slice3A_1406 = vector.extract_strided_slice %add3A_1389 {offsets = [0, 1536], sizes = [64, 512], strides = [1, 1]} : vector<64x2048xf32> to vector<64x512xf32>
    %logistic3A_1407 = arith.negf %slice3A_1406 : vector<64x512xf32>
    %logistic3A_1408 = math.exp %logistic3A_1407 : vector<64x512xf32>
    %logistic3A_1409 = arith.constant 1.000000e+00 : f32
    %logistic3A_1410 = vector.broadcast %logistic3A_1409 : f32 to vector<64x512xf32>
    %logistic3A_1411 = arith.addf %logistic3A_1410, %logistic3A_1408 : vector<64x512xf32>
    %logistic3A_1412 = arith.divf %logistic3A_1410, %logistic3A_1411 : vector<64x512xf32>
    %mul3A_1413 = arith.mulf %logistic3A_1403, %add3A_1374 : vector<64x512xf32>
    %mul3A_1414 = arith.mulf %logistic3A_1396, %tanh3A_1405 : vector<64x512xf32>
    %add3A_1415 = arith.addf %mul3A_1413, %mul3A_1414 : vector<64x512xf32>
    %tanh3A_1416 = math.tanh %add3A_1415 : vector<64x512xf32>
    %mul3A_1417 = arith.mulf %logistic3A_1412, %tanh3A_1416 : vector<64x512xf32>
    %swap3A_1418 = arith.constant 768 : index
    %swap3A_1419 = arith.constant 0 : index
    %swap3A_1420 = vector.load %arg15[%swap3A_1418, %swap3A_1419] : memref<1280x512xf32, #tpu.memory_space<vmem>>, vector<64x512xf32>
    tpu.vector_store %arg15[%swap3A_1418, %swap3A_1419], %mul3A_1417 {strides = array<i32>} : memref<1280x512xf32, #tpu.memory_space<vmem>>, vector<64x512xf32>,
    %get3A_1421 = arith.constant 832 : index
    %get3A_1422 = arith.constant 0 : index
    %get3A_1423 = vector.load %arg16[%get3A_1421, %get3A_1422] : memref<1280x2048xf32, #tpu.memory_space<vmem>>, vector<64x2048xf32>
    %convert_element_type3A_1424 = arith.truncf %mul3A_1417 : vector<64x512xf32> to vector<64x512xbf16>
    %get3A_1425 = arith.constant 0 : index
    %get3A_1426 = arith.constant 0 : index
    %get3A_1427 = vector.load %arg8[%get3A_1425, %get3A_1426] : memref<512x2048xbf16, #tpu.memory_space<vmem>>, vector<512x2048xbf16>
    %dot_general3A_1428 = arith.constant dense<0.000000e+00> : vector<64x2048xf32>
    %dot_general3A_1429 = tpu.matmul %convert_element_type3A_1424, %get3A_1427, %dot_general3A_1428 {dimension_numbers = #tpu.dot_dimension_numbers<[1], [0], [0], [1], [0, 0, 1, 1], [], []>, transpose_lhs_hint = false} : vector<64x512xbf16>, vector<512x2048xbf16>, vector<64x2048xf32> -> vector<64x2048xf32>
    %add3A_1430 = arith.addf %get3A_1423, %dot_general3A_1429 : vector<64x2048xf32>
    %slice3A_1431 = vector.extract_strided_slice %add3A_1430 {offsets = [0, 0], sizes = [64, 512], strides = [1, 1]} : vector<64x2048xf32> to vector<64x512xf32>
    %logistic3A_1432 = arith.negf %slice3A_1431 : vector<64x512xf32>
    %logistic3A_1433 = math.exp %logistic3A_1432 : vector<64x512xf32>
    %logistic3A_1434 = arith.constant 1.000000e+00 : f32
    %logistic3A_1435 = vector.broadcast %logistic3A_1434 : f32 to vector<64x512xf32>
    %logistic3A_1436 = arith.addf %logistic3A_1435, %logistic3A_1433 : vector<64x512xf32>
    %logistic3A_1437 = arith.divf %logistic3A_1435, %logistic3A_1436 : vector<64x512xf32>
    %slice3A_1438 = vector.extract_strided_slice %add3A_1430 {offsets = [0, 512], sizes = [64, 512], strides = [1, 1]} : vector<64x2048xf32> to vector<64x512xf32>
    %logistic3A_1439 = arith.negf %slice3A_1438 : vector<64x512xf32>
    %logistic3A_1440 = math.exp %logistic3A_1439 : vector<64x512xf32>
    %logistic3A_1441 = arith.constant 1.000000e+00 : f32
    %logistic3A_1442 = vector.broadcast %logistic3A_1441 : f32 to vector<64x512xf32>
    %logistic3A_1443 = arith.addf %logistic3A_1442, %logistic3A_1440 : vector<64x512xf32>
    %logistic3A_1444 = arith.divf %logistic3A_1442, %logistic3A_1443 : vector<64x512xf32>
    %slice3A_1445 = vector.extract_strided_slice %add3A_1430 {offsets = [0, 1024], sizes = [64, 512], strides = [1, 1]} : vector<64x2048xf32> to vector<64x512xf32>
    %tanh3A_1446 = math.tanh %slice3A_1445 : vector<64x512xf32>
    %slice3A_1447 = vector.extract_strided_slice %add3A_1430 {offsets = [0, 1536], sizes = [64, 512], strides = [1, 1]} : vector<64x2048xf32> to vector<64x512xf32>
    %logistic3A_1448 = arith.negf %slice3A_1447 : vector<64x512xf32>
    %logistic3A_1449 = math.exp %logistic3A_1448 : vector<64x512xf32>
    %logistic3A_1450 = arith.constant 1.000000e+00 : f32
    %logistic3A_1451 = vector.broadcast %logistic3A_1450 : f32 to vector<64x512xf32>
    %logistic3A_1452 = arith.addf %logistic3A_1451, %logistic3A_1449 : vector<64x512xf32>
    %logistic3A_1453 = arith.divf %logistic3A_1451, %logistic3A_1452 : vector<64x512xf32>
    %mul3A_1454 = arith.mulf %logistic3A_1444, %add3A_1415 : vector<64x512xf32>
    %mul3A_1455 = arith.mulf %logistic3A_1437, %tanh3A_1446 : vector<64x512xf32>
    %add3A_1456 = arith.addf %mul3A_1454, %mul3A_1455 : vector<64x512xf32>
    %tanh3A_1457 = math.tanh %add3A_1456 : vector<64x512xf32>
    %mul3A_1458 = arith.mulf %logistic3A_1453, %tanh3A_1457 : vector<64x512xf32>
    %swap3A_1459 = arith.constant 832 : index
    %swap3A_1460 = arith.constant 0 : index
    %swap3A_1461 = vector.load %arg15[%swap3A_1459, %swap3A_1460] : memref<1280x512xf32, #tpu.memory_space<vmem>>, vector<64x512xf32>
    tpu.vector_store %arg15[%swap3A_1459, %swap3A_1460], %mul3A_1458 {strides = array<i32>} : memref<1280x512xf32, #tpu.memory_space<vmem>>, vector<64x512xf32>,
    %get3A_1462 = arith.constant 896 : index
    %get3A_1463 = arith.constant 0 : index
    %get3A_1464 = vector.load %arg16[%get3A_1462, %get3A_1463] : memref<1280x2048xf32, #tpu.memory_space<vmem>>, vector<64x2048xf32>
    %convert_element_type3A_1465 = arith.truncf %mul3A_1458 : vector<64x512xf32> to vector<64x512xbf16>
    %get3A_1466 = arith.constant 0 : index
    %get3A_1467 = arith.constant 0 : index
    %get3A_1468 = vector.load %arg8[%get3A_1466, %get3A_1467] : memref<512x2048xbf16, #tpu.memory_space<vmem>>, vector<512x2048xbf16>
    %dot_general3A_1469 = arith.constant dense<0.000000e+00> : vector<64x2048xf32>
    %dot_general3A_1470 = tpu.matmul %convert_element_type3A_1465, %get3A_1468, %dot_general3A_1469 {dimension_numbers = #tpu.dot_dimension_numbers<[1], [0], [0], [1], [0, 0, 1, 1], [], []>, transpose_lhs_hint = false} : vector<64x512xbf16>, vector<512x2048xbf16>, vector<64x2048xf32> -> vector<64x2048xf32>
    %add3A_1471 = arith.addf %get3A_1464, %dot_general3A_1470 : vector<64x2048xf32>
    %slice3A_1472 = vector.extract_strided_slice %add3A_1471 {offsets = [0, 0], sizes = [64, 512], strides = [1, 1]} : vector<64x2048xf32> to vector<64x512xf32>
    %logistic3A_1473 = arith.negf %slice3A_1472 : vector<64x512xf32>
    %logistic3A_1474 = math.exp %logistic3A_1473 : vector<64x512xf32>
    %logistic3A_1475 = arith.constant 1.000000e+00 : f32
    %logistic3A_1476 = vector.broadcast %logistic3A_1475 : f32 to vector<64x512xf32>
    %logistic3A_1477 = arith.addf %logistic3A_1476, %logistic3A_1474 : vector<64x512xf32>
    %logistic3A_1478 = arith.divf %logistic3A_1476, %logistic3A_1477 : vector<64x512xf32>
    %slice3A_1479 = vector.extract_strided_slice %add3A_1471 {offsets = [0, 512], sizes = [64, 512], strides = [1, 1]} : vector<64x2048xf32> to vector<64x512xf32>
    %logistic3A_1480 = arith.negf %slice3A_1479 : vector<64x512xf32>
    %logistic3A_1481 = math.exp %logistic3A_1480 : vector<64x512xf32>
    %logistic3A_1482 = arith.constant 1.000000e+00 : f32
    %logistic3A_1483 = vector.broadcast %logistic3A_1482 : f32 to vector<64x512xf32>
    %logistic3A_1484 = arith.addf %logistic3A_1483, %logistic3A_1481 : vector<64x512xf32>
    %logistic3A_1485 = arith.divf %logistic3A_1483, %logistic3A_1484 : vector<64x512xf32>
    %slice3A_1486 = vector.extract_strided_slice %add3A_1471 {offsets = [0, 1024], sizes = [64, 512], strides = [1, 1]} : vector<64x2048xf32> to vector<64x512xf32>
    %tanh3A_1487 = math.tanh %slice3A_1486 : vector<64x512xf32>
    %slice3A_1488 = vector.extract_strided_slice %add3A_1471 {offsets = [0, 1536], sizes = [64, 512], strides = [1, 1]} : vector<64x2048xf32> to vector<64x512xf32>
    %logistic3A_1489 = arith.negf %slice3A_1488 : vector<64x512xf32>
    %logistic3A_1490 = math.exp %logistic3A_1489 : vector<64x512xf32>
    %logistic3A_1491 = arith.constant 1.000000e+00 : f32
    %logistic3A_1492 = vector.broadcast %logistic3A_1491 : f32 to vector<64x512xf32>
    %logistic3A_1493 = arith.addf %logistic3A_1492, %logistic3A_1490 : vector<64x512xf32>
    %logistic3A_1494 = arith.divf %logistic3A_1492, %logistic3A_1493 : vector<64x512xf32>
    %mul3A_1495 = arith.mulf %logistic3A_1485, %add3A_1456 : vector<64x512xf32>
    %mul3A_1496 = arith.mulf %logistic3A_1478, %tanh3A_1487 : vector<64x512xf32>
    %add3A_1497 = arith.addf %mul3A_1495, %mul3A_1496 : vector<64x512xf32>
    %tanh3A_1498 = math.tanh %add3A_1497 : vector<64x512xf32>
    %mul3A_1499 = arith.mulf %logistic3A_1494, %tanh3A_1498 : vector<64x512xf32>
    %swap3A_1500 = arith.constant 896 : index
    %swap3A_1501 = arith.constant 0 : index
    %swap3A_1502 = vector.load %arg15[%swap3A_1500, %swap3A_1501] : memref<1280x512xf32, #tpu.memory_space<vmem>>, vector<64x512xf32>
    tpu.vector_store %arg15[%swap3A_1500, %swap3A_1501], %mul3A_1499 {strides = array<i32>} : memref<1280x512xf32, #tpu.memory_space<vmem>>, vector<64x512xf32>,
    %get3A_1503 = arith.constant 960 : index
    %get3A_1504 = arith.constant 0 : index
    %get3A_1505 = vector.load %arg16[%get3A_1503, %get3A_1504] : memref<1280x2048xf32, #tpu.memory_space<vmem>>, vector<64x2048xf32>
    %convert_element_type3A_1506 = arith.truncf %mul3A_1499 : vector<64x512xf32> to vector<64x512xbf16>
    %get3A_1507 = arith.constant 0 : index
    %get3A_1508 = arith.constant 0 : index
    %get3A_1509 = vector.load %arg8[%get3A_1507, %get3A_1508] : memref<512x2048xbf16, #tpu.memory_space<vmem>>, vector<512x2048xbf16>
    %dot_general3A_1510 = arith.constant dense<0.000000e+00> : vector<64x2048xf32>
    %dot_general3A_1511 = tpu.matmul %convert_element_type3A_1506, %get3A_1509, %dot_general3A_1510 {dimension_numbers = #tpu.dot_dimension_numbers<[1], [0], [0], [1], [0, 0, 1, 1], [], []>, transpose_lhs_hint = false} : vector<64x512xbf16>, vector<512x2048xbf16>, vector<64x2048xf32> -> vector<64x2048xf32>
    %add3A_1512 = arith.addf %get3A_1505, %dot_general3A_1511 : vector<64x2048xf32>
    %slice3A_1513 = vector.extract_strided_slice %add3A_1512 {offsets = [0, 0], sizes = [64, 512], strides = [1, 1]} : vector<64x2048xf32> to vector<64x512xf32>
    %logistic3A_1514 = arith.negf %slice3A_1513 : vector<64x512xf32>
    %logistic3A_1515 = math.exp %logistic3A_1514 : vector<64x512xf32>
    %logistic3A_1516 = arith.constant 1.000000e+00 : f32
    %logistic3A_1517 = vector.broadcast %logistic3A_1516 : f32 to vector<64x512xf32>
    %logistic3A_1518 = arith.addf %logistic3A_1517, %logistic3A_1515 : vector<64x512xf32>
    %logistic3A_1519 = arith.divf %logistic3A_1517, %logistic3A_1518 : vector<64x512xf32>
    %slice3A_1520 = vector.extract_strided_slice %add3A_1512 {offsets = [0, 512], sizes = [64, 512], strides = [1, 1]} : vector<64x2048xf32> to vector<64x512xf32>
    %logistic3A_1521 = arith.negf %slice3A_1520 : vector<64x512xf32>
    %logistic3A_1522 = math.exp %logistic3A_1521 : vector<64x512xf32>
    %logistic3A_1523 = arith.constant 1.000000e+00 : f32
    %logistic3A_1524 = vector.broadcast %logistic3A_1523 : f32 to vector<64x512xf32>
    %logistic3A_1525 = arith.addf %logistic3A_1524, %logistic3A_1522 : vector<64x512xf32>
    %logistic3A_1526 = arith.divf %logistic3A_1524, %logistic3A_1525 : vector<64x512xf32>
    %slice3A_1527 = vector.extract_strided_slice %add3A_1512 {offsets = [0, 1024], sizes = [64, 512], strides = [1, 1]} : vector<64x2048xf32> to vector<64x512xf32>
    %tanh3A_1528 = math.tanh %slice3A_1527 : vector<64x512xf32>
    %slice3A_1529 = vector.extract_strided_slice %add3A_1512 {offsets = [0, 1536], sizes = [64, 512], strides = [1, 1]} : vector<64x2048xf32> to vector<64x512xf32>
    %logistic3A_1530 = arith.negf %slice3A_1529 : vector<64x512xf32>
    %logistic3A_1531 = math.exp %logistic3A_1530 : vector<64x512xf32>
    %logistic3A_1532 = arith.constant 1.000000e+00 : f32
    %logistic3A_1533 = vector.broadcast %logistic3A_1532 : f32 to vector<64x512xf32>
    %logistic3A_1534 = arith.addf %logistic3A_1533, %logistic3A_1531 : vector<64x512xf32>
    %logistic3A_1535 = arith.divf %logistic3A_1533, %logistic3A_1534 : vector<64x512xf32>
    %mul3A_1536 = arith.mulf %logistic3A_1526, %add3A_1497 : vector<64x512xf32>
    %mul3A_1537 = arith.mulf %logistic3A_1519, %tanh3A_1528 : vector<64x512xf32>
    %add3A_1538 = arith.addf %mul3A_1536, %mul3A_1537 : vector<64x512xf32>
    %tanh3A_1539 = math.tanh %add3A_1538 : vector<64x512xf32>
    %mul3A_1540 = arith.mulf %logistic3A_1535, %tanh3A_1539 : vector<64x512xf32>
    %swap3A_1541 = arith.constant 960 : index
    %swap3A_1542 = arith.constant 0 : index
    %swap3A_1543 = vector.load %arg15[%swap3A_1541, %swap3A_1542] : memref<1280x512xf32, #tpu.memory_space<vmem>>, vector<64x512xf32>
    tpu.vector_store %arg15[%swap3A_1541, %swap3A_1542], %mul3A_1540 {strides = array<i32>} : memref<1280x512xf32, #tpu.memory_space<vmem>>, vector<64x512xf32>,
    %get3A_1544 = arith.constant 1024 : index
    %get3A_1545 = arith.constant 0 : index
    %get3A_1546 = vector.load %arg16[%get3A_1544, %get3A_1545] : memref<1280x2048xf32, #tpu.memory_space<vmem>>, vector<64x2048xf32>
    %convert_element_type3A_1547 = arith.truncf %mul3A_1540 : vector<64x512xf32> to vector<64x512xbf16>
    %get3A_1548 = arith.constant 0 : index
    %get3A_1549 = arith.constant 0 : index
    %get3A_1550 = vector.load %arg8[%get3A_1548, %get3A_1549] : memref<512x2048xbf16, #tpu.memory_space<vmem>>, vector<512x2048xbf16>
    %dot_general3A_1551 = arith.constant dense<0.000000e+00> : vector<64x2048xf32>
    %dot_general3A_1552 = tpu.matmul %convert_element_type3A_1547, %get3A_1550, %dot_general3A_1551 {dimension_numbers = #tpu.dot_dimension_numbers<[1], [0], [0], [1], [0, 0, 1, 1], [], []>, transpose_lhs_hint = false} : vector<64x512xbf16>, vector<512x2048xbf16>, vector<64x2048xf32> -> vector<64x2048xf32>
    %add3A_1553 = arith.addf %get3A_1546, %dot_general3A_1552 : vector<64x2048xf32>
    %slice3A_1554 = vector.extract_strided_slice %add3A_1553 {offsets = [0, 0], sizes = [64, 512], strides = [1, 1]} : vector<64x2048xf32> to vector<64x512xf32>
    %logistic3A_1555 = arith.negf %slice3A_1554 : vector<64x512xf32>
    %logistic3A_1556 = math.exp %logistic3A_1555 : vector<64x512xf32>
    %logistic3A_1557 = arith.constant 1.000000e+00 : f32
    %logistic3A_1558 = vector.broadcast %logistic3A_1557 : f32 to vector<64x512xf32>
    %logistic3A_1559 = arith.addf %logistic3A_1558, %logistic3A_1556 : vector<64x512xf32>
    %logistic3A_1560 = arith.divf %logistic3A_1558, %logistic3A_1559 : vector<64x512xf32>
    %slice3A_1561 = vector.extract_strided_slice %add3A_1553 {offsets = [0, 512], sizes = [64, 512], strides = [1, 1]} : vector<64x2048xf32> to vector<64x512xf32>
    %logistic3A_1562 = arith.negf %slice3A_1561 : vector<64x512xf32>
    %logistic3A_1563 = math.exp %logistic3A_1562 : vector<64x512xf32>
    %logistic3A_1564 = arith.constant 1.000000e+00 : f32
    %logistic3A_1565 = vector.broadcast %logistic3A_1564 : f32 to vector<64x512xf32>
    %logistic3A_1566 = arith.addf %logistic3A_1565, %logistic3A_1563 : vector<64x512xf32>
    %logistic3A_1567 = arith.divf %logistic3A_1565, %logistic3A_1566 : vector<64x512xf32>
    %slice3A_1568 = vector.extract_strided_slice %add3A_1553 {offsets = [0, 1024], sizes = [64, 512], strides = [1, 1]} : vector<64x2048xf32> to vector<64x512xf32>
    %tanh3A_1569 = math.tanh %slice3A_1568 : vector<64x512xf32>
    %slice3A_1570 = vector.extract_strided_slice %add3A_1553 {offsets = [0, 1536], sizes = [64, 512], strides = [1, 1]} : vector<64x2048xf32> to vector<64x512xf32>
    %logistic3A_1571 = arith.negf %slice3A_1570 : vector<64x512xf32>
    %logistic3A_1572 = math.exp %logistic3A_1571 : vector<64x512xf32>
    %logistic3A_1573 = arith.constant 1.000000e+00 : f32
    %logistic3A_1574 = vector.broadcast %logistic3A_1573 : f32 to vector<64x512xf32>
    %logistic3A_1575 = arith.addf %logistic3A_1574, %logistic3A_1572 : vector<64x512xf32>
    %logistic3A_1576 = arith.divf %logistic3A_1574, %logistic3A_1575 : vector<64x512xf32>
    %mul3A_1577 = arith.mulf %logistic3A_1567, %add3A_1538 : vector<64x512xf32>
    %mul3A_1578 = arith.mulf %logistic3A_1560, %tanh3A_1569 : vector<64x512xf32>
    %add3A_1579 = arith.addf %mul3A_1577, %mul3A_1578 : vector<64x512xf32>
    %tanh3A_1580 = math.tanh %add3A_1579 : vector<64x512xf32>
    %mul3A_1581 = arith.mulf %logistic3A_1576, %tanh3A_1580 : vector<64x512xf32>
    %swap3A_1582 = arith.constant 1024 : index
    %swap3A_1583 = arith.constant 0 : index
    %swap3A_1584 = vector.load %arg15[%swap3A_1582, %swap3A_1583] : memref<1280x512xf32, #tpu.memory_space<vmem>>, vector<64x512xf32>
    tpu.vector_store %arg15[%swap3A_1582, %swap3A_1583], %mul3A_1581 {strides = array<i32>} : memref<1280x512xf32, #tpu.memory_space<vmem>>, vector<64x512xf32>,
    %get3A_1585 = arith.constant 1088 : index
    %get3A_1586 = arith.constant 0 : index
    %get3A_1587 = vector.load %arg16[%get3A_1585, %get3A_1586] : memref<1280x2048xf32, #tpu.memory_space<vmem>>, vector<64x2048xf32>
    %convert_element_type3A_1588 = arith.truncf %mul3A_1581 : vector<64x512xf32> to vector<64x512xbf16>
    %get3A_1589 = arith.constant 0 : index
    %get3A_1590 = arith.constant 0 : index
    %get3A_1591 = vector.load %arg8[%get3A_1589, %get3A_1590] : memref<512x2048xbf16, #tpu.memory_space<vmem>>, vector<512x2048xbf16>
    %dot_general3A_1592 = arith.constant dense<0.000000e+00> : vector<64x2048xf32>
    %dot_general3A_1593 = tpu.matmul %convert_element_type3A_1588, %get3A_1591, %dot_general3A_1592 {dimension_numbers = #tpu.dot_dimension_numbers<[1], [0], [0], [1], [0, 0, 1, 1], [], []>, transpose_lhs_hint = false} : vector<64x512xbf16>, vector<512x2048xbf16>, vector<64x2048xf32> -> vector<64x2048xf32>
    %add3A_1594 = arith.addf %get3A_1587, %dot_general3A_1593 : vector<64x2048xf32>
    %slice3A_1595 = vector.extract_strided_slice %add3A_1594 {offsets = [0, 0], sizes = [64, 512], strides = [1, 1]} : vector<64x2048xf32> to vector<64x512xf32>
    %logistic3A_1596 = arith.negf %slice3A_1595 : vector<64x512xf32>
    %logistic3A_1597 = math.exp %logistic3A_1596 : vector<64x512xf32>
    %logistic3A_1598 = arith.constant 1.000000e+00 : f32
    %logistic3A_1599 = vector.broadcast %logistic3A_1598 : f32 to vector<64x512xf32>
    %logistic3A_1600 = arith.addf %logistic3A_1599, %logistic3A_1597 : vector<64x512xf32>
    %logistic3A_1601 = arith.divf %logistic3A_1599, %logistic3A_1600 : vector<64x512xf32>
    %slice3A_1602 = vector.extract_strided_slice %add3A_1594 {offsets = [0, 512], sizes = [64, 512], strides = [1, 1]} : vector<64x2048xf32> to vector<64x512xf32>
    %logistic3A_1603 = arith.negf %slice3A_1602 : vector<64x512xf32>
    %logistic3A_1604 = math.exp %logistic3A_1603 : vector<64x512xf32>
    %logistic3A_1605 = arith.constant 1.000000e+00 : f32
    %logistic3A_1606 = vector.broadcast %logistic3A_1605 : f32 to vector<64x512xf32>
    %logistic3A_1607 = arith.addf %logistic3A_1606, %logistic3A_1604 : vector<64x512xf32>
    %logistic3A_1608 = arith.divf %logistic3A_1606, %logistic3A_1607 : vector<64x512xf32>
    %slice3A_1609 = vector.extract_strided_slice %add3A_1594 {offsets = [0, 1024], sizes = [64, 512], strides = [1, 1]} : vector<64x2048xf32> to vector<64x512xf32>
    %tanh3A_1610 = math.tanh %slice3A_1609 : vector<64x512xf32>
    %slice3A_1611 = vector.extract_strided_slice %add3A_1594 {offsets = [0, 1536], sizes = [64, 512], strides = [1, 1]} : vector<64x2048xf32> to vector<64x512xf32>
    %logistic3A_1612 = arith.negf %slice3A_1611 : vector<64x512xf32>
    %logistic3A_1613 = math.exp %logistic3A_1612 : vector<64x512xf32>
    %logistic3A_1614 = arith.constant 1.000000e+00 : f32
    %logistic3A_1615 = vector.broadcast %logistic3A_1614 : f32 to vector<64x512xf32>
    %logistic3A_1616 = arith.addf %logistic3A_1615, %logistic3A_1613 : vector<64x512xf32>
    %logistic3A_1617 = arith.divf %logistic3A_1615, %logistic3A_1616 : vector<64x512xf32>
    %mul3A_1618 = arith.mulf %logistic3A_1608, %add3A_1579 : vector<64x512xf32>
    %mul3A_1619 = arith.mulf %logistic3A_1601, %tanh3A_1610 : vector<64x512xf32>
    %add3A_1620 = arith.addf %mul3A_1618, %mul3A_1619 : vector<64x512xf32>
    %tanh3A_1621 = math.tanh %add3A_1620 : vector<64x512xf32>
    %mul3A_1622 = arith.mulf %logistic3A_1617, %tanh3A_1621 : vector<64x512xf32>
    %swap3A_1623 = arith.constant 1088 : index
    %swap3A_1624 = arith.constant 0 : index
    %swap3A_1625 = vector.load %arg15[%swap3A_1623, %swap3A_1624] : memref<1280x512xf32, #tpu.memory_space<vmem>>, vector<64x512xf32>
    tpu.vector_store %arg15[%swap3A_1623, %swap3A_1624], %mul3A_1622 {strides = array<i32>} : memref<1280x512xf32, #tpu.memory_space<vmem>>, vector<64x512xf32>,
    %get3A_1626 = arith.constant 1152 : index
    %get3A_1627 = arith.constant 0 : index
    %get3A_1628 = vector.load %arg16[%get3A_1626, %get3A_1627] : memref<1280x2048xf32, #tpu.memory_space<vmem>>, vector<64x2048xf32>
    %convert_element_type3A_1629 = arith.truncf %mul3A_1622 : vector<64x512xf32> to vector<64x512xbf16>
    %get3A_1630 = arith.constant 0 : index
    %get3A_1631 = arith.constant 0 : index
    %get3A_1632 = vector.load %arg8[%get3A_1630, %get3A_1631] : memref<512x2048xbf16, #tpu.memory_space<vmem>>, vector<512x2048xbf16>
    %dot_general3A_1633 = arith.constant dense<0.000000e+00> : vector<64x2048xf32>
    %dot_general3A_1634 = tpu.matmul %convert_element_type3A_1629, %get3A_1632, %dot_general3A_1633 {dimension_numbers = #tpu.dot_dimension_numbers<[1], [0], [0], [1], [0, 0, 1, 1], [], []>, transpose_lhs_hint = false} : vector<64x512xbf16>, vector<512x2048xbf16>, vector<64x2048xf32> -> vector<64x2048xf32>
    %add3A_1635 = arith.addf %get3A_1628, %dot_general3A_1634 : vector<64x2048xf32>
    %slice3A_1636 = vector.extract_strided_slice %add3A_1635 {offsets = [0, 0], sizes = [64, 512], strides = [1, 1]} : vector<64x2048xf32> to vector<64x512xf32>
    %logistic3A_1637 = arith.negf %slice3A_1636 : vector<64x512xf32>
    %logistic3A_1638 = math.exp %logistic3A_1637 : vector<64x512xf32>
    %logistic3A_1639 = arith.constant 1.000000e+00 : f32
    %logistic3A_1640 = vector.broadcast %logistic3A_1639 : f32 to vector<64x512xf32>
    %logistic3A_1641 = arith.addf %logistic3A_1640, %logistic3A_1638 : vector<64x512xf32>
    %logistic3A_1642 = arith.divf %logistic3A_1640, %logistic3A_1641 : vector<64x512xf32>
    %slice3A_1643 = vector.extract_strided_slice %add3A_1635 {offsets = [0, 512], sizes = [64, 512], strides = [1, 1]} : vector<64x2048xf32> to vector<64x512xf32>
    %logistic3A_1644 = arith.negf %slice3A_1643 : vector<64x512xf32>
    %logistic3A_1645 = math.exp %logistic3A_1644 : vector<64x512xf32>
    %logistic3A_1646 = arith.constant 1.000000e+00 : f32
    %logistic3A_1647 = vector.broadcast %logistic3A_1646 : f32 to vector<64x512xf32>
    %logistic3A_1648 = arith.addf %logistic3A_1647, %logistic3A_1645 : vector<64x512xf32>
    %logistic3A_1649 = arith.divf %logistic3A_1647, %logistic3A_1648 : vector<64x512xf32>
    %slice3A_1650 = vector.extract_strided_slice %add3A_1635 {offsets = [0, 1024], sizes = [64, 512], strides = [1, 1]} : vector<64x2048xf32> to vector<64x512xf32>
    %tanh3A_1651 = math.tanh %slice3A_1650 : vector<64x512xf32>
    %slice3A_1652 = vector.extract_strided_slice %add3A_1635 {offsets = [0, 1536], sizes = [64, 512], strides = [1, 1]} : vector<64x2048xf32> to vector<64x512xf32>
    %logistic3A_1653 = arith.negf %slice3A_1652 : vector<64x512xf32>
    %logistic3A_1654 = math.exp %logistic3A_1653 : vector<64x512xf32>
    %logistic3A_1655 = arith.constant 1.000000e+00 : f32
    %logistic3A_1656 = vector.broadcast %logistic3A_1655 : f32 to vector<64x512xf32>
    %logistic3A_1657 = arith.addf %logistic3A_1656, %logistic3A_1654 : vector<64x512xf32>
    %logistic3A_1658 = arith.divf %logistic3A_1656, %logistic3A_1657 : vector<64x512xf32>
    %mul3A_1659 = arith.mulf %logistic3A_1649, %add3A_1620 : vector<64x512xf32>
    %mul3A_1660 = arith.mulf %logistic3A_1642, %tanh3A_1651 : vector<64x512xf32>
    %add3A_1661 = arith.addf %mul3A_1659, %mul3A_1660 : vector<64x512xf32>
    %tanh3A_1662 = math.tanh %add3A_1661 : vector<64x512xf32>
    %mul3A_1663 = arith.mulf %logistic3A_1658, %tanh3A_1662 : vector<64x512xf32>
    %swap3A_1664 = arith.constant 1152 : index
    %swap3A_1665 = arith.constant 0 : index
    %swap3A_1666 = vector.load %arg15[%swap3A_1664, %swap3A_1665] : memref<1280x512xf32, #tpu.memory_space<vmem>>, vector<64x512xf32>
    tpu.vector_store %arg15[%swap3A_1664, %swap3A_1665], %mul3A_1663 {strides = array<i32>} : memref<1280x512xf32, #tpu.memory_space<vmem>>, vector<64x512xf32>,
    %get3A_1667 = arith.constant 1216 : index
    %get3A_1668 = arith.constant 0 : index
    %get3A_1669 = vector.load %arg16[%get3A_1667, %get3A_1668] : memref<1280x2048xf32, #tpu.memory_space<vmem>>, vector<64x2048xf32>
    %convert_element_type3A_1670 = arith.truncf %mul3A_1663 : vector<64x512xf32> to vector<64x512xbf16>
    %get3A_1671 = arith.constant 0 : index
    %get3A_1672 = arith.constant 0 : index
    %get3A_1673 = vector.load %arg8[%get3A_1671, %get3A_1672] : memref<512x2048xbf16, #tpu.memory_space<vmem>>, vector<512x2048xbf16>
    %dot_general3A_1674 = arith.constant dense<0.000000e+00> : vector<64x2048xf32>
    %dot_general3A_1675 = tpu.matmul %convert_element_type3A_1670, %get3A_1673, %dot_general3A_1674 {dimension_numbers = #tpu.dot_dimension_numbers<[1], [0], [0], [1], [0, 0, 1, 1], [], []>, transpose_lhs_hint = false} : vector<64x512xbf16>, vector<512x2048xbf16>, vector<64x2048xf32> -> vector<64x2048xf32>
    %add3A_1676 = arith.addf %get3A_1669, %dot_general3A_1675 : vector<64x2048xf32>
    %slice3A_1677 = vector.extract_strided_slice %add3A_1676 {offsets = [0, 0], sizes = [64, 512], strides = [1, 1]} : vector<64x2048xf32> to vector<64x512xf32>
    %logistic3A_1678 = arith.negf %slice3A_1677 : vector<64x512xf32>
    %logistic3A_1679 = math.exp %logistic3A_1678 : vector<64x512xf32>
    %logistic3A_1680 = arith.constant 1.000000e+00 : f32
    %logistic3A_1681 = vector.broadcast %logistic3A_1680 : f32 to vector<64x512xf32>
    %logistic3A_1682 = arith.addf %logistic3A_1681, %logistic3A_1679 : vector<64x512xf32>
    %logistic3A_1683 = arith.divf %logistic3A_1681, %logistic3A_1682 : vector<64x512xf32>
    %slice3A_1684 = vector.extract_strided_slice %add3A_1676 {offsets = [0, 512], sizes = [64, 512], strides = [1, 1]} : vector<64x2048xf32> to vector<64x512xf32>
    %logistic3A_1685 = arith.negf %slice3A_1684 : vector<64x512xf32>
    %logistic3A_1686 = math.exp %logistic3A_1685 : vector<64x512xf32>
    %logistic3A_1687 = arith.constant 1.000000e+00 : f32
    %logistic3A_1688 = vector.broadcast %logistic3A_1687 : f32 to vector<64x512xf32>
    %logistic3A_1689 = arith.addf %logistic3A_1688, %logistic3A_1686 : vector<64x512xf32>
    %logistic3A_1690 = arith.divf %logistic3A_1688, %logistic3A_1689 : vector<64x512xf32>
    %slice3A_1691 = vector.extract_strided_slice %add3A_1676 {offsets = [0, 1024], sizes = [64, 512], strides = [1, 1]} : vector<64x2048xf32> to vector<64x512xf32>
    %tanh3A_1692 = math.tanh %slice3A_1691 : vector<64x512xf32>
    %slice3A_1693 = vector.extract_strided_slice %add3A_1676 {offsets = [0, 1536], sizes = [64, 512], strides = [1, 1]} : vector<64x2048xf32> to vector<64x512xf32>
    %logistic3A_1694 = arith.negf %slice3A_1693 : vector<64x512xf32>
    %logistic3A_1695 = math.exp %logistic3A_1694 : vector<64x512xf32>
    %logistic3A_1696 = arith.constant 1.000000e+00 : f32
    %logistic3A_1697 = vector.broadcast %logistic3A_1696 : f32 to vector<64x512xf32>
    %logistic3A_1698 = arith.addf %logistic3A_1697, %logistic3A_1695 : vector<64x512xf32>
    %logistic3A_1699 = arith.divf %logistic3A_1697, %logistic3A_1698 : vector<64x512xf32>
    %mul3A_1700 = arith.mulf %logistic3A_1690, %add3A_1661 : vector<64x512xf32>
    %mul3A_1701 = arith.mulf %logistic3A_1683, %tanh3A_1692 : vector<64x512xf32>
    %add3A_1702 = arith.addf %mul3A_1700, %mul3A_1701 : vector<64x512xf32>
    %tanh3A_1703 = math.tanh %add3A_1702 : vector<64x512xf32>
    %mul3A_1704 = arith.mulf %logistic3A_1699, %tanh3A_1703 : vector<64x512xf32>
    %swap3A_1705 = arith.constant 1216 : index
    %swap3A_1706 = arith.constant 0 : index
    %swap3A_1707 = vector.load %arg15[%swap3A_1705, %swap3A_1706] : memref<1280x512xf32, #tpu.memory_space<vmem>>, vector<64x512xf32>
    tpu.vector_store %arg15[%swap3A_1705, %swap3A_1706], %mul3A_1704 {strides = array<i32>} : memref<1280x512xf32, #tpu.memory_space<vmem>>, vector<64x512xf32>,
    %swap3A_1708 = arith.constant 1 : index
    %swap3A_1709 = arith.constant 0 : index
    %swap3A_1710 = arith.constant 0 : index
    %swap3A_1711 = vector.load %arg13[%swap3A_1708, %swap3A_1709, %swap3A_1710] : memref<3x64x512xf32, #tpu.memory_space<vmem>>, vector<1x64x512xf32>
    %swap3A_1712 = vector.shape_cast %swap3A_1711 : vector<1x64x512xf32> to vector<64x512xf32>
    %swap3A_1713 = vector.shape_cast %mul3A_1704 : vector<64x512xf32> to vector<1x64x512xf32>
    tpu.vector_store %arg13[%swap3A_1708, %swap3A_1709, %swap3A_1710], %swap3A_1713 {strides = array<i32>} : memref<3x64x512xf32, #tpu.memory_space<vmem>>, vector<1x64x512xf32>,
    %swap3A_1714 = arith.constant 1 : index
    %swap3A_1715 = arith.constant 0 : index
    %swap3A_1716 = arith.constant 0 : index
    %swap3A_1717 = vector.load %arg14[%swap3A_1714, %swap3A_1715, %swap3A_1716] : memref<3x64x512xf32, #tpu.memory_space<vmem>>, vector<1x64x512xf32>
    %swap3A_1718 = vector.shape_cast %swap3A_1717 : vector<1x64x512xf32> to vector<64x512xf32>
    %swap3A_1719 = vector.shape_cast %add3A_1702 : vector<64x512xf32> to vector<1x64x512xf32>
    tpu.vector_store %arg14[%swap3A_1714, %swap3A_1715, %swap3A_1716], %swap3A_1719 {strides = array<i32>} : memref<3x64x512xf32, #tpu.memory_space<vmem>>, vector<1x64x512xf32>,
    %get3A_1720 = arith.constant 0 : index
    %get3A_1721 = arith.constant 0 : index
    %get3A_1722 = vector.load %arg15[%get3A_1720, %get3A_1721] : memref<1280x512xf32, #tpu.memory_space<vmem>>, vector<1280x512xf32>
    %get3A_1723 = arith.constant 0 : index
    %get3A_1724 = arith.constant 0 : index
    %get3A_1725 = vector.load %arg10[%get3A_1723, %get3A_1724] : memref<512x2048xf32, #tpu.memory_space<vmem>>, vector<512x2048xf32>
    %dot_general3A_1726 = arith.constant dense<0.000000e+00> : vector<1280x2048xf32>
    %dot_general3A_1727 = tpu.matmul %get3A_1722, %get3A_1725, %dot_general3A_1726 {dimension_numbers = #tpu.dot_dimension_numbers<[1], [0], [0], [1], [0, 0, 1, 1], [], []>, transpose_lhs_hint = false} : vector<1280x512xf32>, vector<512x2048xf32>, vector<1280x2048xf32> -> vector<1280x2048xf32>
    %get3A_1728 = arith.constant 0 : index
    %get3A_1729 = arith.constant 0 : index
    %get3A_1730 = vector.load %arg12[%get3A_1728, %get3A_1729] : memref<1x2048xf32, #tpu.memory_space<vmem>>, vector<1x2048xf32>
    %add3A_1731 = vector.broadcast %get3A_1730 : vector<1x2048xf32> to vector<1280x2048xf32>
    %add3A_1732 = arith.addf %dot_general3A_1727, %add3A_1731 : vector<1280x2048xf32>
    %swap3A_1733 = arith.constant 0 : index
    %swap3A_1734 = arith.constant 0 : index
    %swap3A_1735 = vector.load %arg16[%swap3A_1733, %swap3A_1734] : memref<1280x2048xf32, #tpu.memory_space<vmem>>, vector<1280x2048xf32>
    tpu.vector_store %arg16[%swap3A_1733, %swap3A_1734], %add3A_1732 {strides = array<i32>} : memref<1280x2048xf32, #tpu.memory_space<vmem>>, vector<1280x2048xf32>,
    %broadcast_in_dim3A_1736 = arith.constant 0.000000e+00 : f32
    %broadcast_in_dim3A_1737 = vector.broadcast %broadcast_in_dim3A_1736 : f32 to vector<64x512xf32>
    %get3A_1738 = arith.constant 0 : index
    %get3A_1739 = arith.constant 0 : index
    %get3A_1740 = vector.load %arg16[%get3A_1738, %get3A_1739] : memref<1280x2048xf32, #tpu.memory_space<vmem>>, vector<64x2048xf32>
    %convert_element_type3A_1741 = arith.truncf %broadcast_in_dim3A_1737 : vector<64x512xf32> to vector<64x512xbf16>
    %get3A_1742 = arith.constant 0 : index
    %get3A_1743 = arith.constant 0 : index
    %get3A_1744 = vector.load %arg11[%get3A_1742, %get3A_1743] : memref<512x2048xbf16, #tpu.memory_space<vmem>>, vector<512x2048xbf16>
    %dot_general3A_1745 = arith.constant dense<0.000000e+00> : vector<64x2048xf32>
    %dot_general3A_1746 = tpu.matmul %convert_element_type3A_1741, %get3A_1744, %dot_general3A_1745 {dimension_numbers = #tpu.dot_dimension_numbers<[1], [0], [0], [1], [0, 0, 1, 1], [], []>, transpose_lhs_hint = false} : vector<64x512xbf16>, vector<512x2048xbf16>, vector<64x2048xf32> -> vector<64x2048xf32>
    %add3A_1747 = arith.addf %get3A_1740, %dot_general3A_1746 : vector<64x2048xf32>
    %slice3A_1748 = vector.extract_strided_slice %add3A_1747 {offsets = [0, 0], sizes = [64, 512], strides = [1, 1]} : vector<64x2048xf32> to vector<64x512xf32>
    %logistic3A_1749 = arith.negf %slice3A_1748 : vector<64x512xf32>
    %logistic3A_1750 = math.exp %logistic3A_1749 : vector<64x512xf32>
    %logistic3A_1751 = arith.constant 1.000000e+00 : f32
    %logistic3A_1752 = vector.broadcast %logistic3A_1751 : f32 to vector<64x512xf32>
    %logistic3A_1753 = arith.addf %logistic3A_1752, %logistic3A_1750 : vector<64x512xf32>
    %logistic3A_1754 = arith.divf %logistic3A_1752, %logistic3A_1753 : vector<64x512xf32>
    %slice3A_1755 = vector.extract_strided_slice %add3A_1747 {offsets = [0, 512], sizes = [64, 512], strides = [1, 1]} : vector<64x2048xf32> to vector<64x512xf32>
    %logistic3A_1756 = arith.negf %slice3A_1755 : vector<64x512xf32>
    %logistic3A_1757 = math.exp %logistic3A_1756 : vector<64x512xf32>
    %logistic3A_1758 = arith.constant 1.000000e+00 : f32
    %logistic3A_1759 = vector.broadcast %logistic3A_1758 : f32 to vector<64x512xf32>
    %logistic3A_1760 = arith.addf %logistic3A_1759, %logistic3A_1757 : vector<64x512xf32>
    %logistic3A_1761 = arith.divf %logistic3A_1759, %logistic3A_1760 : vector<64x512xf32>
    %slice3A_1762 = vector.extract_strided_slice %add3A_1747 {offsets = [0, 1024], sizes = [64, 512], strides = [1, 1]} : vector<64x2048xf32> to vector<64x512xf32>
    %tanh3A_1763 = math.tanh %slice3A_1762 : vector<64x512xf32>
    %slice3A_1764 = vector.extract_strided_slice %add3A_1747 {offsets = [0, 1536], sizes = [64, 512], strides = [1, 1]} : vector<64x2048xf32> to vector<64x512xf32>
    %logistic3A_1765 = arith.negf %slice3A_1764 : vector<64x512xf32>
    %logistic3A_1766 = math.exp %logistic3A_1765 : vector<64x512xf32>
    %logistic3A_1767 = arith.constant 1.000000e+00 : f32
    %logistic3A_1768 = vector.broadcast %logistic3A_1767 : f32 to vector<64x512xf32>
    %logistic3A_1769 = arith.addf %logistic3A_1768, %logistic3A_1766 : vector<64x512xf32>
    %logistic3A_1770 = arith.divf %logistic3A_1768, %logistic3A_1769 : vector<64x512xf32>
    %mul3A_1771 = arith.mulf %logistic3A_1761, %broadcast_in_dim3A_1737 : vector<64x512xf32>
    %mul3A_1772 = arith.mulf %logistic3A_1754, %tanh3A_1763 : vector<64x512xf32>
    %add3A_1773 = arith.addf %mul3A_1771, %mul3A_1772 : vector<64x512xf32>
    %tanh3A_1774 = math.tanh %add3A_1773 : vector<64x512xf32>
    %mul3A_1775 = arith.mulf %logistic3A_1770, %tanh3A_1774 : vector<64x512xf32>
    %get3A_1776 = arith.constant 64 : index
    %get3A_1777 = arith.constant 0 : index
    %get3A_1778 = vector.load %arg16[%get3A_1776, %get3A_1777] : memref<1280x2048xf32, #tpu.memory_space<vmem>>, vector<64x2048xf32>
    %convert_element_type3A_1779 = arith.truncf %mul3A_1775 : vector<64x512xf32> to vector<64x512xbf16>
    %get3A_1780 = arith.constant 0 : index
    %get3A_1781 = arith.constant 0 : index
    %get3A_1782 = vector.load %arg11[%get3A_1780, %get3A_1781] : memref<512x2048xbf16, #tpu.memory_space<vmem>>, vector<512x2048xbf16>
    %dot_general3A_1783 = arith.constant dense<0.000000e+00> : vector<64x2048xf32>
    %dot_general3A_1784 = tpu.matmul %convert_element_type3A_1779, %get3A_1782, %dot_general3A_1783 {dimension_numbers = #tpu.dot_dimension_numbers<[1], [0], [0], [1], [0, 0, 1, 1], [], []>, transpose_lhs_hint = false} : vector<64x512xbf16>, vector<512x2048xbf16>, vector<64x2048xf32> -> vector<64x2048xf32>
    %add3A_1785 = arith.addf %get3A_1778, %dot_general3A_1784 : vector<64x2048xf32>
    %slice3A_1786 = vector.extract_strided_slice %add3A_1785 {offsets = [0, 0], sizes = [64, 512], strides = [1, 1]} : vector<64x2048xf32> to vector<64x512xf32>
    %logistic3A_1787 = arith.negf %slice3A_1786 : vector<64x512xf32>
    %logistic3A_1788 = math.exp %logistic3A_1787 : vector<64x512xf32>
    %logistic3A_1789 = arith.constant 1.000000e+00 : f32
    %logistic3A_1790 = vector.broadcast %logistic3A_1789 : f32 to vector<64x512xf32>
    %logistic3A_1791 = arith.addf %logistic3A_1790, %logistic3A_1788 : vector<64x512xf32>
    %logistic3A_1792 = arith.divf %logistic3A_1790, %logistic3A_1791 : vector<64x512xf32>
    %slice3A_1793 = vector.extract_strided_slice %add3A_1785 {offsets = [0, 512], sizes = [64, 512], strides = [1, 1]} : vector<64x2048xf32> to vector<64x512xf32>
    %logistic3A_1794 = arith.negf %slice3A_1793 : vector<64x512xf32>
    %logistic3A_1795 = math.exp %logistic3A_1794 : vector<64x512xf32>
    %logistic3A_1796 = arith.constant 1.000000e+00 : f32
    %logistic3A_1797 = vector.broadcast %logistic3A_1796 : f32 to vector<64x512xf32>
    %logistic3A_1798 = arith.addf %logistic3A_1797, %logistic3A_1795 : vector<64x512xf32>
    %logistic3A_1799 = arith.divf %logistic3A_1797, %logistic3A_1798 : vector<64x512xf32>
    %slice3A_1800 = vector.extract_strided_slice %add3A_1785 {offsets = [0, 1024], sizes = [64, 512], strides = [1, 1]} : vector<64x2048xf32> to vector<64x512xf32>
    %tanh3A_1801 = math.tanh %slice3A_1800 : vector<64x512xf32>
    %slice3A_1802 = vector.extract_strided_slice %add3A_1785 {offsets = [0, 1536], sizes = [64, 512], strides = [1, 1]} : vector<64x2048xf32> to vector<64x512xf32>
    %logistic3A_1803 = arith.negf %slice3A_1802 : vector<64x512xf32>
    %logistic3A_1804 = math.exp %logistic3A_1803 : vector<64x512xf32>
    %logistic3A_1805 = arith.constant 1.000000e+00 : f32
    %logistic3A_1806 = vector.broadcast %logistic3A_1805 : f32 to vector<64x512xf32>
    %logistic3A_1807 = arith.addf %logistic3A_1806, %logistic3A_1804 : vector<64x512xf32>
    %logistic3A_1808 = arith.divf %logistic3A_1806, %logistic3A_1807 : vector<64x512xf32>
    %mul3A_1809 = arith.mulf %logistic3A_1799, %add3A_1773 : vector<64x512xf32>
    %mul3A_1810 = arith.mulf %logistic3A_1792, %tanh3A_1801 : vector<64x512xf32>
    %add3A_1811 = arith.addf %mul3A_1809, %mul3A_1810 : vector<64x512xf32>
    %tanh3A_1812 = math.tanh %add3A_1811 : vector<64x512xf32>
    %mul3A_1813 = arith.mulf %logistic3A_1808, %tanh3A_1812 : vector<64x512xf32>
    %get3A_1814 = arith.constant 128 : index
    %get3A_1815 = arith.constant 0 : index
    %get3A_1816 = vector.load %arg16[%get3A_1814, %get3A_1815] : memref<1280x2048xf32, #tpu.memory_space<vmem>>, vector<64x2048xf32>
    %convert_element_type3A_1817 = arith.truncf %mul3A_1813 : vector<64x512xf32> to vector<64x512xbf16>
    %get3A_1818 = arith.constant 0 : index
    %get3A_1819 = arith.constant 0 : index
    %get3A_1820 = vector.load %arg11[%get3A_1818, %get3A_1819] : memref<512x2048xbf16, #tpu.memory_space<vmem>>, vector<512x2048xbf16>
    %dot_general3A_1821 = arith.constant dense<0.000000e+00> : vector<64x2048xf32>
    %dot_general3A_1822 = tpu.matmul %convert_element_type3A_1817, %get3A_1820, %dot_general3A_1821 {dimension_numbers = #tpu.dot_dimension_numbers<[1], [0], [0], [1], [0, 0, 1, 1], [], []>, transpose_lhs_hint = false} : vector<64x512xbf16>, vector<512x2048xbf16>, vector<64x2048xf32> -> vector<64x2048xf32>
    %add3A_1823 = arith.addf %get3A_1816, %dot_general3A_1822 : vector<64x2048xf32>
    %slice3A_1824 = vector.extract_strided_slice %add3A_1823 {offsets = [0, 0], sizes = [64, 512], strides = [1, 1]} : vector<64x2048xf32> to vector<64x512xf32>
    %logistic3A_1825 = arith.negf %slice3A_1824 : vector<64x512xf32>
    %logistic3A_1826 = math.exp %logistic3A_1825 : vector<64x512xf32>
    %logistic3A_1827 = arith.constant 1.000000e+00 : f32
    %logistic3A_1828 = vector.broadcast %logistic3A_1827 : f32 to vector<64x512xf32>
    %logistic3A_1829 = arith.addf %logistic3A_1828, %logistic3A_1826 : vector<64x512xf32>
    %logistic3A_1830 = arith.divf %logistic3A_1828, %logistic3A_1829 : vector<64x512xf32>
    %slice3A_1831 = vector.extract_strided_slice %add3A_1823 {offsets = [0, 512], sizes = [64, 512], strides = [1, 1]} : vector<64x2048xf32> to vector<64x512xf32>
    %logistic3A_1832 = arith.negf %slice3A_1831 : vector<64x512xf32>
    %logistic3A_1833 = math.exp %logistic3A_1832 : vector<64x512xf32>
    %logistic3A_1834 = arith.constant 1.000000e+00 : f32
    %logistic3A_1835 = vector.broadcast %logistic3A_1834 : f32 to vector<64x512xf32>
    %logistic3A_1836 = arith.addf %logistic3A_1835, %logistic3A_1833 : vector<64x512xf32>
    %logistic3A_1837 = arith.divf %logistic3A_1835, %logistic3A_1836 : vector<64x512xf32>
    %slice3A_1838 = vector.extract_strided_slice %add3A_1823 {offsets = [0, 1024], sizes = [64, 512], strides = [1, 1]} : vector<64x2048xf32> to vector<64x512xf32>
    %tanh3A_1839 = math.tanh %slice3A_1838 : vector<64x512xf32>
    %slice3A_1840 = vector.extract_strided_slice %add3A_1823 {offsets = [0, 1536], sizes = [64, 512], strides = [1, 1]} : vector<64x2048xf32> to vector<64x512xf32>
    %logistic3A_1841 = arith.negf %slice3A_1840 : vector<64x512xf32>
    %logistic3A_1842 = math.exp %logistic3A_1841 : vector<64x512xf32>
    %logistic3A_1843 = arith.constant 1.000000e+00 : f32
    %logistic3A_1844 = vector.broadcast %logistic3A_1843 : f32 to vector<64x512xf32>
    %logistic3A_1845 = arith.addf %logistic3A_1844, %logistic3A_1842 : vector<64x512xf32>
    %logistic3A_1846 = arith.divf %logistic3A_1844, %logistic3A_1845 : vector<64x512xf32>
    %mul3A_1847 = arith.mulf %logistic3A_1837, %add3A_1811 : vector<64x512xf32>
    %mul3A_1848 = arith.mulf %logistic3A_1830, %tanh3A_1839 : vector<64x512xf32>
    %add3A_1849 = arith.addf %mul3A_1847, %mul3A_1848 : vector<64x512xf32>
    %tanh3A_1850 = math.tanh %add3A_1849 : vector<64x512xf32>
    %mul3A_1851 = arith.mulf %logistic3A_1846, %tanh3A_1850 : vector<64x512xf32>
    %get3A_1852 = arith.constant 192 : index
    %get3A_1853 = arith.constant 0 : index
    %get3A_1854 = vector.load %arg16[%get3A_1852, %get3A_1853] : memref<1280x2048xf32, #tpu.memory_space<vmem>>, vector<64x2048xf32>
    %convert_element_type3A_1855 = arith.truncf %mul3A_1851 : vector<64x512xf32> to vector<64x512xbf16>
    %get3A_1856 = arith.constant 0 : index
    %get3A_1857 = arith.constant 0 : index
    %get3A_1858 = vector.load %arg11[%get3A_1856, %get3A_1857] : memref<512x2048xbf16, #tpu.memory_space<vmem>>, vector<512x2048xbf16>
    %dot_general3A_1859 = arith.constant dense<0.000000e+00> : vector<64x2048xf32>
    %dot_general3A_1860 = tpu.matmul %convert_element_type3A_1855, %get3A_1858, %dot_general3A_1859 {dimension_numbers = #tpu.dot_dimension_numbers<[1], [0], [0], [1], [0, 0, 1, 1], [], []>, transpose_lhs_hint = false} : vector<64x512xbf16>, vector<512x2048xbf16>, vector<64x2048xf32> -> vector<64x2048xf32>
    %add3A_1861 = arith.addf %get3A_1854, %dot_general3A_1860 : vector<64x2048xf32>
    %slice3A_1862 = vector.extract_strided_slice %add3A_1861 {offsets = [0, 0], sizes = [64, 512], strides = [1, 1]} : vector<64x2048xf32> to vector<64x512xf32>
    %logistic3A_1863 = arith.negf %slice3A_1862 : vector<64x512xf32>
    %logistic3A_1864 = math.exp %logistic3A_1863 : vector<64x512xf32>
    %logistic3A_1865 = arith.constant 1.000000e+00 : f32
    %logistic3A_1866 = vector.broadcast %logistic3A_1865 : f32 to vector<64x512xf32>
    %logistic3A_1867 = arith.addf %logistic3A_1866, %logistic3A_1864 : vector<64x512xf32>
    %logistic3A_1868 = arith.divf %logistic3A_1866, %logistic3A_1867 : vector<64x512xf32>
    %slice3A_1869 = vector.extract_strided_slice %add3A_1861 {offsets = [0, 512], sizes = [64, 512], strides = [1, 1]} : vector<64x2048xf32> to vector<64x512xf32>
    %logistic3A_1870 = arith.negf %slice3A_1869 : vector<64x512xf32>
    %logistic3A_1871 = math.exp %logistic3A_1870 : vector<64x512xf32>
    %logistic3A_1872 = arith.constant 1.000000e+00 : f32
    %logistic3A_1873 = vector.broadcast %logistic3A_1872 : f32 to vector<64x512xf32>
    %logistic3A_1874 = arith.addf %logistic3A_1873, %logistic3A_1871 : vector<64x512xf32>
    %logistic3A_1875 = arith.divf %logistic3A_1873, %logistic3A_1874 : vector<64x512xf32>
    %slice3A_1876 = vector.extract_strided_slice %add3A_1861 {offsets = [0, 1024], sizes = [64, 512], strides = [1, 1]} : vector<64x2048xf32> to vector<64x512xf32>
    %tanh3A_1877 = math.tanh %slice3A_1876 : vector<64x512xf32>
    %slice3A_1878 = vector.extract_strided_slice %add3A_1861 {offsets = [0, 1536], sizes = [64, 512], strides = [1, 1]} : vector<64x2048xf32> to vector<64x512xf32>
    %logistic3A_1879 = arith.negf %slice3A_1878 : vector<64x512xf32>
    %logistic3A_1880 = math.exp %logistic3A_1879 : vector<64x512xf32>
    %logistic3A_1881 = arith.constant 1.000000e+00 : f32
    %logistic3A_1882 = vector.broadcast %logistic3A_1881 : f32 to vector<64x512xf32>
    %logistic3A_1883 = arith.addf %logistic3A_1882, %logistic3A_1880 : vector<64x512xf32>
    %logistic3A_1884 = arith.divf %logistic3A_1882, %logistic3A_1883 : vector<64x512xf32>
    %mul3A_1885 = arith.mulf %logistic3A_1875, %add3A_1849 : vector<64x512xf32>
    %mul3A_1886 = arith.mulf %logistic3A_1868, %tanh3A_1877 : vector<64x512xf32>
    %add3A_1887 = arith.addf %mul3A_1885, %mul3A_1886 : vector<64x512xf32>
    %tanh3A_1888 = math.tanh %add3A_1887 : vector<64x512xf32>
    %mul3A_1889 = arith.mulf %logistic3A_1884, %tanh3A_1888 : vector<64x512xf32>
    %get3A_1890 = arith.constant 256 : index
    %get3A_1891 = arith.constant 0 : index
    %get3A_1892 = vector.load %arg16[%get3A_1890, %get3A_1891] : memref<1280x2048xf32, #tpu.memory_space<vmem>>, vector<64x2048xf32>
    %convert_element_type3A_1893 = arith.truncf %mul3A_1889 : vector<64x512xf32> to vector<64x512xbf16>
    %get3A_1894 = arith.constant 0 : index
    %get3A_1895 = arith.constant 0 : index
    %get3A_1896 = vector.load %arg11[%get3A_1894, %get3A_1895] : memref<512x2048xbf16, #tpu.memory_space<vmem>>, vector<512x2048xbf16>
    %dot_general3A_1897 = arith.constant dense<0.000000e+00> : vector<64x2048xf32>
    %dot_general3A_1898 = tpu.matmul %convert_element_type3A_1893, %get3A_1896, %dot_general3A_1897 {dimension_numbers = #tpu.dot_dimension_numbers<[1], [0], [0], [1], [0, 0, 1, 1], [], []>, transpose_lhs_hint = false} : vector<64x512xbf16>, vector<512x2048xbf16>, vector<64x2048xf32> -> vector<64x2048xf32>
    %add3A_1899 = arith.addf %get3A_1892, %dot_general3A_1898 : vector<64x2048xf32>
    %slice3A_1900 = vector.extract_strided_slice %add3A_1899 {offsets = [0, 0], sizes = [64, 512], strides = [1, 1]} : vector<64x2048xf32> to vector<64x512xf32>
    %logistic3A_1901 = arith.negf %slice3A_1900 : vector<64x512xf32>
    %logistic3A_1902 = math.exp %logistic3A_1901 : vector<64x512xf32>
    %logistic3A_1903 = arith.constant 1.000000e+00 : f32
    %logistic3A_1904 = vector.broadcast %logistic3A_1903 : f32 to vector<64x512xf32>
    %logistic3A_1905 = arith.addf %logistic3A_1904, %logistic3A_1902 : vector<64x512xf32>
    %logistic3A_1906 = arith.divf %logistic3A_1904, %logistic3A_1905 : vector<64x512xf32>
    %slice3A_1907 = vector.extract_strided_slice %add3A_1899 {offsets = [0, 512], sizes = [64, 512], strides = [1, 1]} : vector<64x2048xf32> to vector<64x512xf32>
    %logistic3A_1908 = arith.negf %slice3A_1907 : vector<64x512xf32>
    %logistic3A_1909 = math.exp %logistic3A_1908 : vector<64x512xf32>
    %logistic3A_1910 = arith.constant 1.000000e+00 : f32
    %logistic3A_1911 = vector.broadcast %logistic3A_1910 : f32 to vector<64x512xf32>
    %logistic3A_1912 = arith.addf %logistic3A_1911, %logistic3A_1909 : vector<64x512xf32>
    %logistic3A_1913 = arith.divf %logistic3A_1911, %logistic3A_1912 : vector<64x512xf32>
    %slice3A_1914 = vector.extract_strided_slice %add3A_1899 {offsets = [0, 1024], sizes = [64, 512], strides = [1, 1]} : vector<64x2048xf32> to vector<64x512xf32>
    %tanh3A_1915 = math.tanh %slice3A_1914 : vector<64x512xf32>
    %slice3A_1916 = vector.extract_strided_slice %add3A_1899 {offsets = [0, 1536], sizes = [64, 512], strides = [1, 1]} : vector<64x2048xf32> to vector<64x512xf32>
    %logistic3A_1917 = arith.negf %slice3A_1916 : vector<64x512xf32>
    %logistic3A_1918 = math.exp %logistic3A_1917 : vector<64x512xf32>
    %logistic3A_1919 = arith.constant 1.000000e+00 : f32
    %logistic3A_1920 = vector.broadcast %logistic3A_1919 : f32 to vector<64x512xf32>
    %logistic3A_1921 = arith.addf %logistic3A_1920, %logistic3A_1918 : vector<64x512xf32>
    %logistic3A_1922 = arith.divf %logistic3A_1920, %logistic3A_1921 : vector<64x512xf32>
    %mul3A_1923 = arith.mulf %logistic3A_1913, %add3A_1887 : vector<64x512xf32>
    %mul3A_1924 = arith.mulf %logistic3A_1906, %tanh3A_1915 : vector<64x512xf32>
    %add3A_1925 = arith.addf %mul3A_1923, %mul3A_1924 : vector<64x512xf32>
    %tanh3A_1926 = math.tanh %add3A_1925 : vector<64x512xf32>
    %mul3A_1927 = arith.mulf %logistic3A_1922, %tanh3A_1926 : vector<64x512xf32>
    %get3A_1928 = arith.constant 320 : index
    %get3A_1929 = arith.constant 0 : index
    %get3A_1930 = vector.load %arg16[%get3A_1928, %get3A_1929] : memref<1280x2048xf32, #tpu.memory_space<vmem>>, vector<64x2048xf32>
    %convert_element_type3A_1931 = arith.truncf %mul3A_1927 : vector<64x512xf32> to vector<64x512xbf16>
    %get3A_1932 = arith.constant 0 : index
    %get3A_1933 = arith.constant 0 : index
    %get3A_1934 = vector.load %arg11[%get3A_1932, %get3A_1933] : memref<512x2048xbf16, #tpu.memory_space<vmem>>, vector<512x2048xbf16>
    %dot_general3A_1935 = arith.constant dense<0.000000e+00> : vector<64x2048xf32>
    %dot_general3A_1936 = tpu.matmul %convert_element_type3A_1931, %get3A_1934, %dot_general3A_1935 {dimension_numbers = #tpu.dot_dimension_numbers<[1], [0], [0], [1], [0, 0, 1, 1], [], []>, transpose_lhs_hint = false} : vector<64x512xbf16>, vector<512x2048xbf16>, vector<64x2048xf32> -> vector<64x2048xf32>
    %add3A_1937 = arith.addf %get3A_1930, %dot_general3A_1936 : vector<64x2048xf32>
    %slice3A_1938 = vector.extract_strided_slice %add3A_1937 {offsets = [0, 0], sizes = [64, 512], strides = [1, 1]} : vector<64x2048xf32> to vector<64x512xf32>
    %logistic3A_1939 = arith.negf %slice3A_1938 : vector<64x512xf32>
    %logistic3A_1940 = math.exp %logistic3A_1939 : vector<64x512xf32>
    %logistic3A_1941 = arith.constant 1.000000e+00 : f32
    %logistic3A_1942 = vector.broadcast %logistic3A_1941 : f32 to vector<64x512xf32>
    %logistic3A_1943 = arith.addf %logistic3A_1942, %logistic3A_1940 : vector<64x512xf32>
    %logistic3A_1944 = arith.divf %logistic3A_1942, %logistic3A_1943 : vector<64x512xf32>
    %slice3A_1945 = vector.extract_strided_slice %add3A_1937 {offsets = [0, 512], sizes = [64, 512], strides = [1, 1]} : vector<64x2048xf32> to vector<64x512xf32>
    %logistic3A_1946 = arith.negf %slice3A_1945 : vector<64x512xf32>
    %logistic3A_1947 = math.exp %logistic3A_1946 : vector<64x512xf32>
    %logistic3A_1948 = arith.constant 1.000000e+00 : f32
    %logistic3A_1949 = vector.broadcast %logistic3A_1948 : f32 to vector<64x512xf32>
    %logistic3A_1950 = arith.addf %logistic3A_1949, %logistic3A_1947 : vector<64x512xf32>
    %logistic3A_1951 = arith.divf %logistic3A_1949, %logistic3A_1950 : vector<64x512xf32>
    %slice3A_1952 = vector.extract_strided_slice %add3A_1937 {offsets = [0, 1024], sizes = [64, 512], strides = [1, 1]} : vector<64x2048xf32> to vector<64x512xf32>
    %tanh3A_1953 = math.tanh %slice3A_1952 : vector<64x512xf32>
    %slice3A_1954 = vector.extract_strided_slice %add3A_1937 {offsets = [0, 1536], sizes = [64, 512], strides = [1, 1]} : vector<64x2048xf32> to vector<64x512xf32>
    %logistic3A_1955 = arith.negf %slice3A_1954 : vector<64x512xf32>
    %logistic3A_1956 = math.exp %logistic3A_1955 : vector<64x512xf32>
    %logistic3A_1957 = arith.constant 1.000000e+00 : f32
    %logistic3A_1958 = vector.broadcast %logistic3A_1957 : f32 to vector<64x512xf32>
    %logistic3A_1959 = arith.addf %logistic3A_1958, %logistic3A_1956 : vector<64x512xf32>
    %logistic3A_1960 = arith.divf %logistic3A_1958, %logistic3A_1959 : vector<64x512xf32>
    %mul3A_1961 = arith.mulf %logistic3A_1951, %add3A_1925 : vector<64x512xf32>
    %mul3A_1962 = arith.mulf %logistic3A_1944, %tanh3A_1953 : vector<64x512xf32>
    %add3A_1963 = arith.addf %mul3A_1961, %mul3A_1962 : vector<64x512xf32>
    %tanh3A_1964 = math.tanh %add3A_1963 : vector<64x512xf32>
    %mul3A_1965 = arith.mulf %logistic3A_1960, %tanh3A_1964 : vector<64x512xf32>
    %get3A_1966 = arith.constant 384 : index
    %get3A_1967 = arith.constant 0 : index
    %get3A_1968 = vector.load %arg16[%get3A_1966, %get3A_1967] : memref<1280x2048xf32, #tpu.memory_space<vmem>>, vector<64x2048xf32>
    %convert_element_type3A_1969 = arith.truncf %mul3A_1965 : vector<64x512xf32> to vector<64x512xbf16>
    %get3A_1970 = arith.constant 0 : index
    %get3A_1971 = arith.constant 0 : index
    %get3A_1972 = vector.load %arg11[%get3A_1970, %get3A_1971] : memref<512x2048xbf16, #tpu.memory_space<vmem>>, vector<512x2048xbf16>
    %dot_general3A_1973 = arith.constant dense<0.000000e+00> : vector<64x2048xf32>
    %dot_general3A_1974 = tpu.matmul %convert_element_type3A_1969, %get3A_1972, %dot_general3A_1973 {dimension_numbers = #tpu.dot_dimension_numbers<[1], [0], [0], [1], [0, 0, 1, 1], [], []>, transpose_lhs_hint = false} : vector<64x512xbf16>, vector<512x2048xbf16>, vector<64x2048xf32> -> vector<64x2048xf32>
    %add3A_1975 = arith.addf %get3A_1968, %dot_general3A_1974 : vector<64x2048xf32>
    %slice3A_1976 = vector.extract_strided_slice %add3A_1975 {offsets = [0, 0], sizes = [64, 512], strides = [1, 1]} : vector<64x2048xf32> to vector<64x512xf32>
    %logistic3A_1977 = arith.negf %slice3A_1976 : vector<64x512xf32>
    %logistic3A_1978 = math.exp %logistic3A_1977 : vector<64x512xf32>
    %logistic3A_1979 = arith.constant 1.000000e+00 : f32
    %logistic3A_1980 = vector.broadcast %logistic3A_1979 : f32 to vector<64x512xf32>
    %logistic3A_1981 = arith.addf %logistic3A_1980, %logistic3A_1978 : vector<64x512xf32>
    %logistic3A_1982 = arith.divf %logistic3A_1980, %logistic3A_1981 : vector<64x512xf32>
    %slice3A_1983 = vector.extract_strided_slice %add3A_1975 {offsets = [0, 512], sizes = [64, 512], strides = [1, 1]} : vector<64x2048xf32> to vector<64x512xf32>
    %logistic3A_1984 = arith.negf %slice3A_1983 : vector<64x512xf32>
    %logistic3A_1985 = math.exp %logistic3A_1984 : vector<64x512xf32>
    %logistic3A_1986 = arith.constant 1.000000e+00 : f32
    %logistic3A_1987 = vector.broadcast %logistic3A_1986 : f32 to vector<64x512xf32>
    %logistic3A_1988 = arith.addf %logistic3A_1987, %logistic3A_1985 : vector<64x512xf32>
    %logistic3A_1989 = arith.divf %logistic3A_1987, %logistic3A_1988 : vector<64x512xf32>
    %slice3A_1990 = vector.extract_strided_slice %add3A_1975 {offsets = [0, 1024], sizes = [64, 512], strides = [1, 1]} : vector<64x2048xf32> to vector<64x512xf32>
    %tanh3A_1991 = math.tanh %slice3A_1990 : vector<64x512xf32>
    %slice3A_1992 = vector.extract_strided_slice %add3A_1975 {offsets = [0, 1536], sizes = [64, 512], strides = [1, 1]} : vector<64x2048xf32> to vector<64x512xf32>
    %logistic3A_1993 = arith.negf %slice3A_1992 : vector<64x512xf32>
    %logistic3A_1994 = math.exp %logistic3A_1993 : vector<64x512xf32>
    %logistic3A_1995 = arith.constant 1.000000e+00 : f32
    %logistic3A_1996 = vector.broadcast %logistic3A_1995 : f32 to vector<64x512xf32>
    %logistic3A_1997 = arith.addf %logistic3A_1996, %logistic3A_1994 : vector<64x512xf32>
    %logistic3A_1998 = arith.divf %logistic3A_1996, %logistic3A_1997 : vector<64x512xf32>
    %mul3A_1999 = arith.mulf %logistic3A_1989, %add3A_1963 : vector<64x512xf32>
    %mul3A_2000 = arith.mulf %logistic3A_1982, %tanh3A_1991 : vector<64x512xf32>
    %add3A_2001 = arith.addf %mul3A_1999, %mul3A_2000 : vector<64x512xf32>
    %tanh3A_2002 = math.tanh %add3A_2001 : vector<64x512xf32>
    %mul3A_2003 = arith.mulf %logistic3A_1998, %tanh3A_2002 : vector<64x512xf32>
    %get3A_2004 = arith.constant 448 : index
    %get3A_2005 = arith.constant 0 : index
    %get3A_2006 = vector.load %arg16[%get3A_2004, %get3A_2005] : memref<1280x2048xf32, #tpu.memory_space<vmem>>, vector<64x2048xf32>
    %convert_element_type3A_2007 = arith.truncf %mul3A_2003 : vector<64x512xf32> to vector<64x512xbf16>
    %get3A_2008 = arith.constant 0 : index
    %get3A_2009 = arith.constant 0 : index
    %get3A_2010 = vector.load %arg11[%get3A_2008, %get3A_2009] : memref<512x2048xbf16, #tpu.memory_space<vmem>>, vector<512x2048xbf16>
    %dot_general3A_2011 = arith.constant dense<0.000000e+00> : vector<64x2048xf32>
    %dot_general3A_2012 = tpu.matmul %convert_element_type3A_2007, %get3A_2010, %dot_general3A_2011 {dimension_numbers = #tpu.dot_dimension_numbers<[1], [0], [0], [1], [0, 0, 1, 1], [], []>, transpose_lhs_hint = false} : vector<64x512xbf16>, vector<512x2048xbf16>, vector<64x2048xf32> -> vector<64x2048xf32>
    %add3A_2013 = arith.addf %get3A_2006, %dot_general3A_2012 : vector<64x2048xf32>
    %slice3A_2014 = vector.extract_strided_slice %add3A_2013 {offsets = [0, 0], sizes = [64, 512], strides = [1, 1]} : vector<64x2048xf32> to vector<64x512xf32>
    %logistic3A_2015 = arith.negf %slice3A_2014 : vector<64x512xf32>
    %logistic3A_2016 = math.exp %logistic3A_2015 : vector<64x512xf32>
    %logistic3A_2017 = arith.constant 1.000000e+00 : f32
    %logistic3A_2018 = vector.broadcast %logistic3A_2017 : f32 to vector<64x512xf32>
    %logistic3A_2019 = arith.addf %logistic3A_2018, %logistic3A_2016 : vector<64x512xf32>
    %logistic3A_2020 = arith.divf %logistic3A_2018, %logistic3A_2019 : vector<64x512xf32>
    %slice3A_2021 = vector.extract_strided_slice %add3A_2013 {offsets = [0, 512], sizes = [64, 512], strides = [1, 1]} : vector<64x2048xf32> to vector<64x512xf32>
    %logistic3A_2022 = arith.negf %slice3A_2021 : vector<64x512xf32>
    %logistic3A_2023 = math.exp %logistic3A_2022 : vector<64x512xf32>
    %logistic3A_2024 = arith.constant 1.000000e+00 : f32
    %logistic3A_2025 = vector.broadcast %logistic3A_2024 : f32 to vector<64x512xf32>
    %logistic3A_2026 = arith.addf %logistic3A_2025, %logistic3A_2023 : vector<64x512xf32>
    %logistic3A_2027 = arith.divf %logistic3A_2025, %logistic3A_2026 : vector<64x512xf32>
    %slice3A_2028 = vector.extract_strided_slice %add3A_2013 {offsets = [0, 1024], sizes = [64, 512], strides = [1, 1]} : vector<64x2048xf32> to vector<64x512xf32>
    %tanh3A_2029 = math.tanh %slice3A_2028 : vector<64x512xf32>
    %slice3A_2030 = vector.extract_strided_slice %add3A_2013 {offsets = [0, 1536], sizes = [64, 512], strides = [1, 1]} : vector<64x2048xf32> to vector<64x512xf32>
    %logistic3A_2031 = arith.negf %slice3A_2030 : vector<64x512xf32>
    %logistic3A_2032 = math.exp %logistic3A_2031 : vector<64x512xf32>
    %logistic3A_2033 = arith.constant 1.000000e+00 : f32
    %logistic3A_2034 = vector.broadcast %logistic3A_2033 : f32 to vector<64x512xf32>
    %logistic3A_2035 = arith.addf %logistic3A_2034, %logistic3A_2032 : vector<64x512xf32>
    %logistic3A_2036 = arith.divf %logistic3A_2034, %logistic3A_2035 : vector<64x512xf32>
    %mul3A_2037 = arith.mulf %logistic3A_2027, %add3A_2001 : vector<64x512xf32>
    %mul3A_2038 = arith.mulf %logistic3A_2020, %tanh3A_2029 : vector<64x512xf32>
    %add3A_2039 = arith.addf %mul3A_2037, %mul3A_2038 : vector<64x512xf32>
    %tanh3A_2040 = math.tanh %add3A_2039 : vector<64x512xf32>
    %mul3A_2041 = arith.mulf %logistic3A_2036, %tanh3A_2040 : vector<64x512xf32>
    %get3A_2042 = arith.constant 512 : index
    %get3A_2043 = arith.constant 0 : index
    %get3A_2044 = vector.load %arg16[%get3A_2042, %get3A_2043] : memref<1280x2048xf32, #tpu.memory_space<vmem>>, vector<64x2048xf32>
    %convert_element_type3A_2045 = arith.truncf %mul3A_2041 : vector<64x512xf32> to vector<64x512xbf16>
    %get3A_2046 = arith.constant 0 : index
    %get3A_2047 = arith.constant 0 : index
    %get3A_2048 = vector.load %arg11[%get3A_2046, %get3A_2047] : memref<512x2048xbf16, #tpu.memory_space<vmem>>, vector<512x2048xbf16>
    %dot_general3A_2049 = arith.constant dense<0.000000e+00> : vector<64x2048xf32>
    %dot_general3A_2050 = tpu.matmul %convert_element_type3A_2045, %get3A_2048, %dot_general3A_2049 {dimension_numbers = #tpu.dot_dimension_numbers<[1], [0], [0], [1], [0, 0, 1, 1], [], []>, transpose_lhs_hint = false} : vector<64x512xbf16>, vector<512x2048xbf16>, vector<64x2048xf32> -> vector<64x2048xf32>
    %add3A_2051 = arith.addf %get3A_2044, %dot_general3A_2050 : vector<64x2048xf32>
    %slice3A_2052 = vector.extract_strided_slice %add3A_2051 {offsets = [0, 0], sizes = [64, 512], strides = [1, 1]} : vector<64x2048xf32> to vector<64x512xf32>
    %logistic3A_2053 = arith.negf %slice3A_2052 : vector<64x512xf32>
    %logistic3A_2054 = math.exp %logistic3A_2053 : vector<64x512xf32>
    %logistic3A_2055 = arith.constant 1.000000e+00 : f32
    %logistic3A_2056 = vector.broadcast %logistic3A_2055 : f32 to vector<64x512xf32>
    %logistic3A_2057 = arith.addf %logistic3A_2056, %logistic3A_2054 : vector<64x512xf32>
    %logistic3A_2058 = arith.divf %logistic3A_2056, %logistic3A_2057 : vector<64x512xf32>
    %slice3A_2059 = vector.extract_strided_slice %add3A_2051 {offsets = [0, 512], sizes = [64, 512], strides = [1, 1]} : vector<64x2048xf32> to vector<64x512xf32>
    %logistic3A_2060 = arith.negf %slice3A_2059 : vector<64x512xf32>
    %logistic3A_2061 = math.exp %logistic3A_2060 : vector<64x512xf32>
    %logistic3A_2062 = arith.constant 1.000000e+00 : f32
    %logistic3A_2063 = vector.broadcast %logistic3A_2062 : f32 to vector<64x512xf32>
    %logistic3A_2064 = arith.addf %logistic3A_2063, %logistic3A_2061 : vector<64x512xf32>
    %logistic3A_2065 = arith.divf %logistic3A_2063, %logistic3A_2064 : vector<64x512xf32>
    %slice3A_2066 = vector.extract_strided_slice %add3A_2051 {offsets = [0, 1024], sizes = [64, 512], strides = [1, 1]} : vector<64x2048xf32> to vector<64x512xf32>
    %tanh3A_2067 = math.tanh %slice3A_2066 : vector<64x512xf32>
    %slice3A_2068 = vector.extract_strided_slice %add3A_2051 {offsets = [0, 1536], sizes = [64, 512], strides = [1, 1]} : vector<64x2048xf32> to vector<64x512xf32>
    %logistic3A_2069 = arith.negf %slice3A_2068 : vector<64x512xf32>
    %logistic3A_2070 = math.exp %logistic3A_2069 : vector<64x512xf32>
    %logistic3A_2071 = arith.constant 1.000000e+00 : f32
    %logistic3A_2072 = vector.broadcast %logistic3A_2071 : f32 to vector<64x512xf32>
    %logistic3A_2073 = arith.addf %logistic3A_2072, %logistic3A_2070 : vector<64x512xf32>
    %logistic3A_2074 = arith.divf %logistic3A_2072, %logistic3A_2073 : vector<64x512xf32>
    %mul3A_2075 = arith.mulf %logistic3A_2065, %add3A_2039 : vector<64x512xf32>
    %mul3A_2076 = arith.mulf %logistic3A_2058, %tanh3A_2067 : vector<64x512xf32>
    %add3A_2077 = arith.addf %mul3A_2075, %mul3A_2076 : vector<64x512xf32>
    %tanh3A_2078 = math.tanh %add3A_2077 : vector<64x512xf32>
    %mul3A_2079 = arith.mulf %logistic3A_2074, %tanh3A_2078 : vector<64x512xf32>
    %get3A_2080 = arith.constant 576 : index
    %get3A_2081 = arith.constant 0 : index
    %get3A_2082 = vector.load %arg16[%get3A_2080, %get3A_2081] : memref<1280x2048xf32, #tpu.memory_space<vmem>>, vector<64x2048xf32>
    %convert_element_type3A_2083 = arith.truncf %mul3A_2079 : vector<64x512xf32> to vector<64x512xbf16>
    %get3A_2084 = arith.constant 0 : index
    %get3A_2085 = arith.constant 0 : index
    %get3A_2086 = vector.load %arg11[%get3A_2084, %get3A_2085] : memref<512x2048xbf16, #tpu.memory_space<vmem>>, vector<512x2048xbf16>
    %dot_general3A_2087 = arith.constant dense<0.000000e+00> : vector<64x2048xf32>
    %dot_general3A_2088 = tpu.matmul %convert_element_type3A_2083, %get3A_2086, %dot_general3A_2087 {dimension_numbers = #tpu.dot_dimension_numbers<[1], [0], [0], [1], [0, 0, 1, 1], [], []>, transpose_lhs_hint = false} : vector<64x512xbf16>, vector<512x2048xbf16>, vector<64x2048xf32> -> vector<64x2048xf32>
    %add3A_2089 = arith.addf %get3A_2082, %dot_general3A_2088 : vector<64x2048xf32>
    %slice3A_2090 = vector.extract_strided_slice %add3A_2089 {offsets = [0, 0], sizes = [64, 512], strides = [1, 1]} : vector<64x2048xf32> to vector<64x512xf32>
    %logistic3A_2091 = arith.negf %slice3A_2090 : vector<64x512xf32>
    %logistic3A_2092 = math.exp %logistic3A_2091 : vector<64x512xf32>
    %logistic3A_2093 = arith.constant 1.000000e+00 : f32
    %logistic3A_2094 = vector.broadcast %logistic3A_2093 : f32 to vector<64x512xf32>
    %logistic3A_2095 = arith.addf %logistic3A_2094, %logistic3A_2092 : vector<64x512xf32>
    %logistic3A_2096 = arith.divf %logistic3A_2094, %logistic3A_2095 : vector<64x512xf32>
    %slice3A_2097 = vector.extract_strided_slice %add3A_2089 {offsets = [0, 512], sizes = [64, 512], strides = [1, 1]} : vector<64x2048xf32> to vector<64x512xf32>
    %logistic3A_2098 = arith.negf %slice3A_2097 : vector<64x512xf32>
    %logistic3A_2099 = math.exp %logistic3A_2098 : vector<64x512xf32>
    %logistic3A_2100 = arith.constant 1.000000e+00 : f32
    %logistic3A_2101 = vector.broadcast %logistic3A_2100 : f32 to vector<64x512xf32>
    %logistic3A_2102 = arith.addf %logistic3A_2101, %logistic3A_2099 : vector<64x512xf32>
    %logistic3A_2103 = arith.divf %logistic3A_2101, %logistic3A_2102 : vector<64x512xf32>
    %slice3A_2104 = vector.extract_strided_slice %add3A_2089 {offsets = [0, 1024], sizes = [64, 512], strides = [1, 1]} : vector<64x2048xf32> to vector<64x512xf32>
    %tanh3A_2105 = math.tanh %slice3A_2104 : vector<64x512xf32>
    %slice3A_2106 = vector.extract_strided_slice %add3A_2089 {offsets = [0, 1536], sizes = [64, 512], strides = [1, 1]} : vector<64x2048xf32> to vector<64x512xf32>
    %logistic3A_2107 = arith.negf %slice3A_2106 : vector<64x512xf32>
    %logistic3A_2108 = math.exp %logistic3A_2107 : vector<64x512xf32>
    %logistic3A_2109 = arith.constant 1.000000e+00 : f32
    %logistic3A_2110 = vector.broadcast %logistic3A_2109 : f32 to vector<64x512xf32>
    %logistic3A_2111 = arith.addf %logistic3A_2110, %logistic3A_2108 : vector<64x512xf32>
    %logistic3A_2112 = arith.divf %logistic3A_2110, %logistic3A_2111 : vector<64x512xf32>
    %mul3A_2113 = arith.mulf %logistic3A_2103, %add3A_2077 : vector<64x512xf32>
    %mul3A_2114 = arith.mulf %logistic3A_2096, %tanh3A_2105 : vector<64x512xf32>
    %add3A_2115 = arith.addf %mul3A_2113, %mul3A_2114 : vector<64x512xf32>
    %tanh3A_2116 = math.tanh %add3A_2115 : vector<64x512xf32>
    %mul3A_2117 = arith.mulf %logistic3A_2112, %tanh3A_2116 : vector<64x512xf32>
    %get3A_2118 = arith.constant 640 : index
    %get3A_2119 = arith.constant 0 : index
    %get3A_2120 = vector.load %arg16[%get3A_2118, %get3A_2119] : memref<1280x2048xf32, #tpu.memory_space<vmem>>, vector<64x2048xf32>
    %convert_element_type3A_2121 = arith.truncf %mul3A_2117 : vector<64x512xf32> to vector<64x512xbf16>
    %get3A_2122 = arith.constant 0 : index
    %get3A_2123 = arith.constant 0 : index
    %get3A_2124 = vector.load %arg11[%get3A_2122, %get3A_2123] : memref<512x2048xbf16, #tpu.memory_space<vmem>>, vector<512x2048xbf16>
    %dot_general3A_2125 = arith.constant dense<0.000000e+00> : vector<64x2048xf32>
    %dot_general3A_2126 = tpu.matmul %convert_element_type3A_2121, %get3A_2124, %dot_general3A_2125 {dimension_numbers = #tpu.dot_dimension_numbers<[1], [0], [0], [1], [0, 0, 1, 1], [], []>, transpose_lhs_hint = false} : vector<64x512xbf16>, vector<512x2048xbf16>, vector<64x2048xf32> -> vector<64x2048xf32>
    %add3A_2127 = arith.addf %get3A_2120, %dot_general3A_2126 : vector<64x2048xf32>
    %slice3A_2128 = vector.extract_strided_slice %add3A_2127 {offsets = [0, 0], sizes = [64, 512], strides = [1, 1]} : vector<64x2048xf32> to vector<64x512xf32>
    %logistic3A_2129 = arith.negf %slice3A_2128 : vector<64x512xf32>
    %logistic3A_2130 = math.exp %logistic3A_2129 : vector<64x512xf32>
    %logistic3A_2131 = arith.constant 1.000000e+00 : f32
    %logistic3A_2132 = vector.broadcast %logistic3A_2131 : f32 to vector<64x512xf32>
    %logistic3A_2133 = arith.addf %logistic3A_2132, %logistic3A_2130 : vector<64x512xf32>
    %logistic3A_2134 = arith.divf %logistic3A_2132, %logistic3A_2133 : vector<64x512xf32>
    %slice3A_2135 = vector.extract_strided_slice %add3A_2127 {offsets = [0, 512], sizes = [64, 512], strides = [1, 1]} : vector<64x2048xf32> to vector<64x512xf32>
    %logistic3A_2136 = arith.negf %slice3A_2135 : vector<64x512xf32>
    %logistic3A_2137 = math.exp %logistic3A_2136 : vector<64x512xf32>
    %logistic3A_2138 = arith.constant 1.000000e+00 : f32
    %logistic3A_2139 = vector.broadcast %logistic3A_2138 : f32 to vector<64x512xf32>
    %logistic3A_2140 = arith.addf %logistic3A_2139, %logistic3A_2137 : vector<64x512xf32>
    %logistic3A_2141 = arith.divf %logistic3A_2139, %logistic3A_2140 : vector<64x512xf32>
    %slice3A_2142 = vector.extract_strided_slice %add3A_2127 {offsets = [0, 1024], sizes = [64, 512], strides = [1, 1]} : vector<64x2048xf32> to vector<64x512xf32>
    %tanh3A_2143 = math.tanh %slice3A_2142 : vector<64x512xf32>
    %slice3A_2144 = vector.extract_strided_slice %add3A_2127 {offsets = [0, 1536], sizes = [64, 512], strides = [1, 1]} : vector<64x2048xf32> to vector<64x512xf32>
    %logistic3A_2145 = arith.negf %slice3A_2144 : vector<64x512xf32>
    %logistic3A_2146 = math.exp %logistic3A_2145 : vector<64x512xf32>
    %logistic3A_2147 = arith.constant 1.000000e+00 : f32
    %logistic3A_2148 = vector.broadcast %logistic3A_2147 : f32 to vector<64x512xf32>
    %logistic3A_2149 = arith.addf %logistic3A_2148, %logistic3A_2146 : vector<64x512xf32>
    %logistic3A_2150 = arith.divf %logistic3A_2148, %logistic3A_2149 : vector<64x512xf32>
    %mul3A_2151 = arith.mulf %logistic3A_2141, %add3A_2115 : vector<64x512xf32>
    %mul3A_2152 = arith.mulf %logistic3A_2134, %tanh3A_2143 : vector<64x512xf32>
    %add3A_2153 = arith.addf %mul3A_2151, %mul3A_2152 : vector<64x512xf32>
    %tanh3A_2154 = math.tanh %add3A_2153 : vector<64x512xf32>
    %mul3A_2155 = arith.mulf %logistic3A_2150, %tanh3A_2154 : vector<64x512xf32>
    %get3A_2156 = arith.constant 704 : index
    %get3A_2157 = arith.constant 0 : index
    %get3A_2158 = vector.load %arg16[%get3A_2156, %get3A_2157] : memref<1280x2048xf32, #tpu.memory_space<vmem>>, vector<64x2048xf32>
    %convert_element_type3A_2159 = arith.truncf %mul3A_2155 : vector<64x512xf32> to vector<64x512xbf16>
    %get3A_2160 = arith.constant 0 : index
    %get3A_2161 = arith.constant 0 : index
    %get3A_2162 = vector.load %arg11[%get3A_2160, %get3A_2161] : memref<512x2048xbf16, #tpu.memory_space<vmem>>, vector<512x2048xbf16>
    %dot_general3A_2163 = arith.constant dense<0.000000e+00> : vector<64x2048xf32>
    %dot_general3A_2164 = tpu.matmul %convert_element_type3A_2159, %get3A_2162, %dot_general3A_2163 {dimension_numbers = #tpu.dot_dimension_numbers<[1], [0], [0], [1], [0, 0, 1, 1], [], []>, transpose_lhs_hint = false} : vector<64x512xbf16>, vector<512x2048xbf16>, vector<64x2048xf32> -> vector<64x2048xf32>
    %add3A_2165 = arith.addf %get3A_2158, %dot_general3A_2164 : vector<64x2048xf32>
    %slice3A_2166 = vector.extract_strided_slice %add3A_2165 {offsets = [0, 0], sizes = [64, 512], strides = [1, 1]} : vector<64x2048xf32> to vector<64x512xf32>
    %logistic3A_2167 = arith.negf %slice3A_2166 : vector<64x512xf32>
    %logistic3A_2168 = math.exp %logistic3A_2167 : vector<64x512xf32>
    %logistic3A_2169 = arith.constant 1.000000e+00 : f32
    %logistic3A_2170 = vector.broadcast %logistic3A_2169 : f32 to vector<64x512xf32>
    %logistic3A_2171 = arith.addf %logistic3A_2170, %logistic3A_2168 : vector<64x512xf32>
    %logistic3A_2172 = arith.divf %logistic3A_2170, %logistic3A_2171 : vector<64x512xf32>
    %slice3A_2173 = vector.extract_strided_slice %add3A_2165 {offsets = [0, 512], sizes = [64, 512], strides = [1, 1]} : vector<64x2048xf32> to vector<64x512xf32>
    %logistic3A_2174 = arith.negf %slice3A_2173 : vector<64x512xf32>
    %logistic3A_2175 = math.exp %logistic3A_2174 : vector<64x512xf32>
    %logistic3A_2176 = arith.constant 1.000000e+00 : f32
    %logistic3A_2177 = vector.broadcast %logistic3A_2176 : f32 to vector<64x512xf32>
    %logistic3A_2178 = arith.addf %logistic3A_2177, %logistic3A_2175 : vector<64x512xf32>
    %logistic3A_2179 = arith.divf %logistic3A_2177, %logistic3A_2178 : vector<64x512xf32>
    %slice3A_2180 = vector.extract_strided_slice %add3A_2165 {offsets = [0, 1024], sizes = [64, 512], strides = [1, 1]} : vector<64x2048xf32> to vector<64x512xf32>
    %tanh3A_2181 = math.tanh %slice3A_2180 : vector<64x512xf32>
    %slice3A_2182 = vector.extract_strided_slice %add3A_2165 {offsets = [0, 1536], sizes = [64, 512], strides = [1, 1]} : vector<64x2048xf32> to vector<64x512xf32>
    %logistic3A_2183 = arith.negf %slice3A_2182 : vector<64x512xf32>
    %logistic3A_2184 = math.exp %logistic3A_2183 : vector<64x512xf32>
    %logistic3A_2185 = arith.constant 1.000000e+00 : f32
    %logistic3A_2186 = vector.broadcast %logistic3A_2185 : f32 to vector<64x512xf32>
    %logistic3A_2187 = arith.addf %logistic3A_2186, %logistic3A_2184 : vector<64x512xf32>
    %logistic3A_2188 = arith.divf %logistic3A_2186, %logistic3A_2187 : vector<64x512xf32>
    %mul3A_2189 = arith.mulf %logistic3A_2179, %add3A_2153 : vector<64x512xf32>
    %mul3A_2190 = arith.mulf %logistic3A_2172, %tanh3A_2181 : vector<64x512xf32>
    %add3A_2191 = arith.addf %mul3A_2189, %mul3A_2190 : vector<64x512xf32>
    %tanh3A_2192 = math.tanh %add3A_2191 : vector<64x512xf32>
    %mul3A_2193 = arith.mulf %logistic3A_2188, %tanh3A_2192 : vector<64x512xf32>
    %get3A_2194 = arith.constant 768 : index
    %get3A_2195 = arith.constant 0 : index
    %get3A_2196 = vector.load %arg16[%get3A_2194, %get3A_2195] : memref<1280x2048xf32, #tpu.memory_space<vmem>>, vector<64x2048xf32>
    %convert_element_type3A_2197 = arith.truncf %mul3A_2193 : vector<64x512xf32> to vector<64x512xbf16>
    %get3A_2198 = arith.constant 0 : index
    %get3A_2199 = arith.constant 0 : index
    %get3A_2200 = vector.load %arg11[%get3A_2198, %get3A_2199] : memref<512x2048xbf16, #tpu.memory_space<vmem>>, vector<512x2048xbf16>
    %dot_general3A_2201 = arith.constant dense<0.000000e+00> : vector<64x2048xf32>
    %dot_general3A_2202 = tpu.matmul %convert_element_type3A_2197, %get3A_2200, %dot_general3A_2201 {dimension_numbers = #tpu.dot_dimension_numbers<[1], [0], [0], [1], [0, 0, 1, 1], [], []>, transpose_lhs_hint = false} : vector<64x512xbf16>, vector<512x2048xbf16>, vector<64x2048xf32> -> vector<64x2048xf32>
    %add3A_2203 = arith.addf %get3A_2196, %dot_general3A_2202 : vector<64x2048xf32>
    %slice3A_2204 = vector.extract_strided_slice %add3A_2203 {offsets = [0, 0], sizes = [64, 512], strides = [1, 1]} : vector<64x2048xf32> to vector<64x512xf32>
    %logistic3A_2205 = arith.negf %slice3A_2204 : vector<64x512xf32>
    %logistic3A_2206 = math.exp %logistic3A_2205 : vector<64x512xf32>
    %logistic3A_2207 = arith.constant 1.000000e+00 : f32
    %logistic3A_2208 = vector.broadcast %logistic3A_2207 : f32 to vector<64x512xf32>
    %logistic3A_2209 = arith.addf %logistic3A_2208, %logistic3A_2206 : vector<64x512xf32>
    %logistic3A_2210 = arith.divf %logistic3A_2208, %logistic3A_2209 : vector<64x512xf32>
    %slice3A_2211 = vector.extract_strided_slice %add3A_2203 {offsets = [0, 512], sizes = [64, 512], strides = [1, 1]} : vector<64x2048xf32> to vector<64x512xf32>
    %logistic3A_2212 = arith.negf %slice3A_2211 : vector<64x512xf32>
    %logistic3A_2213 = math.exp %logistic3A_2212 : vector<64x512xf32>
    %logistic3A_2214 = arith.constant 1.000000e+00 : f32
    %logistic3A_2215 = vector.broadcast %logistic3A_2214 : f32 to vector<64x512xf32>
    %logistic3A_2216 = arith.addf %logistic3A_2215, %logistic3A_2213 : vector<64x512xf32>
    %logistic3A_2217 = arith.divf %logistic3A_2215, %logistic3A_2216 : vector<64x512xf32>
    %slice3A_2218 = vector.extract_strided_slice %add3A_2203 {offsets = [0, 1024], sizes = [64, 512], strides = [1, 1]} : vector<64x2048xf32> to vector<64x512xf32>
    %tanh3A_2219 = math.tanh %slice3A_2218 : vector<64x512xf32>
    %slice3A_2220 = vector.extract_strided_slice %add3A_2203 {offsets = [0, 1536], sizes = [64, 512], strides = [1, 1]} : vector<64x2048xf32> to vector<64x512xf32>
    %logistic3A_2221 = arith.negf %slice3A_2220 : vector<64x512xf32>
    %logistic3A_2222 = math.exp %logistic3A_2221 : vector<64x512xf32>
    %logistic3A_2223 = arith.constant 1.000000e+00 : f32
    %logistic3A_2224 = vector.broadcast %logistic3A_2223 : f32 to vector<64x512xf32>
    %logistic3A_2225 = arith.addf %logistic3A_2224, %logistic3A_2222 : vector<64x512xf32>
    %logistic3A_2226 = arith.divf %logistic3A_2224, %logistic3A_2225 : vector<64x512xf32>
    %mul3A_2227 = arith.mulf %logistic3A_2217, %add3A_2191 : vector<64x512xf32>
    %mul3A_2228 = arith.mulf %logistic3A_2210, %tanh3A_2219 : vector<64x512xf32>
    %add3A_2229 = arith.addf %mul3A_2227, %mul3A_2228 : vector<64x512xf32>
    %tanh3A_2230 = math.tanh %add3A_2229 : vector<64x512xf32>
    %mul3A_2231 = arith.mulf %logistic3A_2226, %tanh3A_2230 : vector<64x512xf32>
    %get3A_2232 = arith.constant 832 : index
    %get3A_2233 = arith.constant 0 : index
    %get3A_2234 = vector.load %arg16[%get3A_2232, %get3A_2233] : memref<1280x2048xf32, #tpu.memory_space<vmem>>, vector<64x2048xf32>
    %convert_element_type3A_2235 = arith.truncf %mul3A_2231 : vector<64x512xf32> to vector<64x512xbf16>
    %get3A_2236 = arith.constant 0 : index
    %get3A_2237 = arith.constant 0 : index
    %get3A_2238 = vector.load %arg11[%get3A_2236, %get3A_2237] : memref<512x2048xbf16, #tpu.memory_space<vmem>>, vector<512x2048xbf16>
    %dot_general3A_2239 = arith.constant dense<0.000000e+00> : vector<64x2048xf32>
    %dot_general3A_2240 = tpu.matmul %convert_element_type3A_2235, %get3A_2238, %dot_general3A_2239 {dimension_numbers = #tpu.dot_dimension_numbers<[1], [0], [0], [1], [0, 0, 1, 1], [], []>, transpose_lhs_hint = false} : vector<64x512xbf16>, vector<512x2048xbf16>, vector<64x2048xf32> -> vector<64x2048xf32>
    %add3A_2241 = arith.addf %get3A_2234, %dot_general3A_2240 : vector<64x2048xf32>
    %slice3A_2242 = vector.extract_strided_slice %add3A_2241 {offsets = [0, 0], sizes = [64, 512], strides = [1, 1]} : vector<64x2048xf32> to vector<64x512xf32>
    %logistic3A_2243 = arith.negf %slice3A_2242 : vector<64x512xf32>
    %logistic3A_2244 = math.exp %logistic3A_2243 : vector<64x512xf32>
    %logistic3A_2245 = arith.constant 1.000000e+00 : f32
    %logistic3A_2246 = vector.broadcast %logistic3A_2245 : f32 to vector<64x512xf32>
    %logistic3A_2247 = arith.addf %logistic3A_2246, %logistic3A_2244 : vector<64x512xf32>
    %logistic3A_2248 = arith.divf %logistic3A_2246, %logistic3A_2247 : vector<64x512xf32>
    %slice3A_2249 = vector.extract_strided_slice %add3A_2241 {offsets = [0, 512], sizes = [64, 512], strides = [1, 1]} : vector<64x2048xf32> to vector<64x512xf32>
    %logistic3A_2250 = arith.negf %slice3A_2249 : vector<64x512xf32>
    %logistic3A_2251 = math.exp %logistic3A_2250 : vector<64x512xf32>
    %logistic3A_2252 = arith.constant 1.000000e+00 : f32
    %logistic3A_2253 = vector.broadcast %logistic3A_2252 : f32 to vector<64x512xf32>
    %logistic3A_2254 = arith.addf %logistic3A_2253, %logistic3A_2251 : vector<64x512xf32>
    %logistic3A_2255 = arith.divf %logistic3A_2253, %logistic3A_2254 : vector<64x512xf32>
    %slice3A_2256 = vector.extract_strided_slice %add3A_2241 {offsets = [0, 1024], sizes = [64, 512], strides = [1, 1]} : vector<64x2048xf32> to vector<64x512xf32>
    %tanh3A_2257 = math.tanh %slice3A_2256 : vector<64x512xf32>
    %slice3A_2258 = vector.extract_strided_slice %add3A_2241 {offsets = [0, 1536], sizes = [64, 512], strides = [1, 1]} : vector<64x2048xf32> to vector<64x512xf32>
    %logistic3A_2259 = arith.negf %slice3A_2258 : vector<64x512xf32>
    %logistic3A_2260 = math.exp %logistic3A_2259 : vector<64x512xf32>
    %logistic3A_2261 = arith.constant 1.000000e+00 : f32
    %logistic3A_2262 = vector.broadcast %logistic3A_2261 : f32 to vector<64x512xf32>
    %logistic3A_2263 = arith.addf %logistic3A_2262, %logistic3A_2260 : vector<64x512xf32>
    %logistic3A_2264 = arith.divf %logistic3A_2262, %logistic3A_2263 : vector<64x512xf32>
    %mul3A_2265 = arith.mulf %logistic3A_2255, %add3A_2229 : vector<64x512xf32>
    %mul3A_2266 = arith.mulf %logistic3A_2248, %tanh3A_2257 : vector<64x512xf32>
    %add3A_2267 = arith.addf %mul3A_2265, %mul3A_2266 : vector<64x512xf32>
    %tanh3A_2268 = math.tanh %add3A_2267 : vector<64x512xf32>
    %mul3A_2269 = arith.mulf %logistic3A_2264, %tanh3A_2268 : vector<64x512xf32>
    %get3A_2270 = arith.constant 896 : index
    %get3A_2271 = arith.constant 0 : index
    %get3A_2272 = vector.load %arg16[%get3A_2270, %get3A_2271] : memref<1280x2048xf32, #tpu.memory_space<vmem>>, vector<64x2048xf32>
    %convert_element_type3A_2273 = arith.truncf %mul3A_2269 : vector<64x512xf32> to vector<64x512xbf16>
    %get3A_2274 = arith.constant 0 : index
    %get3A_2275 = arith.constant 0 : index
    %get3A_2276 = vector.load %arg11[%get3A_2274, %get3A_2275] : memref<512x2048xbf16, #tpu.memory_space<vmem>>, vector<512x2048xbf16>
    %dot_general3A_2277 = arith.constant dense<0.000000e+00> : vector<64x2048xf32>
    %dot_general3A_2278 = tpu.matmul %convert_element_type3A_2273, %get3A_2276, %dot_general3A_2277 {dimension_numbers = #tpu.dot_dimension_numbers<[1], [0], [0], [1], [0, 0, 1, 1], [], []>, transpose_lhs_hint = false} : vector<64x512xbf16>, vector<512x2048xbf16>, vector<64x2048xf32> -> vector<64x2048xf32>
    %add3A_2279 = arith.addf %get3A_2272, %dot_general3A_2278 : vector<64x2048xf32>
    %slice3A_2280 = vector.extract_strided_slice %add3A_2279 {offsets = [0, 0], sizes = [64, 512], strides = [1, 1]} : vector<64x2048xf32> to vector<64x512xf32>
    %logistic3A_2281 = arith.negf %slice3A_2280 : vector<64x512xf32>
    %logistic3A_2282 = math.exp %logistic3A_2281 : vector<64x512xf32>
    %logistic3A_2283 = arith.constant 1.000000e+00 : f32
    %logistic3A_2284 = vector.broadcast %logistic3A_2283 : f32 to vector<64x512xf32>
    %logistic3A_2285 = arith.addf %logistic3A_2284, %logistic3A_2282 : vector<64x512xf32>
    %logistic3A_2286 = arith.divf %logistic3A_2284, %logistic3A_2285 : vector<64x512xf32>
    %slice3A_2287 = vector.extract_strided_slice %add3A_2279 {offsets = [0, 512], sizes = [64, 512], strides = [1, 1]} : vector<64x2048xf32> to vector<64x512xf32>
    %logistic3A_2288 = arith.negf %slice3A_2287 : vector<64x512xf32>
    %logistic3A_2289 = math.exp %logistic3A_2288 : vector<64x512xf32>
    %logistic3A_2290 = arith.constant 1.000000e+00 : f32
    %logistic3A_2291 = vector.broadcast %logistic3A_2290 : f32 to vector<64x512xf32>
    %logistic3A_2292 = arith.addf %logistic3A_2291, %logistic3A_2289 : vector<64x512xf32>
    %logistic3A_2293 = arith.divf %logistic3A_2291, %logistic3A_2292 : vector<64x512xf32>
    %slice3A_2294 = vector.extract_strided_slice %add3A_2279 {offsets = [0, 1024], sizes = [64, 512], strides = [1, 1]} : vector<64x2048xf32> to vector<64x512xf32>
    %tanh3A_2295 = math.tanh %slice3A_2294 : vector<64x512xf32>
    %slice3A_2296 = vector.extract_strided_slice %add3A_2279 {offsets = [0, 1536], sizes = [64, 512], strides = [1, 1]} : vector<64x2048xf32> to vector<64x512xf32>
    %logistic3A_2297 = arith.negf %slice3A_2296 : vector<64x512xf32>
    %logistic3A_2298 = math.exp %logistic3A_2297 : vector<64x512xf32>
    %logistic3A_2299 = arith.constant 1.000000e+00 : f32
    %logistic3A_2300 = vector.broadcast %logistic3A_2299 : f32 to vector<64x512xf32>
    %logistic3A_2301 = arith.addf %logistic3A_2300, %logistic3A_2298 : vector<64x512xf32>
    %logistic3A_2302 = arith.divf %logistic3A_2300, %logistic3A_2301 : vector<64x512xf32>
    %mul3A_2303 = arith.mulf %logistic3A_2293, %add3A_2267 : vector<64x512xf32>
    %mul3A_2304 = arith.mulf %logistic3A_2286, %tanh3A_2295 : vector<64x512xf32>
    %add3A_2305 = arith.addf %mul3A_2303, %mul3A_2304 : vector<64x512xf32>
    %tanh3A_2306 = math.tanh %add3A_2305 : vector<64x512xf32>
    %mul3A_2307 = arith.mulf %logistic3A_2302, %tanh3A_2306 : vector<64x512xf32>
    %get3A_2308 = arith.constant 960 : index
    %get3A_2309 = arith.constant 0 : index
    %get3A_2310 = vector.load %arg16[%get3A_2308, %get3A_2309] : memref<1280x2048xf32, #tpu.memory_space<vmem>>, vector<64x2048xf32>
    %convert_element_type3A_2311 = arith.truncf %mul3A_2307 : vector<64x512xf32> to vector<64x512xbf16>
    %get3A_2312 = arith.constant 0 : index
    %get3A_2313 = arith.constant 0 : index
    %get3A_2314 = vector.load %arg11[%get3A_2312, %get3A_2313] : memref<512x2048xbf16, #tpu.memory_space<vmem>>, vector<512x2048xbf16>
    %dot_general3A_2315 = arith.constant dense<0.000000e+00> : vector<64x2048xf32>
    %dot_general3A_2316 = tpu.matmul %convert_element_type3A_2311, %get3A_2314, %dot_general3A_2315 {dimension_numbers = #tpu.dot_dimension_numbers<[1], [0], [0], [1], [0, 0, 1, 1], [], []>, transpose_lhs_hint = false} : vector<64x512xbf16>, vector<512x2048xbf16>, vector<64x2048xf32> -> vector<64x2048xf32>
    %add3A_2317 = arith.addf %get3A_2310, %dot_general3A_2316 : vector<64x2048xf32>
    %slice3A_2318 = vector.extract_strided_slice %add3A_2317 {offsets = [0, 0], sizes = [64, 512], strides = [1, 1]} : vector<64x2048xf32> to vector<64x512xf32>
    %logistic3A_2319 = arith.negf %slice3A_2318 : vector<64x512xf32>
    %logistic3A_2320 = math.exp %logistic3A_2319 : vector<64x512xf32>
    %logistic3A_2321 = arith.constant 1.000000e+00 : f32
    %logistic3A_2322 = vector.broadcast %logistic3A_2321 : f32 to vector<64x512xf32>
    %logistic3A_2323 = arith.addf %logistic3A_2322, %logistic3A_2320 : vector<64x512xf32>
    %logistic3A_2324 = arith.divf %logistic3A_2322, %logistic3A_2323 : vector<64x512xf32>
    %slice3A_2325 = vector.extract_strided_slice %add3A_2317 {offsets = [0, 512], sizes = [64, 512], strides = [1, 1]} : vector<64x2048xf32> to vector<64x512xf32>
    %logistic3A_2326 = arith.negf %slice3A_2325 : vector<64x512xf32>
    %logistic3A_2327 = math.exp %logistic3A_2326 : vector<64x512xf32>
    %logistic3A_2328 = arith.constant 1.000000e+00 : f32
    %logistic3A_2329 = vector.broadcast %logistic3A_2328 : f32 to vector<64x512xf32>
    %logistic3A_2330 = arith.addf %logistic3A_2329, %logistic3A_2327 : vector<64x512xf32>
    %logistic3A_2331 = arith.divf %logistic3A_2329, %logistic3A_2330 : vector<64x512xf32>
    %slice3A_2332 = vector.extract_strided_slice %add3A_2317 {offsets = [0, 1024], sizes = [64, 512], strides = [1, 1]} : vector<64x2048xf32> to vector<64x512xf32>
    %tanh3A_2333 = math.tanh %slice3A_2332 : vector<64x512xf32>
    %slice3A_2334 = vector.extract_strided_slice %add3A_2317 {offsets = [0, 1536], sizes = [64, 512], strides = [1, 1]} : vector<64x2048xf32> to vector<64x512xf32>
    %logistic3A_2335 = arith.negf %slice3A_2334 : vector<64x512xf32>
    %logistic3A_2336 = math.exp %logistic3A_2335 : vector<64x512xf32>
    %logistic3A_2337 = arith.constant 1.000000e+00 : f32
    %logistic3A_2338 = vector.broadcast %logistic3A_2337 : f32 to vector<64x512xf32>
    %logistic3A_2339 = arith.addf %logistic3A_2338, %logistic3A_2336 : vector<64x512xf32>
    %logistic3A_2340 = arith.divf %logistic3A_2338, %logistic3A_2339 : vector<64x512xf32>
    %mul3A_2341 = arith.mulf %logistic3A_2331, %add3A_2305 : vector<64x512xf32>
    %mul3A_2342 = arith.mulf %logistic3A_2324, %tanh3A_2333 : vector<64x512xf32>
    %add3A_2343 = arith.addf %mul3A_2341, %mul3A_2342 : vector<64x512xf32>
    %tanh3A_2344 = math.tanh %add3A_2343 : vector<64x512xf32>
    %mul3A_2345 = arith.mulf %logistic3A_2340, %tanh3A_2344 : vector<64x512xf32>
    %get3A_2346 = arith.constant 1024 : index
    %get3A_2347 = arith.constant 0 : index
    %get3A_2348 = vector.load %arg16[%get3A_2346, %get3A_2347] : memref<1280x2048xf32, #tpu.memory_space<vmem>>, vector<64x2048xf32>
    %convert_element_type3A_2349 = arith.truncf %mul3A_2345 : vector<64x512xf32> to vector<64x512xbf16>
    %get3A_2350 = arith.constant 0 : index
    %get3A_2351 = arith.constant 0 : index
    %get3A_2352 = vector.load %arg11[%get3A_2350, %get3A_2351] : memref<512x2048xbf16, #tpu.memory_space<vmem>>, vector<512x2048xbf16>
    %dot_general3A_2353 = arith.constant dense<0.000000e+00> : vector<64x2048xf32>
    %dot_general3A_2354 = tpu.matmul %convert_element_type3A_2349, %get3A_2352, %dot_general3A_2353 {dimension_numbers = #tpu.dot_dimension_numbers<[1], [0], [0], [1], [0, 0, 1, 1], [], []>, transpose_lhs_hint = false} : vector<64x512xbf16>, vector<512x2048xbf16>, vector<64x2048xf32> -> vector<64x2048xf32>
    %add3A_2355 = arith.addf %get3A_2348, %dot_general3A_2354 : vector<64x2048xf32>
    %slice3A_2356 = vector.extract_strided_slice %add3A_2355 {offsets = [0, 0], sizes = [64, 512], strides = [1, 1]} : vector<64x2048xf32> to vector<64x512xf32>
    %logistic3A_2357 = arith.negf %slice3A_2356 : vector<64x512xf32>
    %logistic3A_2358 = math.exp %logistic3A_2357 : vector<64x512xf32>
    %logistic3A_2359 = arith.constant 1.000000e+00 : f32
    %logistic3A_2360 = vector.broadcast %logistic3A_2359 : f32 to vector<64x512xf32>
    %logistic3A_2361 = arith.addf %logistic3A_2360, %logistic3A_2358 : vector<64x512xf32>
    %logistic3A_2362 = arith.divf %logistic3A_2360, %logistic3A_2361 : vector<64x512xf32>
    %slice3A_2363 = vector.extract_strided_slice %add3A_2355 {offsets = [0, 512], sizes = [64, 512], strides = [1, 1]} : vector<64x2048xf32> to vector<64x512xf32>
    %logistic3A_2364 = arith.negf %slice3A_2363 : vector<64x512xf32>
    %logistic3A_2365 = math.exp %logistic3A_2364 : vector<64x512xf32>
    %logistic3A_2366 = arith.constant 1.000000e+00 : f32
    %logistic3A_2367 = vector.broadcast %logistic3A_2366 : f32 to vector<64x512xf32>
    %logistic3A_2368 = arith.addf %logistic3A_2367, %logistic3A_2365 : vector<64x512xf32>
    %logistic3A_2369 = arith.divf %logistic3A_2367, %logistic3A_2368 : vector<64x512xf32>
    %slice3A_2370 = vector.extract_strided_slice %add3A_2355 {offsets = [0, 1024], sizes = [64, 512], strides = [1, 1]} : vector<64x2048xf32> to vector<64x512xf32>
    %tanh3A_2371 = math.tanh %slice3A_2370 : vector<64x512xf32>
    %slice3A_2372 = vector.extract_strided_slice %add3A_2355 {offsets = [0, 1536], sizes = [64, 512], strides = [1, 1]} : vector<64x2048xf32> to vector<64x512xf32>
    %logistic3A_2373 = arith.negf %slice3A_2372 : vector<64x512xf32>
    %logistic3A_2374 = math.exp %logistic3A_2373 : vector<64x512xf32>
    %logistic3A_2375 = arith.constant 1.000000e+00 : f32
    %logistic3A_2376 = vector.broadcast %logistic3A_2375 : f32 to vector<64x512xf32>
    %logistic3A_2377 = arith.addf %logistic3A_2376, %logistic3A_2374 : vector<64x512xf32>
    %logistic3A_2378 = arith.divf %logistic3A_2376, %logistic3A_2377 : vector<64x512xf32>
    %mul3A_2379 = arith.mulf %logistic3A_2369, %add3A_2343 : vector<64x512xf32>
    %mul3A_2380 = arith.mulf %logistic3A_2362, %tanh3A_2371 : vector<64x512xf32>
    %add3A_2381 = arith.addf %mul3A_2379, %mul3A_2380 : vector<64x512xf32>
    %tanh3A_2382 = math.tanh %add3A_2381 : vector<64x512xf32>
    %mul3A_2383 = arith.mulf %logistic3A_2378, %tanh3A_2382 : vector<64x512xf32>
    %get3A_2384 = arith.constant 1088 : index
    %get3A_2385 = arith.constant 0 : index
    %get3A_2386 = vector.load %arg16[%get3A_2384, %get3A_2385] : memref<1280x2048xf32, #tpu.memory_space<vmem>>, vector<64x2048xf32>
    %convert_element_type3A_2387 = arith.truncf %mul3A_2383 : vector<64x512xf32> to vector<64x512xbf16>
    %get3A_2388 = arith.constant 0 : index
    %get3A_2389 = arith.constant 0 : index
    %get3A_2390 = vector.load %arg11[%get3A_2388, %get3A_2389] : memref<512x2048xbf16, #tpu.memory_space<vmem>>, vector<512x2048xbf16>
    %dot_general3A_2391 = arith.constant dense<0.000000e+00> : vector<64x2048xf32>
    %dot_general3A_2392 = tpu.matmul %convert_element_type3A_2387, %get3A_2390, %dot_general3A_2391 {dimension_numbers = #tpu.dot_dimension_numbers<[1], [0], [0], [1], [0, 0, 1, 1], [], []>, transpose_lhs_hint = false} : vector<64x512xbf16>, vector<512x2048xbf16>, vector<64x2048xf32> -> vector<64x2048xf32>
    %add3A_2393 = arith.addf %get3A_2386, %dot_general3A_2392 : vector<64x2048xf32>
    %slice3A_2394 = vector.extract_strided_slice %add3A_2393 {offsets = [0, 0], sizes = [64, 512], strides = [1, 1]} : vector<64x2048xf32> to vector<64x512xf32>
    %logistic3A_2395 = arith.negf %slice3A_2394 : vector<64x512xf32>
    %logistic3A_2396 = math.exp %logistic3A_2395 : vector<64x512xf32>
    %logistic3A_2397 = arith.constant 1.000000e+00 : f32
    %logistic3A_2398 = vector.broadcast %logistic3A_2397 : f32 to vector<64x512xf32>
    %logistic3A_2399 = arith.addf %logistic3A_2398, %logistic3A_2396 : vector<64x512xf32>
    %logistic3A_2400 = arith.divf %logistic3A_2398, %logistic3A_2399 : vector<64x512xf32>
    %slice3A_2401 = vector.extract_strided_slice %add3A_2393 {offsets = [0, 512], sizes = [64, 512], strides = [1, 1]} : vector<64x2048xf32> to vector<64x512xf32>
    %logistic3A_2402 = arith.negf %slice3A_2401 : vector<64x512xf32>
    %logistic3A_2403 = math.exp %logistic3A_2402 : vector<64x512xf32>
    %logistic3A_2404 = arith.constant 1.000000e+00 : f32
    %logistic3A_2405 = vector.broadcast %logistic3A_2404 : f32 to vector<64x512xf32>
    %logistic3A_2406 = arith.addf %logistic3A_2405, %logistic3A_2403 : vector<64x512xf32>
    %logistic3A_2407 = arith.divf %logistic3A_2405, %logistic3A_2406 : vector<64x512xf32>
    %slice3A_2408 = vector.extract_strided_slice %add3A_2393 {offsets = [0, 1024], sizes = [64, 512], strides = [1, 1]} : vector<64x2048xf32> to vector<64x512xf32>
    %tanh3A_2409 = math.tanh %slice3A_2408 : vector<64x512xf32>
    %slice3A_2410 = vector.extract_strided_slice %add3A_2393 {offsets = [0, 1536], sizes = [64, 512], strides = [1, 1]} : vector<64x2048xf32> to vector<64x512xf32>
    %logistic3A_2411 = arith.negf %slice3A_2410 : vector<64x512xf32>
    %logistic3A_2412 = math.exp %logistic3A_2411 : vector<64x512xf32>
    %logistic3A_2413 = arith.constant 1.000000e+00 : f32
    %logistic3A_2414 = vector.broadcast %logistic3A_2413 : f32 to vector<64x512xf32>
    %logistic3A_2415 = arith.addf %logistic3A_2414, %logistic3A_2412 : vector<64x512xf32>
    %logistic3A_2416 = arith.divf %logistic3A_2414, %logistic3A_2415 : vector<64x512xf32>
    %mul3A_2417 = arith.mulf %logistic3A_2407, %add3A_2381 : vector<64x512xf32>
    %mul3A_2418 = arith.mulf %logistic3A_2400, %tanh3A_2409 : vector<64x512xf32>
    %add3A_2419 = arith.addf %mul3A_2417, %mul3A_2418 : vector<64x512xf32>
    %tanh3A_2420 = math.tanh %add3A_2419 : vector<64x512xf32>
    %mul3A_2421 = arith.mulf %logistic3A_2416, %tanh3A_2420 : vector<64x512xf32>
    %get3A_2422 = arith.constant 1152 : index
    %get3A_2423 = arith.constant 0 : index
    %get3A_2424 = vector.load %arg16[%get3A_2422, %get3A_2423] : memref<1280x2048xf32, #tpu.memory_space<vmem>>, vector<64x2048xf32>
    %convert_element_type3A_2425 = arith.truncf %mul3A_2421 : vector<64x512xf32> to vector<64x512xbf16>
    %get3A_2426 = arith.constant 0 : index
    %get3A_2427 = arith.constant 0 : index
    %get3A_2428 = vector.load %arg11[%get3A_2426, %get3A_2427] : memref<512x2048xbf16, #tpu.memory_space<vmem>>, vector<512x2048xbf16>
    %dot_general3A_2429 = arith.constant dense<0.000000e+00> : vector<64x2048xf32>
    %dot_general3A_2430 = tpu.matmul %convert_element_type3A_2425, %get3A_2428, %dot_general3A_2429 {dimension_numbers = #tpu.dot_dimension_numbers<[1], [0], [0], [1], [0, 0, 1, 1], [], []>, transpose_lhs_hint = false} : vector<64x512xbf16>, vector<512x2048xbf16>, vector<64x2048xf32> -> vector<64x2048xf32>
    %add3A_2431 = arith.addf %get3A_2424, %dot_general3A_2430 : vector<64x2048xf32>
    %slice3A_2432 = vector.extract_strided_slice %add3A_2431 {offsets = [0, 0], sizes = [64, 512], strides = [1, 1]} : vector<64x2048xf32> to vector<64x512xf32>
    %logistic3A_2433 = arith.negf %slice3A_2432 : vector<64x512xf32>
    %logistic3A_2434 = math.exp %logistic3A_2433 : vector<64x512xf32>
    %logistic3A_2435 = arith.constant 1.000000e+00 : f32
    %logistic3A_2436 = vector.broadcast %logistic3A_2435 : f32 to vector<64x512xf32>
    %logistic3A_2437 = arith.addf %logistic3A_2436, %logistic3A_2434 : vector<64x512xf32>
    %logistic3A_2438 = arith.divf %logistic3A_2436, %logistic3A_2437 : vector<64x512xf32>
    %slice3A_2439 = vector.extract_strided_slice %add3A_2431 {offsets = [0, 512], sizes = [64, 512], strides = [1, 1]} : vector<64x2048xf32> to vector<64x512xf32>
    %logistic3A_2440 = arith.negf %slice3A_2439 : vector<64x512xf32>
    %logistic3A_2441 = math.exp %logistic3A_2440 : vector<64x512xf32>
    %logistic3A_2442 = arith.constant 1.000000e+00 : f32
    %logistic3A_2443 = vector.broadcast %logistic3A_2442 : f32 to vector<64x512xf32>
    %logistic3A_2444 = arith.addf %logistic3A_2443, %logistic3A_2441 : vector<64x512xf32>
    %logistic3A_2445 = arith.divf %logistic3A_2443, %logistic3A_2444 : vector<64x512xf32>
    %slice3A_2446 = vector.extract_strided_slice %add3A_2431 {offsets = [0, 1024], sizes = [64, 512], strides = [1, 1]} : vector<64x2048xf32> to vector<64x512xf32>
    %tanh3A_2447 = math.tanh %slice3A_2446 : vector<64x512xf32>
    %slice3A_2448 = vector.extract_strided_slice %add3A_2431 {offsets = [0, 1536], sizes = [64, 512], strides = [1, 1]} : vector<64x2048xf32> to vector<64x512xf32>
    %logistic3A_2449 = arith.negf %slice3A_2448 : vector<64x512xf32>
    %logistic3A_2450 = math.exp %logistic3A_2449 : vector<64x512xf32>
    %logistic3A_2451 = arith.constant 1.000000e+00 : f32
    %logistic3A_2452 = vector.broadcast %logistic3A_2451 : f32 to vector<64x512xf32>
    %logistic3A_2453 = arith.addf %logistic3A_2452, %logistic3A_2450 : vector<64x512xf32>
    %logistic3A_2454 = arith.divf %logistic3A_2452, %logistic3A_2453 : vector<64x512xf32>
    %mul3A_2455 = arith.mulf %logistic3A_2445, %add3A_2419 : vector<64x512xf32>
    %mul3A_2456 = arith.mulf %logistic3A_2438, %tanh3A_2447 : vector<64x512xf32>
    %add3A_2457 = arith.addf %mul3A_2455, %mul3A_2456 : vector<64x512xf32>
    %tanh3A_2458 = math.tanh %add3A_2457 : vector<64x512xf32>
    %mul3A_2459 = arith.mulf %logistic3A_2454, %tanh3A_2458 : vector<64x512xf32>
    %get3A_2460 = arith.constant 1216 : index
    %get3A_2461 = arith.constant 0 : index
    %get3A_2462 = vector.load %arg16[%get3A_2460, %get3A_2461] : memref<1280x2048xf32, #tpu.memory_space<vmem>>, vector<64x2048xf32>
    %convert_element_type3A_2463 = arith.truncf %mul3A_2459 : vector<64x512xf32> to vector<64x512xbf16>
    %get3A_2464 = arith.constant 0 : index
    %get3A_2465 = arith.constant 0 : index
    %get3A_2466 = vector.load %arg11[%get3A_2464, %get3A_2465] : memref<512x2048xbf16, #tpu.memory_space<vmem>>, vector<512x2048xbf16>
    %dot_general3A_2467 = arith.constant dense<0.000000e+00> : vector<64x2048xf32>
    %dot_general3A_2468 = tpu.matmul %convert_element_type3A_2463, %get3A_2466, %dot_general3A_2467 {dimension_numbers = #tpu.dot_dimension_numbers<[1], [0], [0], [1], [0, 0, 1, 1], [], []>, transpose_lhs_hint = false} : vector<64x512xbf16>, vector<512x2048xbf16>, vector<64x2048xf32> -> vector<64x2048xf32>
    %add3A_2469 = arith.addf %get3A_2462, %dot_general3A_2468 : vector<64x2048xf32>
    %slice3A_2470 = vector.extract_strided_slice %add3A_2469 {offsets = [0, 0], sizes = [64, 512], strides = [1, 1]} : vector<64x2048xf32> to vector<64x512xf32>
    %logistic3A_2471 = arith.negf %slice3A_2470 : vector<64x512xf32>
    %logistic3A_2472 = math.exp %logistic3A_2471 : vector<64x512xf32>
    %logistic3A_2473 = arith.constant 1.000000e+00 : f32
    %logistic3A_2474 = vector.broadcast %logistic3A_2473 : f32 to vector<64x512xf32>
    %logistic3A_2475 = arith.addf %logistic3A_2474, %logistic3A_2472 : vector<64x512xf32>
    %logistic3A_2476 = arith.divf %logistic3A_2474, %logistic3A_2475 : vector<64x512xf32>
    %slice3A_2477 = vector.extract_strided_slice %add3A_2469 {offsets = [0, 512], sizes = [64, 512], strides = [1, 1]} : vector<64x2048xf32> to vector<64x512xf32>
    %logistic3A_2478 = arith.negf %slice3A_2477 : vector<64x512xf32>
    %logistic3A_2479 = math.exp %logistic3A_2478 : vector<64x512xf32>
    %logistic3A_2480 = arith.constant 1.000000e+00 : f32
    %logistic3A_2481 = vector.broadcast %logistic3A_2480 : f32 to vector<64x512xf32>
    %logistic3A_2482 = arith.addf %logistic3A_2481, %logistic3A_2479 : vector<64x512xf32>
    %logistic3A_2483 = arith.divf %logistic3A_2481, %logistic3A_2482 : vector<64x512xf32>
    %slice3A_2484 = vector.extract_strided_slice %add3A_2469 {offsets = [0, 1024], sizes = [64, 512], strides = [1, 1]} : vector<64x2048xf32> to vector<64x512xf32>
    %tanh3A_2485 = math.tanh %slice3A_2484 : vector<64x512xf32>
    %slice3A_2486 = vector.extract_strided_slice %add3A_2469 {offsets = [0, 1536], sizes = [64, 512], strides = [1, 1]} : vector<64x2048xf32> to vector<64x512xf32>
    %logistic3A_2487 = arith.negf %slice3A_2486 : vector<64x512xf32>
    %logistic3A_2488 = math.exp %logistic3A_2487 : vector<64x512xf32>
    %logistic3A_2489 = arith.constant 1.000000e+00 : f32
    %logistic3A_2490 = vector.broadcast %logistic3A_2489 : f32 to vector<64x512xf32>
    %logistic3A_2491 = arith.addf %logistic3A_2490, %logistic3A_2488 : vector<64x512xf32>
    %logistic3A_2492 = arith.divf %logistic3A_2490, %logistic3A_2491 : vector<64x512xf32>
    %mul3A_2493 = arith.mulf %logistic3A_2483, %add3A_2457 : vector<64x512xf32>
    %mul3A_2494 = arith.mulf %logistic3A_2476, %tanh3A_2485 : vector<64x512xf32>
    %add3A_2495 = arith.addf %mul3A_2493, %mul3A_2494 : vector<64x512xf32>
    %tanh3A_2496 = math.tanh %add3A_2495 : vector<64x512xf32>
    %mul3A_2497 = arith.mulf %logistic3A_2492, %tanh3A_2496 : vector<64x512xf32>
    %swap3A_2498 = arith.constant 2 : index
    %swap3A_2499 = arith.constant 0 : index
    %swap3A_2500 = arith.constant 0 : index
    %swap3A_2501 = vector.load %arg13[%swap3A_2498, %swap3A_2499, %swap3A_2500] : memref<3x64x512xf32, #tpu.memory_space<vmem>>, vector<1x64x512xf32>
    %swap3A_2502 = vector.shape_cast %swap3A_2501 : vector<1x64x512xf32> to vector<64x512xf32>
    %swap3A_2503 = vector.shape_cast %mul3A_2497 : vector<64x512xf32> to vector<1x64x512xf32>
    tpu.vector_store %arg13[%swap3A_2498, %swap3A_2499, %swap3A_2500], %swap3A_2503 {strides = array<i32>} : memref<3x64x512xf32, #tpu.memory_space<vmem>>, vector<1x64x512xf32>,
    %swap3A_2504 = arith.constant 2 : index
    %swap3A_2505 = arith.constant 0 : index
    %swap3A_2506 = arith.constant 0 : index
    %swap3A_2507 = vector.load %arg14[%swap3A_2504, %swap3A_2505, %swap3A_2506] : memref<3x64x512xf32, #tpu.memory_space<vmem>>, vector<1x64x512xf32>
    %swap3A_2508 = vector.shape_cast %swap3A_2507 : vector<1x64x512xf32> to vector<64x512xf32>
    %swap3A_2509 = vector.shape_cast %add3A_2495 : vector<64x512xf32> to vector<1x64x512xf32>
    tpu.vector_store %arg14[%swap3A_2504, %swap3A_2505, %swap3A_2506], %swap3A_2509 {strides = array<i32>} : memref<3x64x512xf32, #tpu.memory_space<vmem>>, vector<1x64x512xf32>,
    return
  }
}

</mosaic_0001>

<sc_bundles>
// kernel: kernel.4.cloned.1.call-start
scs
__scs_entry_jumppad:
0x0: {  	(pc) =	sbr.rel $0x88, $3  }
0x1: {  	(tag) =	ssettag $0x0;
	lr =	simm.s32 $0x1  }
0x2: {  	[smem:$0x3F91] =	sst lr;
	_ =	strace $0xD0000000  }
0x3: {  	_ = 	snop  }
0x4: {  	_ = 	snop  }
0x5: {  	_ = 	snop  }
0x6: {  	_ = 	snop  }
0x7: {  	_ = 	snop  }
__scs_overlays_trampoline_lowered:
0x8: {  	[smem:$0x3FA0] =	sst s0  }
0x9: {  	[smem:$0x3FA1] =	sst s1  }
0xa: {  	[smem:$0x3FA2] =	sst s2  }
0xb: {  	[smem:$0x3FA3] =	sst s3  }
0xc: {  	[smem:$0x3FA4] =	sst s4  }
0xd: {  	[smem:$0x3FA5] =	sst s5  }
0xe: {  	[smem:$0x3FA6] =	sst s6  }
0xf: {  	[smem:$0x3FA7] =	sst s7  }
0x10: {  	[smem:$0x3FA8] =	sst s8  }
0x11: {  	[smem:$0x3FA9] =	sst s9;
	s0 =	simm.s32 @!p0 $0x0  }
0x12: {  	s1 =	sld [smem:$0x3F8F];
	s0 =	simm.s32 @p0 $0x1  }
0x13: {  	[smem:$0x3FAA] =	sst s0;
	s0 =	simm.s32 @!p1 $0x0  }
0x14: {  	s2 =	sld [smem:$0x3F8E];
	s0 =	simm.s32 @p1 $0x1  }
0x15: {  	[smem:$0x3FAB] =	sst s0;
	s0 =	simm.s32 @!p2 $0x0  }
0x16: {  	s3 =	sld [smem:$0x3FDB];
	s0 =	simm.s32 @p2 $0x1  }
0x17: {  	s4 =	simm.s32 $0x1BF5;
	[smem:$0x3FAD] =	sst s0  }
0x18: {  	s0 =	sld [smem:$0x3F90];
	_ =	swait.ge [sflag:s4], $0x0  }
0x19: {  	s7 =	sld [smem:$0x3F91]  }
0x1a: {  	s8 =	sadd.s32 $0xFFFFE003, lr  }
0x1b: {  	s9 =	sadd.s32 $0xFFFFFEF7, lr;
	s5 =	simm.s32 $0xFFFFFFFF;
	p2 =	slt.u32 s8, $0xFFFFF086  }
0x1c: {  	p1 =	slt.u32 s9, $0xF7A;
	s5 =	simm.s32 @!p2 $0x0  }
0x1d: {  	s5 =	simm.s32 @p1 $0x1;
	p0 =	seq.s32 s7, s2  }
0x1e: {  	s7 =	smul.u32 @!p0 $0xF7A, s2;
	p2 =	seq.s32 @!p0 s5, $0x0  }
0x1f: {  	s9 =	smul.u32 $0xF7A, s1;
	s8 =	simm.s32 @!p0 $0x1BF5;
	p2 =	por !p2, p0  }
0x20: {  	[sflag:s8] =	ssyncset.s32 @!p0 $0xFFFFF086;
	s6 =	sadd.s32 @!p0 s3, s7;
	s7 =	simm.s32 @!p0 $0x108  }
0x21: {  	s3 =	sadd.s32 s3, s9;
	s6 =	sadd.s32 @!p0 $0x88, s6;
	s7 =	simm.s32 @p2 $0x1082  }
0x22: {  	[simem:s7], [sflag:s8] =	dma.local @!p0 [hbm:s6], $0xF7A  }
0x23: {  	s9 =	sor.u32 $0xD0000000, s2;
	s6 =	simm.s32 $0x108;
	_ =	swait.ge @!p0 [sflag:s8], $0x0  }
0x24: {  	s3 =	sadd.s32 $0x88, s3;
	s6 =	simm.s32 @!p1 $0x1082;
	[sflag:s4] =	ssyncset.s32 $0xFFFFF086  }
0x25: {  	[simem:s6], [sflag:s4] =	dma.local [hbm:s3], $0xF7A  }
0x26: {  	[smem:$0x3F91] =	sst s1;
	(tag) =	ssettag s2;
	_ =	strace s9  }
0x27: {  	s1 =	sld [smem:$0x3FA1]  }
0x28: {  	s2 =	sld [smem:$0x3FA2]  }
0x29: {  	s4 =	sld [smem:$0x3FA4]  }
0x2a: {  	p0 =	seq.s32 s5, $0x0;
	s5 =	sld [smem:$0x3FA5]  }
0x2b: {  	s6 =	sld [smem:$0x3FA6]  }
0x2c: {  	s7 =	sld [smem:$0x3FA7]  }
0x2d: {  	s3 =	simm.s32 $0x108;
	s8 =	sld [smem:$0x3FA8]  }
0x2e: {  	s3 =	simm.s32 @!p0 $0x1082;
	s9 =	sld [smem:$0x3FA9]  }
0x2f: {  	lr =	sadd.s32 s0, s3;
	s0 =	sld [smem:$0x3FA0]  }
0x30: {  	s3 =	sld [smem:$0x3FA3]  }
0x31: {  	[smem:$0x3FAC] =	sst s10  }
0x32: {  	s10 =	sld [smem:$0x3FAA];
	_ =	sdelay $0x3  }
0x33: {  	p0 =	seq.s32 s10, $0x1;
	s10 =	sld [smem:$0x3FAC];
	_ =	sdelay $0x3  }
0x34: {  	[smem:$0x3FAC] =	sst s10  }
0x35: {  	s10 =	sld [smem:$0x3FAB];
	_ =	sdelay $0x3  }
0x36: {  	p1 =	seq.s32 s10, $0x1;
	s10 =	sld [smem:$0x3FAC];
	_ =	sdelay $0x3  }
0x37: {  	[smem:$0x3FAC] =	sst s10  }
0x38: {  	s10 =	sld [smem:$0x3FAD]  }
0x39: {  	_ = 	snop;
	(pc) =	sbr.ind lr, $3  }
0x3a: {  	_ = 	snop  }
0x3b: {  	_ = 	snop  }
0x3c: {  	p2 =	seq.s32 s10, $0x1;
	s10 =	sld [smem:$0x3FAC]  }
0x3d: {  	_ =	shalt  }
0x3e: {  	_ =	shalt  }
0x3f: {  	_ =	shalt  }
0x40: {  	_ =	shalt  }
0x41: {  	_ =	shalt  }
0x42: {  	_ =	shalt  }
0x43: {  	_ =	shalt  }
0x44: {  	_ =	shalt  }
0x45: {  	_ =	shalt  }
0x46: {  	_ =	shalt  }
0x47: {  	_ =	shalt  }
0x48: {  	_ =	shalt  }
0x49: {  	_ =	shalt  }
0x4a: {  	_ =	shalt  }
0x4b: {  	_ =	shalt  }
0x4c: {  	_ =	shalt  }
0x4d: {  	_ =	shalt  }
0x4e: {  	_ =	shalt  }
0x4f: {  	_ =	shalt  }
0x50: {  	_ =	shalt  }
0x51: {  	_ =	shalt  }
0x52: {  	_ =	shalt  }
0x53: {  	_ =	shalt  }
0x54: {  	_ =	shalt  }
0x55: {  	_ =	shalt  }
0x56: {  	_ =	shalt  }
0x57: {  	_ =	shalt  }
0x58: {  	_ =	shalt  }
0x59: {  	_ =	shalt  }
0x5a: {  	_ =	shalt  }
0x5b: {  	_ =	shalt  }
0x5c: {  	_ =	shalt  }
0x5d: {  	_ =	shalt  }
0x5e: {  	_ =	shalt  }
0x5f: {  	_ =	shalt  }
0x60: {  	_ =	shalt  }
0x61: {  	_ =	shalt  }
0x62: {  	_ =	shalt  }
0x63: {  	_ =	shalt  }
0x64: {  	_ =	shalt  }
0x65: {  	_ =	shalt  }
0x66: {  	_ =	shalt  }
0x67: {  	_ =	shalt  }
0x68: {  	_ =	shalt  }
0x69: {  	_ =	shalt  }
0x6a: {  	_ =	shalt  }
0x6b: {  	_ =	shalt  }
0x6c: {  	_ =	shalt  }
0x6d: {  	_ =	shalt  }
0x6e: {  	_ =	shalt  }
0x6f: {  	_ =	shalt  }
0x70: {  	_ =	shalt  }
0x71: {  	_ =	shalt  }
0x72: {  	_ =	shalt  }
0x73: {  	_ =	shalt  }
0x74: {  	_ =	shalt  }
0x75: {  	_ =	shalt  }
0x76: {  	_ =	shalt  }
0x77: {  	_ =	shalt  }
0x78: {  	_ =	shalt  }
0x79: {  	_ =	shalt  }
0x7a: {  	_ =	shalt  }
0x7b: {  	_ =	shalt  }
0x7c: {  	_ =	shalt  }
0x7d: {  	_ =	shalt  }
0x7e: {  	_ =	shalt  }
0x7f: {  	_ =	shalt  }
0x80: {  	_ =	shalt  }
0x81: {  	_ =	shalt  }
0x82: {  	_ =	shalt  }
0x83: {  	_ =	shalt  }
0x84: {  	_ =	shalt  }
0x85: {  	_ =	shalt  }
0x86: {  	_ =	shalt  }
0x87: {  	_ =	shalt  }
.Lfunc_end0:
.L_simem_size_0:
called_computation_lowered:
.L_overlay_start_0:
0x88: {  	s2 =	sld [smem:$0x3FD9]  }
0x89: {  	s3 =	sld [smem:$0x3FFE];
	_ =	sdelay $0x1  }
0x8a: {  	s1 =	srdreg.scid  }
0x8b: {  	s0 =	sand.u32 $0x1, s1  }
0x8c: {  	s14 =	sshll.u32 s0, $0xA;
	s2 =	sadd.s32 s3, s2  }
0x8d: {  	s2 =	sadd.s32 s2, s14  }
0x8e: {  	[smem:$0x3FB8] =	sst s2  }
0x8f: {  	_ = 	snop  }
0x90: {  	s2 =	sld [smem:$0x3FD0];
	_ =	sdelay $0x2  }
0x91: {  	s15 =	simm.s32 $0xA;
	s4 =	simm.s32 $0x10  }
0x92: {  	[smem:s4], [sflag:s15] =	dma.local [hbm:s2], $0x1  }
0x93: {  	_ =	swait.eq [sflag:s15], $0x1  }
0x94: {  	[sflag:s15] =	ssyncset.done $0x0  }
0x95: {  	[sflag:s15] =	ssyncadd.s32 $0xFFFFFFFF  }
0x96: {  	s16 =	sld [smem:$0x11];
	(tm) =	ssettm $0x1  }
0x97: {  	s17 =	sld [smem:$0x3FFB];
	_ =	sdelay $0x3  }
0x98: {  	_ =	strace s17  }
0x99: {  	s3 =	sld [smem:$0x3FFC];
	_ =	sdelay $0x3  }
0x9a: {  	_ =	strace s3  }
0x9b: {  	s3 =	sld [smem:$0x3FFD];
	_ =	sdelay $0x3  }
0x9c: {  	_ =	strace s3  }
0x9d: {  	_ =	strace $0x8FFFFFFF  }
0x9e: {  	s18 =	sld [smem:$0x3FDB];
	_ =	sdelay $0x1  }
0x9f: {  	s19 =	simm.s32 $_scs_section_size  }
0xa0: {  	s5 =	simm.s32 $_size__tile_overlayer_lowered;
	s6 =	simm.s32 $_tile_overlayer_lowered  }
0xa1: {  	s22 =	simm.s32 $0x1BFF;
	s21 =	sshll.u32 s6, $0x1;
	s3 =	sadd.s32 s19, s18  }
0xa2: {  	s7 =	simm.s32 $0x0;
	s20 =	sshll.u32 s5, $0x1;
	s5 =	sadd.s32 s21, s3  }
0xa3: {  	[timem:s7], [sflag:s22] =	dma.local [hbm:s5], s20  }
0xa4: {  	_ =	swait.ge [sflag:s22], s20  }
0xa5: {  	s4 =	ssub.s32 $0x0, s20;
	[sflag:s22] =	ssyncset.done $0x0  }
0xa6: {  	[sflag:s22] =	ssyncadd.s32 s4;
	_ =	sdelay $0x1  }
0xa7: {  	s23 =	simm.s32 $0x1B8B  }
0xa8: {  	_ =	swait.ge [sflag:s23], $0x1  }
0xa9: {  	[sflag:s23] =	ssyncset.done $0x0  }
0xaa: {  	s25 =	simm.s32 $0x1B8E;
	s24 =	sld [smem:$0x3FFE];
	[sflag:s23] =	ssyncadd.s32 $0xFFFFFFFF  }
0xab: {  	s26 =	simm.s32 $execute0_lowered;
	[smem:$0x3FD2] =	sst s25  }
0xac: {  	s5 =	sshll.u32 s26, $0x1;
	_ =	strace $0x80000046;
	[dreg:$0x1] =	wrdreg $0xFFFFFFFF  }
0xad: {  	s28 =	simm.s32 $_size_execute0_lowered;
	s3 =	sadd.s32 s3, s5;
	[dreg:$0x0] =	wrdreg $0x0  }
0xae: {  	s5 =	sshll.u32 s28, $0x1;
	[dreg:$0x2] =	wrdreg s3  }
0xaf: {  	[dreg:$0x3] =	wrdreg s5  }
0xb0: {  	[dreg:$0x4] =	wrdreg $0xC0  }
0xb1: {  	_ =	task [dreg:s7], $0x5FFFF  }
0xb2: {  	[dreg:$0x1] =	wrdreg $0xFFFFFFFF  }
0xb3: {  	[dreg:$0x0] =	wrdreg $0x60  }
0xb4: {  	[dreg:$0x2] =	wrdreg s24  }
0xb5: {  	[dreg:$0x3] =	wrdreg s16  }
0xb6: {  	[dreg:$0x4] =	wrdreg $0x9  }
0xb7: {  	_ =	task.clear_ibuf [dreg:s7], $0x5FFFF;
	_ =	strace $0x90000046  }
0xb8: {  	s29 =	simm.s32 $0x9;
	_ =	strace $0x80000048  }
0xb9: {  	_ =	swait.ge [sflag:s29], $0x1  }
0xba: {  	[sflag:s29] =	ssyncadd.s32 $0xFFFFFFFF  }
0xbb: {  	_ =	strace $0x90000048  }
0xbc: {  	_ =	sfence  }
0xbd: {  	s30 =	sld [smem:$0x0];
	_ =	sdelay $0x2  }
0xbe: {  	s31 =	sshll.u32 s1, $0xD;
	s1 =	sshrl.u32 s1, $0x2  }
0xbf: {  	s3 =	sand.u32 $0x4000, s31;
	s1 =	sadd.s32 s1, s30  }
0xc0: {  	s0 =	sor.u32 s3, s0;
	s1 =	sshll.u32 s1, $0x11  }
0xc1: {  	s0 =	sor.u32 s1, s0  }
0xc2: {  	s0 =	sadd.s32 $0x8F2B, s0  }
0xc3: {  	[sflag:s0] =	ssyncadd.remote.s32 $0x1  }
0xc4: {  	_ =	sfence.sel $0xFFFF  }
0xc5: {  	[dreg:$0x0] =	wrdreg $0xFFFFFFFF;
	(pc) =	sbr.abs _section_cstart, $3  }
0xc6: {  	[dreg:$0x1] =	wrdreg $0xFFFFFFFF  }
0xc7: {  	_ =	task.clear_ibuf [dreg:s7], $0x2FFFF;
	_ =	strace $0x9FFFFFFF  }
0xc8: {  	(tm) =	ssettm $0x7FFFFFFF  }
0xc9: {  	_ =	shalt  }
tec
execute0_lowered:
.L_overlay_start_1:
0x0: {  	(tag) =	ssettag $0x1  }
0x1: {  	s1 =	srdreg.scid  }
0x2: {  	s0 =	stileid.u32;
	s8 =	rddreg [dreg:$0x0]  }
0x3: {  	s3 =	rddreg [dreg:$0x1];
	s6 =	sand.u32 $0x1, s1;
	s30 =	sshll.u32 s0, $0x1  }
0x4: {  	s2 =	simm.s32 $0x0;
	s1 =	rddreg [dreg:$0x2];
	s7 =	sor.u32 s6, s30  }
0x5: {  	[smem:$0x7FF] =	sst s2;
	s4 =	smul.u32 $0x5, s7  }
0x6: {  	s5 =	sadd.s32 $0x30F600, s8;
	_ =	strace $0x80000047;
	s10 =	ssub.s32 $0x2, s6  }
0x7: {  	s6 =	simm.s32 $0x28;
	s4 =	sadd.s32 s3, s4;
	s3 =	simm.s32 $0x2  }
0x8: {  	[tilespmem:s2], [sflag:$0x2] =	stream.linear.gather [hbm4b:s4+s2], $0x28, $0x38;
	[tilespmem:$0x3EA8] =	vst v63  }
0x9: {  	s9 =	smul.u32 $0x7D0, s7;
	s11 =	sshrl.u32 s10, $0x1;
	_ =	swait.ge [sflag:s3], $0x28  }
0xa: {  	s7 =	simm.s32 $0x1;
	s31 =	ssub.s32 s10, s11;
	[sflag:s3] =	ssyncset.done $0x0  }
0xb: {  	s8 =	sadd.s32 s9, s8;
	s9 =	smax.u32 s31, $0x1;
	[sflag:s3] =	ssyncadd.s32 $0xFFFFFFD8  }
0xc: {  	[tilespmem:s6], [sflag:$0x1] =	stream.indirect.gather [hbm4b:s5+s6], $0x190, s2, s6, $0xb8;
	[tilespmem:$0x3EA8] =	vst v63  }
0xd: {  	p0 =	sne.s32 s9, $0x1;
	_ =	swait.ge [sflag:s7], $0x3E80  }
.Ltmp0:
0xe: {  	[sflag:s7] =	ssyncset.done $0x0;
	(pc) =	sbr.rel @!p0 .LBB2_2-.Ltmp0, $4  }
0xf: {  	s8 =	sadd.s32 $0x2200, s8;
	[sflag:s7] =	ssyncadd.s32 $0xFFFFC180  }
0x10: {  	[hbm4b:s8+s2] =	stream.linear.scatter [tilespmem:s6], [sflag:$0x2], $0x3E80, $0x38;
	[tilespmem:$0x3EA8] =	vst v63  }
0x11: {  	_ =	swait.ge [sflag:s3], $0x3E80  }
0x12: {  	s9 =	sadd.s32 $0xFFFFFFFF, s9;
	[sflag:s3] =	ssyncset.done $0x0  }
.LBB2_1:
0x13: {  	p0 =	sne.s32 s9, $0x1;
	s9 =	sadd.s32 $0xFFFFFFFF, s9;
	[sflag:s3] =	ssyncadd.s32 $0xFFFFC180  }
0x14: {  	[tilespmem:s2], [sflag:$0x2] =	stream.linear.gather [hbm4b:s4+s2], $0x28, $0x38;
	[tilespmem:$0x3EA8] =	vst v63  }
0x15: {  	_ =	swait.ge [sflag:s3], $0x28  }
0x16: {  	[sflag:s3] =	ssyncset.done $0x0  }
0x17: {  	[sflag:s3] =	ssyncadd.s32 $0xFFFFFFD8  }
0x18: {  	[tilespmem:s6], [sflag:$0x1] =	stream.indirect.gather [hbm4b:s5+s6], $0x190, s2, s6, $0xb8;
	[tilespmem:$0x3EA8] =	vst v63  }
0x19: {  	_ =	swait.ge [sflag:s7], $0x3E80  }
.Ltmp1:
0x1a: {  	[sflag:s7] =	ssyncset.done $0x0;
	(pc) =	sbr.rel @p0 .LBB2_1-.Ltmp1, $4  }
0x1b: {  	[sflag:s7] =	ssyncadd.s32 $0xFFFFC180  }
0x1c: {  	[hbm4b:s8+s2] =	stream.linear.scatter [tilespmem:s6], [sflag:$0x2], $0x3E80, $0x38;
	[tilespmem:$0x3EA8] =	vst v63  }
0x1d: {  	_ =	swait.ge [sflag:s3], $0x3E80  }
0x1e: {  	[sflag:s3] =	ssyncset.done $0x0  }
.LBB2_2:
0x1f: {  	[sflag:s3] =	ssyncadd.s32 $0xFFFFC180  }
0x20: {  	_ =	sfence.sel $0x180000  }
0x21: {  	[bflag:$0x0] =	sbarrier.arrive $0xFFFF  }
0x22: {  	p0 =	sne.s32 s0, $0x0;
	_ =	strace $0x90000047  }
0x23: {  	s0 =	sadd.s32 @!p0 $0x100000, s1;
	[bflag:$0x2] =	sbarrier.arrive $0xFFFF  }
0x24: {  	[sflag:s0] =	ssyncadd.tile.s32 @!p0 $0x1;
	_ =	shalt  }
.Lfunc_end2:
_tile_overlayer_lowered:
.L_overlay_start_2:
0x25: {  	(tag) =	ssettag $0x2  }
0x26: {  	s0 =	rddreg [dreg:$0x0];
	s2 =	stileid.u32  }
0x27: {  	s1 =	rddreg [dreg:$0x1];
	p0 =	sne.s32 s2, $0x0  }
0x28: {  	s3 =	rddreg [dreg:$0x2];
	[bflag:$0x3] =	sbarrier.arrive $0xFFFF;
	s2 =	simm.s32 @!p0 $0x1C02  }
0x29: {  	[timem:s3], [sflag:s2] =	dma.local @!p0 [hbm:s0], s1  }
0x2a: {  	s0 =	simm.s32 @!p0 $0x2  }
0x2b: {  	_ =	swait.ge @!p0 [sflag:s0], s1  }
0x2c: {  	s1 =	ssub.s32 @!p0 $0x0, s1;
	[sflag:s0] =	ssyncset.done @!p0 $0x0  }
0x2d: {  	[sflag:s0] =	ssyncadd.s32 @!p0 s1  }
0x2e: {  	[bflag:$0x3] =	sbarrier.arrive $0xFFFF  }
0x2f: {  	_ =	shalt  }

</sc_bundles>
